<compile_context>
chip_gen: v7x
topology: tpu7x:2x2x1
jax: 0.10.2.dev20260603
libtpu: 0.0.44.dev20260713+nightly
codegen_flags: <defaults>
</compile_context>

<pallas_src>
import functools

import jax
import jax.numpy as jnp
from jax import lax
from jax.experimental import pallas as pl
from jax.experimental.pallas import tpu as pltpu
from jax.experimental.pallas import tpu_sc as plsc

N_NODES = 10000
N_EDGES = 320000
D = 128
HD = D // 2
NC, NS = 2, 16
CHUNK = 128
NCHUNK = N_EDGES // CHUNK
CPT = 156
TAIL = NCHUNK - NS * CPT
ACC_R = 10240
RPT = ACC_R // NS
ZCH = 128
DEGW = 16


@functools.cache
def _mesh():
  return plsc.VectorSubcoreMesh(
      core_axis_name="c", subcore_axis_name="s", num_cores=NC, num_subcores=NS)


def _gather_scatter_loop(h, src_v, dst_v, bufs, gsems, ssems, acc, deg_fn):
  def g(jj, b):
    pltpu.async_copy(h.at[src_v.at[jj]], bufs[b], gsems[b])

  def gwait(jj, b):
    pltpu.make_async_copy(h.at[src_v.at[jj]], bufs[b], gsems[b]).wait()

  def sc(jj, b):
    pltpu.async_copy(bufs[b], acc.at[dst_v.at[jj]], ssems[b], add=True)

  def scwait(jj, b):
    pltpu.make_async_copy(bufs[b], acc.at[dst_v.at[jj]], ssems[b]).wait()

  g(0, 0)
  g(1, 1)
  g(2, 2)
  gwait(0, 0)
  sc(0, 0)
  deg_fn(0, 0, True)
  g(3, 3)
  gwait(1, 1)
  sc(1, 1)
  deg_fn(1, 1, True)

  def body(i, carry):
    jj = 4 * i + 2
    for t in range(4):
      b = (2 + t) % 4
      bn = t % 4
      scwait(jj + t - 2, bn)
      g(jj + t + 2, bn)
      gwait(jj + t, b)
      sc(jj + t, b)
      deg_fn(jj + t, t % 2, False)
    return carry

  lax.fori_loop(0, (CPT - 4) // 4, body, 0)

  for jj in (CPT - 2, CPT - 1):
    gwait(jj, jj % 4)
    sc(jj, jj % 4)
    deg_fn(jj, jj % 2, False)
  for jj in range(CPT - 4, CPT):
    scwait(jj, jj % 4)


def _stage_indices(edges, s, src_v, dst_v, sem):
  pltpu.async_copy(edges.at[0, pl.ds(s * CPT, CPT)], src_v.at[pl.ds(0, CPT)],
                   sem)
  pltpu.async_copy(edges.at[1, pl.ds(s * CPT, CPT)], dst_v.at[pl.ds(0, CPT)],
                   sem)

  @pl.when(s < TAIL)
  def _():
    t = NS * CPT + s
    pltpu.async_copy(edges.at[0, pl.ds(t, 1)], src_v.at[pl.ds(CPT, 1)], sem)
    pltpu.async_copy(edges.at[1, pl.ds(t, 1)], dst_v.at[pl.ds(CPT, 1)], sem)


def _stage_indices_wait(edges, s, src_v, dst_v, sem):
  pltpu.make_async_copy(edges.at[0, pl.ds(s * CPT, CPT)],
                        src_v.at[pl.ds(0, CPT)], sem).wait()
  pltpu.make_async_copy(edges.at[1, pl.ds(s * CPT, CPT)],
                        dst_v.at[pl.ds(0, CPT)], sem).wait()

  @pl.when(s < TAIL)
  def _():
    t = NS * CPT + s
    pltpu.make_async_copy(edges.at[0, pl.ds(t, 1)],
                          src_v.at[pl.ds(CPT, 1)], sem).wait()
    pltpu.make_async_copy(edges.at[1, pl.ds(t, 1)],
                          dst_v.at[pl.ds(CPT, 1)], sem).wait()


def _seg_sum_deg_body(h, edges, z64, z16, ones, outp, degp,
                      src_v, dst_v, b0, b1, b2, b3, ones_v, acc, dacc,
                      g0, g1, g2, g3, s0, s1, s2, s3, dsem):
  c = lax.axis_index("c")
  s = lax.axis_index("s")
  for k in range(RPT // ZCH):
    pltpu.async_copy(z64, acc.at[pl.ds(s * RPT + k * ZCH, ZCH)], g0)
  pltpu.async_copy(z16, dacc.at[pl.ds(s * RPT, RPT)], g1)
  pltpu.async_copy(ones, ones_v, g2)
  _stage_indices(edges, s, src_v, dst_v, g3)
  for k in range(RPT // ZCH):
    pltpu.make_async_copy(z64, acc.at[pl.ds(s * RPT + k * ZCH, ZCH)], g0).wait()
  pltpu.make_async_copy(z16, dacc.at[pl.ds(s * RPT, RPT)], g1).wait()
  pltpu.make_async_copy(ones, ones_v, g2).wait()
  _stage_indices_wait(edges, s, src_v, dst_v, g3)
  plsc.subcore_barrier()
  col = pl.ds(pl.multiple_of(c * HD, HD), HD)
  hv = h.at[pl.ds(pl.multiple_of(c * N_NODES, N_NODES), N_NODES)]

  def deg(jj, par, first):
    @pl.when(c == par)
    def _():
      if not first:
        pltpu.make_async_copy(
            ones_v, dacc.at[dst_v.at[jj - 2]], dsem).wait()
      pltpu.async_copy(ones_v, dacc.at[dst_v.at[jj]], dsem, add=True)

  _gather_scatter_loop(hv, src_v, dst_v, (b0, b1, b2, b3),
                       (g0, g1, g2, g3), (s0, s1, s2, s3), acc, deg)

  @pl.when(c == 0)
  def _():
    pltpu.make_async_copy(ones_v, dacc.at[dst_v.at[CPT - 2]], dsem).wait()

  @pl.when(c == 1)
  def _():
    pltpu.make_async_copy(ones_v, dacc.at[dst_v.at[CPT - 1]], dsem).wait()

  @pl.when(s < TAIL)
  def _():
    pltpu.async_copy(hv.at[src_v.at[CPT]], b0, g0)
    pltpu.make_async_copy(hv.at[src_v.at[CPT]], b0, g0).wait()
    pltpu.async_copy(b0, acc.at[dst_v.at[CPT]], s0, add=True)
    pltpu.make_async_copy(b0, acc.at[dst_v.at[CPT]], s0).wait()

    @pl.when(c == s % 2)
    def _():
      pltpu.async_copy(ones_v, dacc.at[dst_v.at[CPT]], dsem, add=True)
      pltpu.make_async_copy(ones_v, dacc.at[dst_v.at[CPT]], dsem).wait()

  plsc.subcore_barrier()
  for k in range(RPT // ZCH):
    r = s * RPT + k * ZCH
    pltpu.async_copy(acc.at[pl.ds(r, ZCH)], outp.at[pl.ds(r, ZCH), col], s0)
  pltpu.async_copy(dacc.at[pl.ds(s * RPT, RPT)],
                   degp.at[c, pl.ds(s * RPT, RPT)], s1)
  for k in range(RPT // ZCH):
    r = s * RPT + k * ZCH
    pltpu.make_async_copy(
        acc.at[pl.ds(r, ZCH)], outp.at[pl.ds(r, ZCH), col], s0).wait()
  pltpu.make_async_copy(dacc.at[pl.ds(s * RPT, RPT)],
                        degp.at[c, pl.ds(s * RPT, RPT)], s1).wait()


@functools.cache
def _seg_sum_deg():
  return pl.kernel(
      _seg_sum_deg_body,
      out_type=[
          jax.ShapeDtypeStruct((ACC_R, D), jnp.float32),
          jax.ShapeDtypeStruct((NC, ACC_R, DEGW), jnp.float32),
      ],
      mesh=_mesh(),
      compiler_params=pltpu.CompilerParams(use_tc_tiling_on_sc=False),
      scratch_types=[
          pltpu.VMEM((CPT + 1, CHUNK), jnp.int32),
          pltpu.VMEM((CPT + 1, CHUNK), jnp.int32),
          pltpu.VMEM((CHUNK, HD), jnp.float32),
          pltpu.VMEM((CHUNK, HD), jnp.float32),
          pltpu.VMEM((CHUNK, HD), jnp.float32),
          pltpu.VMEM((CHUNK, HD), jnp.float32),
          pltpu.VMEM((CHUNK, DEGW), jnp.float32),
          pltpu.VMEM_SHARED((ACC_R, HD), jnp.float32),
          pltpu.VMEM_SHARED((ACC_R, DEGW), jnp.float32),
      ] + [pltpu.SemaphoreType.DMA] * 9,
  )


def _seg_sum_body(h, edges, z64, outp, src_v, dst_v, b0, b1, b2, b3,
                  acc, g0, g1, g2, g3, s0, s1, s2, s3):
  c = lax.axis_index("c")
  s = lax.axis_index("s")
  for k in range(RPT // ZCH):
    pltpu.async_copy(z64, acc.at[pl.ds(s * RPT + k * ZCH, ZCH)], g0)
  _stage_indices(edges, s, src_v, dst_v, g1)
  for k in range(RPT // ZCH):
    pltpu.make_async_copy(z64, acc.at[pl.ds(s * RPT + k * ZCH, ZCH)], g0).wait()
  _stage_indices_wait(edges, s, src_v, dst_v, g1)
  plsc.subcore_barrier()
  col = pl.ds(pl.multiple_of(c * HD, HD), HD)
  hv = h.at[pl.ds(pl.multiple_of(c * N_NODES, N_NODES), N_NODES)]
  _gather_scatter_loop(hv, src_v, dst_v, (b0, b1, b2, b3),
                       (g0, g1, g2, g3), (s0, s1, s2, s3), acc,
                       lambda jj, par, first: None)

  @pl.when(s < TAIL)
  def _():
    pltpu.async_copy(hv.at[src_v.at[CPT]], b0, g0)
    pltpu.make_async_copy(hv.at[src_v.at[CPT]], b0, g0).wait()
    pltpu.async_copy(b0, acc.at[dst_v.at[CPT]], s0, add=True)
    pltpu.make_async_copy(b0, acc.at[dst_v.at[CPT]], s0).wait()

  plsc.subcore_barrier()
  for k in range(RPT // ZCH):
    r = s * RPT + k * ZCH
    pltpu.async_copy(acc.at[pl.ds(r, ZCH)], outp.at[pl.ds(r, ZCH), col], s0)
  for k in range(RPT // ZCH):
    r = s * RPT + k * ZCH
    pltpu.make_async_copy(
        acc.at[pl.ds(r, ZCH)], outp.at[pl.ds(r, ZCH), col], s0).wait()


@functools.cache
def _seg_sum():
  return pl.kernel(
      _seg_sum_body,
      out_type=jax.ShapeDtypeStruct((ACC_R, D), jnp.float32),
      mesh=_mesh(),
      compiler_params=pltpu.CompilerParams(use_tc_tiling_on_sc=False),
      scratch_types=[
          pltpu.VMEM((CPT + 1, CHUNK), jnp.int32),
          pltpu.VMEM((CPT + 1, CHUNK), jnp.int32),
          pltpu.VMEM((CHUNK, HD), jnp.float32),
          pltpu.VMEM((CHUNK, HD), jnp.float32),
          pltpu.VMEM((CHUNK, HD), jnp.float32),
          pltpu.VMEM((CHUNK, HD), jnp.float32),
          pltpu.VMEM_SHARED((ACC_R, HD), jnp.float32),
      ] + [pltpu.SemaphoreType.DMA] * 8,
  )


def _embed_body(x_ref, w_ref, b_ref, o_ref):
  h = jnp.dot(x_ref[...], w_ref[...], preferred_element_type=jnp.float32)
  h = h + b_ref[...]
  n = jnp.sqrt(jnp.sum(h * h, axis=1, keepdims=True))
  h = h / n
  o_ref[:N_NODES] = h[:, :HD]
  o_ref[N_NODES:] = h[:, HD:]


def _embed(x, w, b):
  return pl.pallas_call(
      _embed_body,
      out_shape=jax.ShapeDtypeStruct((2 * N_NODES, HD), jnp.float32),
  )(x, w, b)


def _mean_from_partials(p_ref, degp_ref):
  deg = degp_ref[0, :N_NODES] + degp_ref[1, :N_NODES]
  deg = jnp.sum(deg, axis=1, keepdims=True)
  deg = jnp.maximum(deg, 1.0)
  return p_ref[:N_NODES] / deg


def _mid_body(p_ref, degp_ref, w_ref, b_ref, o_ref):
  a = _mean_from_partials(p_ref, degp_ref)
  h1 = jnp.dot(a, w_ref[...], preferred_element_type=jnp.float32) + b_ref[...]
  h1 = jnp.maximum(h1, 0.0)
  o_ref[:N_NODES] = h1[:, :HD]
  o_ref[N_NODES:] = h1[:, HD:]


def _mid(p, degp, w, b):
  return pl.pallas_call(
      _mid_body,
      out_shape=jax.ShapeDtypeStruct((2 * N_NODES, HD), jnp.float32),
  )(p, degp, w, b)


def _recon_body(p_ref, degp_ref, x_ref, w_ref, b_ref, o_ref):
  a = _mean_from_partials(p_ref, degp_ref)
  r = jnp.dot(a, w_ref[...], preferred_element_type=jnp.float32) + b_ref[...]
  r = x_ref[...] - r
  o_ref[...] = jnp.sum(r * r, axis=1)


def _recon(p, degp, x, w, b):
  return pl.pallas_call(
      _recon_body,
      out_shape=jax.ShapeDtypeStruct((N_NODES,), jnp.float32),
  )(p, degp, x, w, b)


def kernel(x, edge_index, W_lin, b_lin, W1, b1, W2, b2):
  edges = edge_index.astype(jnp.int32).reshape(2, NCHUNK, CHUNK)
  z64 = jnp.zeros((ZCH, HD), jnp.float32)
  z16 = jnp.zeros((RPT, DEGW), jnp.float32)
  ones = jnp.ones((CHUNK, DEGW), jnp.float32)

  h = _embed(x, W_lin, b_lin.reshape(1, D))
  a1p, degp = _seg_sum_deg()(h, edges, z64, z16, ones)
  h1 = _mid(a1p, degp, W1, b1.reshape(1, D))
  a2p = _seg_sum()(h1, edges, z64)
  return _recon(a2p, degp, x, W2, b2.reshape(1, D))

# --- scband reference (transcript-rebuilt; emitter-appended) ---
"""Pipeline reference for scband-recon-5643587027586 (READ-ONLY COPY).

The authoritative reference and input builder live on the scoring server;
editing this copy changes nothing except your own understanding.
"""

import jax, jax.numpy as jnp
import numpy as np

N_NODES = 10000
N_EDGES = 320000
INPUT_DIM = 128
EMB_DIM = 128


def setup_inputs(seed: int = 0) -> dict:
    key = jax.random.key(seed)
    ks = jax.random.split(key, 9)
    x = jax.random.normal(ks[0], (N_NODES, INPUT_DIM), dtype=jnp.float32)
    edge_index = jax.random.randint(ks[1], (2, N_EDGES), 0, N_NODES, dtype=jnp.int64)
    s = 1.0 / np.sqrt(INPUT_DIM)
    W_lin = jax.random.uniform(ks[2], (INPUT_DIM, EMB_DIM), minval=-s, maxval=s, dtype=jnp.float32)
    b_lin = jax.random.uniform(ks[3], (EMB_DIM,), minval=-s, maxval=s, dtype=jnp.float32)
    s2 = 1.0 / np.sqrt(EMB_DIM)
    W1 = jax.random.uniform(ks[4], (EMB_DIM, EMB_DIM), minval=-s2, maxval=s2, dtype=jnp.float32)
    b1 = jax.random.uniform(ks[5], (EMB_DIM,), minval=-s2, maxval=s2, dtype=jnp.float32)
    W2 = jax.random.uniform(ks[6], (EMB_DIM, INPUT_DIM), minval=-s2, maxval=s2, dtype=jnp.float32)
    b2 = jax.random.uniform(ks[7], (INPUT_DIM,), minval=-s2, maxval=s2, dtype=jnp.float32)
    return {"x": x, "edge_index": edge_index, "W_lin": W_lin, "b_lin": b_lin,
            "W1": W1, "b1": b1, "W2": W2, "b2": b2}


def _gcn_mean_agg(h, src, dst, n_nodes):
    # mean aggregation over incoming edges (scatter-add + degree normalize)
    msgs = jnp.take(h, src, axis=0)
    agg = jax.ops.segment_sum(msgs, dst, num_segments=n_nodes)
    deg = jax.ops.segment_sum(jnp.ones((src.shape[0],), dtype=h.dtype), dst, num_segments=n_nodes)
    deg = jnp.clip(deg, 1.0, None)
    return agg / deg[:, None]


def reference(x, edge_index, W_lin, b_lin, W1, b1, W2, b2):
    src = edge_index[0]
    dst = edge_index[1]
    # h = self.lin(x)
    h = x @ W_lin + b_lin
    # h = h / ||h||
    norm = jnp.sqrt(jnp.sum(h * h, axis=-1)).reshape(-1, 1)
    h = h / norm
    # 2-layer GCN: emb_dim -> emb_dim (relu) -> input_dim
    a1 = _gcn_mean_agg(h, src, dst, x.shape[0])
    h1 = jax.nn.relu(a1 @ W1 + b1)
    a2 = _gcn_mean_agg(h1, src, dst, x.shape[0])
    recon_x = a2 @ W2 + b2
    # reconstruction error per node
    return jnp.sum(jnp.square(x - recon_x), axis=-1)

if __name__ == "__main__":
    import jax
    _d = setup_inputs()
    print(jax.jit(kernel)(*tuple(_d.values())))

</pallas_src>

<mosaic_0001>
#map = affine_map<(d0, d1) -> (0, 0)>
#map1 = affine_map<(d0, d1) -> (0, 0, 0)>
module attributes {stable_mosaic.version = 14 : i64} {
  func.func @_seg_sum_deg_body(%arg0: i32, %arg1: i32, %arg2: memref<20000x64xf32, #tpu.memory_space<hbm>>, %arg3: memref<2x2500x128xi32, #tpu.memory_space<hbm>>, %arg4: memref<128x64xf32, #tpu.memory_space<hbm>>, %arg5: memref<640x16xf32, #tpu.memory_space<hbm>>, %arg6: memref<128x16xf32, #tpu.memory_space<hbm>>, %arg7: memref<10240x128xf32, #tpu.memory_space<hbm>>, %arg8: memref<2x10240x16xf32, #tpu.memory_space<hbm>>, %arg9: memref<157x128xi32, #tpu.memory_space<vmem>>, %arg10: memref<157x128xi32, #tpu.memory_space<vmem>>, %arg11: memref<128x64xf32, #tpu.memory_space<vmem>>, %arg12: memref<128x64xf32, #tpu.memory_space<vmem>>, %arg13: memref<128x64xf32, #tpu.memory_space<vmem>>, %arg14: memref<128x64xf32, #tpu.memory_space<vmem>>, %arg15: memref<128x16xf32, #tpu.memory_space<vmem>>, %arg16: memref<10240x64xf32, #tpu.memory_space<vmem_shared>>, %arg17: memref<10240x16xf32, #tpu.memory_space<vmem_shared>>, %arg18: memref<!tpu.dma_semaphore, #tpu.memory_space<semaphore_mem>>, %arg19: memref<!tpu.dma_semaphore, #tpu.memory_space<semaphore_mem>>, %arg20: memref<!tpu.dma_semaphore, #tpu.memory_space<semaphore_mem>>, %arg21: memref<!tpu.dma_semaphore, #tpu.memory_space<semaphore_mem>>, %arg22: memref<!tpu.dma_semaphore, #tpu.memory_space<semaphore_mem>>, %arg23: memref<!tpu.dma_semaphore, #tpu.memory_space<semaphore_mem>>, %arg24: memref<!tpu.dma_semaphore, #tpu.memory_space<semaphore_mem>>, %arg25: memref<!tpu.dma_semaphore, #tpu.memory_space<semaphore_mem>>, %arg26: memref<!tpu.dma_semaphore, #tpu.memory_space<semaphore_mem>>) attributes {dimension_semantics = [#tpu.dimension_semantics<core_parallel>, #tpu.dimension_semantics<subcore_parallel>], iteration_bounds = array<i64: 2, 16>, scalar_prefetch = 0 : i64, scratch_operands = 18 : i64, tpu.core_type = #tpu.core_type<sc_vector_subcore>, window_params = [{transform_indices = #map}, {transform_indices = #map1}, {transform_indices = #map}, {transform_indices = #map}, {transform_indices = #map}, {transform_indices = #map}, {transform_indices = #map1}]} {
    %mul3A = arith.constant 640 : i32
    %mul3A_0 = arith.muli %arg1, %mul3A : i32
    %add3A = arith.constant 0 : i32
    %add3A_1 = arith.addi %mul3A_0, %add3A : i32
    %dma_start3A = arith.constant 0 : i32
    %dma_start3A_2 = tpu.memref_slice %arg16[%add3A_1, %dma_start3A] : memref<10240x64xf32, #tpu.memory_space<vmem_shared>> -> memref<128x64xf32, #tpu.memory_space<vmem_shared>>
    tpu.enqueue_dma source(%arg4 : memref<128x64xf32, #tpu.memory_space<hbm>>) target(%dma_start3A_2 : memref<128x64xf32, #tpu.memory_space<vmem_shared>>) target_semaphore(%arg18 : memref<!tpu.dma_semaphore, #tpu.memory_space<semaphore_mem>>)
    %mul3A_3 = arith.constant 640 : i32
    %mul3A_4 = arith.muli %arg1, %mul3A_3 : i32
    %add3A_5 = arith.constant 128 : i32
    %add3A_6 = arith.addi %mul3A_4, %add3A_5 : i32
    %dma_start3A_7 = arith.constant 0 : i32
    %dma_start3A_8 = tpu.memref_slice %arg16[%add3A_6, %dma_start3A_7] : memref<10240x64xf32, #tpu.memory_space<vmem_shared>> -> memref<128x64xf32, #tpu.memory_space<vmem_shared>>
    tpu.enqueue_dma source(%arg4 : memref<128x64xf32, #tpu.memory_space<hbm>>) target(%dma_start3A_8 : memref<128x64xf32, #tpu.memory_space<vmem_shared>>) target_semaphore(%arg18 : memref<!tpu.dma_semaphore, #tpu.memory_space<semaphore_mem>>)
    %mul3A_9 = arith.constant 640 : i32
    %mul3A_10 = arith.muli %arg1, %mul3A_9 : i32
    %add3A_11 = arith.constant 256 : i32
    %add3A_12 = arith.addi %mul3A_10, %add3A_11 : i32
    %dma_start3A_13 = arith.constant 0 : i32
    %dma_start3A_14 = tpu.memref_slice %arg16[%add3A_12, %dma_start3A_13] : memref<10240x64xf32, #tpu.memory_space<vmem_shared>> -> memref<128x64xf32, #tpu.memory_space<vmem_shared>>
    tpu.enqueue_dma source(%arg4 : memref<128x64xf32, #tpu.memory_space<hbm>>) target(%dma_start3A_14 : memref<128x64xf32, #tpu.memory_space<vmem_shared>>) target_semaphore(%arg18 : memref<!tpu.dma_semaphore, #tpu.memory_space<semaphore_mem>>)
    %mul3A_15 = arith.constant 640 : i32
    %mul3A_16 = arith.muli %arg1, %mul3A_15 : i32
    %add3A_17 = arith.constant 384 : i32
    %add3A_18 = arith.addi %mul3A_16, %add3A_17 : i32
    %dma_start3A_19 = arith.constant 0 : i32
    %dma_start3A_20 = tpu.memref_slice %arg16[%add3A_18, %dma_start3A_19] : memref<10240x64xf32, #tpu.memory_space<vmem_shared>> -> memref<128x64xf32, #tpu.memory_space<vmem_shared>>
    tpu.enqueue_dma source(%arg4 : memref<128x64xf32, #tpu.memory_space<hbm>>) target(%dma_start3A_20 : memref<128x64xf32, #tpu.memory_space<vmem_shared>>) target_semaphore(%arg18 : memref<!tpu.dma_semaphore, #tpu.memory_space<semaphore_mem>>)
    %mul3A_21 = arith.constant 640 : i32
    %mul3A_22 = arith.muli %arg1, %mul3A_21 : i32
    %add3A_23 = arith.constant 512 : i32
    %add3A_24 = arith.addi %mul3A_22, %add3A_23 : i32
    %dma_start3A_25 = arith.constant 0 : i32
    %dma_start3A_26 = tpu.memref_slice %arg16[%add3A_24, %dma_start3A_25] : memref<10240x64xf32, #tpu.memory_space<vmem_shared>> -> memref<128x64xf32, #tpu.memory_space<vmem_shared>>
    tpu.enqueue_dma source(%arg4 : memref<128x64xf32, #tpu.memory_space<hbm>>) target(%dma_start3A_26 : memref<128x64xf32, #tpu.memory_space<vmem_shared>>) target_semaphore(%arg18 : memref<!tpu.dma_semaphore, #tpu.memory_space<semaphore_mem>>)
    %mul3A_27 = arith.constant 640 : i32
    %mul3A_28 = arith.muli %arg1, %mul3A_27 : i32
    %dma_start3A_29 = arith.constant 0 : i32
    %dma_start3A_30 = tpu.memref_slice %arg17[%mul3A_28, %dma_start3A_29] : memref<10240x16xf32, #tpu.memory_space<vmem_shared>> -> memref<640x16xf32, #tpu.memory_space<vmem_shared>>
    tpu.enqueue_dma source(%arg5 : memref<640x16xf32, #tpu.memory_space<hbm>>) target(%dma_start3A_30 : memref<640x16xf32, #tpu.memory_space<vmem_shared>>) target_semaphore(%arg19 : memref<!tpu.dma_semaphore, #tpu.memory_space<semaphore_mem>>)
    tpu.enqueue_dma source(%arg6 : memref<128x16xf32, #tpu.memory_space<hbm>>) target(%arg15 : memref<128x16xf32, #tpu.memory_space<vmem>>) target_semaphore(%arg20 : memref<!tpu.dma_semaphore, #tpu.memory_space<semaphore_mem>>)
    %mul3A_31 = arith.constant 156 : i32
    %mul3A_32 = arith.muli %arg1, %mul3A_31 : i32
    %dma_start3A_33 = arith.constant 0 : i32
    %dma_start3A_34 = arith.constant 0 : i32
    %dma_start3A_35 = arith.constant 0 : i32
    %dma_start3A_36 = tpu.memref_slice %arg9[%dma_start3A_34, %dma_start3A_35] : memref<157x128xi32, #tpu.memory_space<vmem>> -> memref<156x128xi32, #tpu.memory_space<vmem>>
    %dma_start3A_37 = arith.constant 0 : i32
    %dma_start3A_38 = tpu.memref_slice %arg3[%dma_start3A_33, %mul3A_32, %dma_start3A_37] : memref<2x2500x128xi32, #tpu.memory_space<hbm>> -> memref<1x156x128xi32, #tpu.memory_space<hbm>>
    %dma_start3A_39 = tpu.memref_squeeze %dma_start3A_38 : memref<1x156x128xi32, #tpu.memory_space<hbm>> -> memref<156x128xi32, #tpu.memory_space<hbm>>
    %dma_start3A_40 = arith.constant 0 : i32
    %dma_start3A_41 = arith.constant 0 : i32
    %dma_start3A_42 = tpu.memref_slice %arg9[%dma_start3A_40, %dma_start3A_41] : memref<157x128xi32, #tpu.memory_space<vmem>> -> memref<156x128xi32, #tpu.memory_space<vmem>>
    %dma_start3A_43 = arith.constant 0 : i32
    %dma_start3A_44 = tpu.memref_slice %arg3[%dma_start3A_33, %mul3A_32, %dma_start3A_43] : memref<2x2500x128xi32, #tpu.memory_space<hbm>> -> memref<1x156x128xi32, #tpu.memory_space<hbm>>
    %dma_start3A_45 = tpu.memref_squeeze %dma_start3A_44 : memref<1x156x128xi32, #tpu.memory_space<hbm>> -> memref<156x128xi32, #tpu.memory_space<hbm>>
    tpu.enqueue_dma source(%dma_start3A_45 : memref<156x128xi32, #tpu.memory_space<hbm>>) target(%dma_start3A_42 : memref<156x128xi32, #tpu.memory_space<vmem>>) target_semaphore(%arg21 : memref<!tpu.dma_semaphore, #tpu.memory_space<semaphore_mem>>)
    %mul3A_46 = arith.constant 156 : i32
    %mul3A_47 = arith.muli %arg1, %mul3A_46 : i32
    %dma_start3A_48 = arith.constant 1 : i32
    %dma_start3A_49 = arith.constant 0 : i32
    %dma_start3A_50 = arith.constant 0 : i32
    %dma_start3A_51 = tpu.memref_slice %arg10[%dma_start3A_49, %dma_start3A_50] : memref<157x128xi32, #tpu.memory_space<vmem>> -> memref<156x128xi32, #tpu.memory_space<vmem>>
    %dma_start3A_52 = arith.constant 0 : i32
    %dma_start3A_53 = tpu.memref_slice %arg3[%dma_start3A_48, %mul3A_47, %dma_start3A_52] : memref<2x2500x128xi32, #tpu.memory_space<hbm>> -> memref<1x156x128xi32, #tpu.memory_space<hbm>>
    %dma_start3A_54 = tpu.memref_squeeze %dma_start3A_53 : memref<1x156x128xi32, #tpu.memory_space<hbm>> -> memref<156x128xi32, #tpu.memory_space<hbm>>
    %dma_start3A_55 = arith.constant 0 : i32
    %dma_start3A_56 = arith.constant 0 : i32
    %dma_start3A_57 = tpu.memref_slice %arg10[%dma_start3A_55, %dma_start3A_56] : memref<157x128xi32, #tpu.memory_space<vmem>> -> memref<156x128xi32, #tpu.memory_space<vmem>>
    %dma_start3A_58 = arith.constant 0 : i32
    %dma_start3A_59 = tpu.memref_slice %arg3[%dma_start3A_48, %mul3A_47, %dma_start3A_58] : memref<2x2500x128xi32, #tpu.memory_space<hbm>> -> memref<1x156x128xi32, #tpu.memory_space<hbm>>
    %dma_start3A_60 = tpu.memref_squeeze %dma_start3A_59 : memref<1x156x128xi32, #tpu.memory_space<hbm>> -> memref<156x128xi32, #tpu.memory_space<hbm>>
    tpu.enqueue_dma source(%dma_start3A_60 : memref<156x128xi32, #tpu.memory_space<hbm>>) target(%dma_start3A_57 : memref<156x128xi32, #tpu.memory_space<vmem>>) target_semaphore(%arg21 : memref<!tpu.dma_semaphore, #tpu.memory_space<semaphore_mem>>)
    %lt3A = arith.constant 4 : i32
    %lt3A_61 = arith.cmpi slt, %arg1, %lt3A : i32
    %convert_element_type3A = arith.extui %lt3A_61 : i1 to i32
    %cond3A = arith.constant 0 : i32
    %cond3A_62 = arith.cmpi ne, %convert_element_type3A, %cond3A : i32
    scf.if %cond3A_62 {
      %add3A_392 = arith.constant 2496 : i32
      %add3A_393 = arith.addi %add3A_392, %arg1 : i32
      %dma_start3A_394 = arith.constant 0 : i32
      %dma_start3A_395 = arith.constant 156 : i32
      %dma_start3A_396 = arith.constant 0 : i32
      %dma_start3A_397 = tpu.memref_slice %arg9[%dma_start3A_395, %dma_start3A_396] : memref<157x128xi32, #tpu.memory_space<vmem>> -> memref<1x128xi32, #tpu.memory_space<vmem>>
      %dma_start3A_398 = arith.constant 0 : i32
      %dma_start3A_399 = tpu.memref_slice %arg3[%dma_start3A_394, %add3A_393, %dma_start3A_398] : memref<2x2500x128xi32, #tpu.memory_space<hbm>> -> memref<1x1x128xi32, #tpu.memory_space<hbm>>
      %dma_start3A_400 = tpu.memref_squeeze %dma_start3A_399 : memref<1x1x128xi32, #tpu.memory_space<hbm>> -> memref<1x128xi32, #tpu.memory_space<hbm>>
      %dma_start3A_401 = arith.constant 156 : i32
      %dma_start3A_402 = arith.constant 0 : i32
      %dma_start3A_403 = tpu.memref_slice %arg9[%dma_start3A_401, %dma_start3A_402] : memref<157x128xi32, #tpu.memory_space<vmem>> -> memref<1x128xi32, #tpu.memory_space<vmem>>
      %dma_start3A_404 = arith.constant 0 : i32
      %dma_start3A_405 = tpu.memref_slice %arg3[%dma_start3A_394, %add3A_393, %dma_start3A_404] : memref<2x2500x128xi32, #tpu.memory_space<hbm>> -> memref<1x1x128xi32, #tpu.memory_space<hbm>>
      %dma_start3A_406 = tpu.memref_squeeze %dma_start3A_405 : memref<1x1x128xi32, #tpu.memory_space<hbm>> -> memref<1x128xi32, #tpu.memory_space<hbm>>
      tpu.enqueue_dma source(%dma_start3A_406 : memref<1x128xi32, #tpu.memory_space<hbm>>) target(%dma_start3A_403 : memref<1x128xi32, #tpu.memory_space<vmem>>) target_semaphore(%arg21 : memref<!tpu.dma_semaphore, #tpu.memory_space<semaphore_mem>>)
      %dma_start3A_407 = arith.constant 1 : i32
      %dma_start3A_408 = arith.constant 156 : i32
      %dma_start3A_409 = arith.constant 0 : i32
      %dma_start3A_410 = tpu.memref_slice %arg10[%dma_start3A_408, %dma_start3A_409] : memref<157x128xi32, #tpu.memory_space<vmem>> -> memref<1x128xi32, #tpu.memory_space<vmem>>
      %dma_start3A_411 = arith.constant 0 : i32
      %dma_start3A_412 = tpu.memref_slice %arg3[%dma_start3A_407, %add3A_393, %dma_start3A_411] : memref<2x2500x128xi32, #tpu.memory_space<hbm>> -> memref<1x1x128xi32, #tpu.memory_space<hbm>>
      %dma_start3A_413 = tpu.memref_squeeze %dma_start3A_412 : memref<1x1x128xi32, #tpu.memory_space<hbm>> -> memref<1x128xi32, #tpu.memory_space<hbm>>
      %dma_start3A_414 = arith.constant 156 : i32
      %dma_start3A_415 = arith.constant 0 : i32
      %dma_start3A_416 = tpu.memref_slice %arg10[%dma_start3A_414, %dma_start3A_415] : memref<157x128xi32, #tpu.memory_space<vmem>> -> memref<1x128xi32, #tpu.memory_space<vmem>>
      %dma_start3A_417 = arith.constant 0 : i32
      %dma_start3A_418 = tpu.memref_slice %arg3[%dma_start3A_407, %add3A_393, %dma_start3A_417] : memref<2x2500x128xi32, #tpu.memory_space<hbm>> -> memref<1x1x128xi32, #tpu.memory_space<hbm>>
      %dma_start3A_419 = tpu.memref_squeeze %dma_start3A_418 : memref<1x1x128xi32, #tpu.memory_space<hbm>> -> memref<1x128xi32, #tpu.memory_space<hbm>>
      tpu.enqueue_dma source(%dma_start3A_419 : memref<1x128xi32, #tpu.memory_space<hbm>>) target(%dma_start3A_416 : memref<1x128xi32, #tpu.memory_space<vmem>>) target_semaphore(%arg21 : memref<!tpu.dma_semaphore, #tpu.memory_space<semaphore_mem>>)
    } else {
    }
    %mul3A_63 = arith.constant 640 : i32
    %mul3A_64 = arith.muli %arg1, %mul3A_63 : i32
    %add3A_65 = arith.constant 0 : i32
    %add3A_66 = arith.addi %mul3A_64, %add3A_65 : i32
    %dma_wait3A = arith.constant 0 : i32
    %dma_wait3A_67 = tpu.memref_slice %arg16[%add3A_66, %dma_wait3A] : memref<10240x64xf32, #tpu.memory_space<vmem_shared>> -> memref<128x64xf32, #tpu.memory_space<vmem_shared>>
    tpu.wait_dma2 semaphore(%arg18 : memref<!tpu.dma_semaphore, #tpu.memory_space<semaphore_mem>>) src(%arg4 : memref<128x64xf32, #tpu.memory_space<hbm>>) dst(%dma_wait3A_67 : memref<128x64xf32, #tpu.memory_space<vmem_shared>>)
    %mul3A_68 = arith.constant 640 : i32
    %mul3A_69 = arith.muli %arg1, %mul3A_68 : i32
    %add3A_70 = arith.constant 128 : i32
    %add3A_71 = arith.addi %mul3A_69, %add3A_70 : i32
    %dma_wait3A_72 = arith.constant 0 : i32
    %dma_wait3A_73 = tpu.memref_slice %arg16[%add3A_71, %dma_wait3A_72] : memref<10240x64xf32, #tpu.memory_space<vmem_shared>> -> memref<128x64xf32, #tpu.memory_space<vmem_shared>>
    tpu.wait_dma2 semaphore(%arg18 : memref<!tpu.dma_semaphore, #tpu.memory_space<semaphore_mem>>) src(%arg4 : memref<128x64xf32, #tpu.memory_space<hbm>>) dst(%dma_wait3A_73 : memref<128x64xf32, #tpu.memory_space<vmem_shared>>)
    %mul3A_74 = arith.constant 640 : i32
    %mul3A_75 = arith.muli %arg1, %mul3A_74 : i32
    %add3A_76 = arith.constant 256 : i32
    %add3A_77 = arith.addi %mul3A_75, %add3A_76 : i32
    %dma_wait3A_78 = arith.constant 0 : i32
    %dma_wait3A_79 = tpu.memref_slice %arg16[%add3A_77, %dma_wait3A_78] : memref<10240x64xf32, #tpu.memory_space<vmem_shared>> -> memref<128x64xf32, #tpu.memory_space<vmem_shared>>
    tpu.wait_dma2 semaphore(%arg18 : memref<!tpu.dma_semaphore, #tpu.memory_space<semaphore_mem>>) src(%arg4 : memref<128x64xf32, #tpu.memory_space<hbm>>) dst(%dma_wait3A_79 : memref<128x64xf32, #tpu.memory_space<vmem_shared>>)
    %mul3A_80 = arith.constant 640 : i32
    %mul3A_81 = arith.muli %arg1, %mul3A_80 : i32
    %add3A_82 = arith.constant 384 : i32
    %add3A_83 = arith.addi %mul3A_81, %add3A_82 : i32
    %dma_wait3A_84 = arith.constant 0 : i32
    %dma_wait3A_85 = tpu.memref_slice %arg16[%add3A_83, %dma_wait3A_84] : memref<10240x64xf32, #tpu.memory_space<vmem_shared>> -> memref<128x64xf32, #tpu.memory_space<vmem_shared>>
    tpu.wait_dma2 semaphore(%arg18 : memref<!tpu.dma_semaphore, #tpu.memory_space<semaphore_mem>>) src(%arg4 : memref<128x64xf32, #tpu.memory_space<hbm>>) dst(%dma_wait3A_85 : memref<128x64xf32, #tpu.memory_space<vmem_shared>>)
    %mul3A_86 = arith.constant 640 : i32
    %mul3A_87 = arith.muli %arg1, %mul3A_86 : i32
    %add3A_88 = arith.constant 512 : i32
    %add3A_89 = arith.addi %mul3A_87, %add3A_88 : i32
    %dma_wait3A_90 = arith.constant 0 : i32
    %dma_wait3A_91 = tpu.memref_slice %arg16[%add3A_89, %dma_wait3A_90] : memref<10240x64xf32, #tpu.memory_space<vmem_shared>> -> memref<128x64xf32, #tpu.memory_space<vmem_shared>>
    tpu.wait_dma2 semaphore(%arg18 : memref<!tpu.dma_semaphore, #tpu.memory_space<semaphore_mem>>) src(%arg4 : memref<128x64xf32, #tpu.memory_space<hbm>>) dst(%dma_wait3A_91 : memref<128x64xf32, #tpu.memory_space<vmem_shared>>)
    %mul3A_92 = arith.constant 640 : i32
    %mul3A_93 = arith.muli %arg1, %mul3A_92 : i32
    %dma_wait3A_94 = arith.constant 0 : i32
    %dma_wait3A_95 = tpu.memref_slice %arg17[%mul3A_93, %dma_wait3A_94] : memref<10240x16xf32, #tpu.memory_space<vmem_shared>> -> memref<640x16xf32, #tpu.memory_space<vmem_shared>>
    tpu.wait_dma2 semaphore(%arg19 : memref<!tpu.dma_semaphore, #tpu.memory_space<semaphore_mem>>) src(%arg5 : memref<640x16xf32, #tpu.memory_space<hbm>>) dst(%dma_wait3A_95 : memref<640x16xf32, #tpu.memory_space<vmem_shared>>)
    tpu.wait_dma2 semaphore(%arg20 : memref<!tpu.dma_semaphore, #tpu.memory_space<semaphore_mem>>) src(%arg6 : memref<128x16xf32, #tpu.memory_space<hbm>>) dst(%arg15 : memref<128x16xf32, #tpu.memory_space<vmem>>)
    %mul3A_96 = arith.constant 156 : i32
    %mul3A_97 = arith.muli %arg1, %mul3A_96 : i32
    %dma_wait3A_98 = arith.constant 0 : i32
    %dma_wait3A_99 = arith.constant 0 : i32
    %dma_wait3A_100 = arith.constant 0 : i32
    %dma_wait3A_101 = tpu.memref_slice %arg9[%dma_wait3A_99, %dma_wait3A_100] : memref<157x128xi32, #tpu.memory_space<vmem>> -> memref<156x128xi32, #tpu.memory_space<vmem>>
    %dma_wait3A_102 = arith.constant 0 : i32
    %dma_wait3A_103 = tpu.memref_slice %arg3[%dma_wait3A_98, %mul3A_97, %dma_wait3A_102] : memref<2x2500x128xi32, #tpu.memory_space<hbm>> -> memref<1x156x128xi32, #tpu.memory_space<hbm>>
    %dma_wait3A_104 = tpu.memref_squeeze %dma_wait3A_103 : memref<1x156x128xi32, #tpu.memory_space<hbm>> -> memref<156x128xi32, #tpu.memory_space<hbm>>
    %dma_wait3A_105 = arith.constant 0 : i32
    %dma_wait3A_106 = arith.constant 0 : i32
    %dma_wait3A_107 = tpu.memref_slice %arg9[%dma_wait3A_105, %dma_wait3A_106] : memref<157x128xi32, #tpu.memory_space<vmem>> -> memref<156x128xi32, #tpu.memory_space<vmem>>
    %dma_wait3A_108 = arith.constant 0 : i32
    %dma_wait3A_109 = tpu.memref_slice %arg3[%dma_wait3A_98, %mul3A_97, %dma_wait3A_108] : memref<2x2500x128xi32, #tpu.memory_space<hbm>> -> memref<1x156x128xi32, #tpu.memory_space<hbm>>
    %dma_wait3A_110 = tpu.memref_squeeze %dma_wait3A_109 : memref<1x156x128xi32, #tpu.memory_space<hbm>> -> memref<156x128xi32, #tpu.memory_space<hbm>>
    tpu.wait_dma2 semaphore(%arg21 : memref<!tpu.dma_semaphore, #tpu.memory_space<semaphore_mem>>) src(%dma_wait3A_110 : memref<156x128xi32, #tpu.memory_space<hbm>>) dst(%dma_wait3A_107 : memref<156x128xi32, #tpu.memory_space<vmem>>)
    %mul3A_111 = arith.constant 156 : i32
    %mul3A_112 = arith.muli %arg1, %mul3A_111 : i32
    %dma_wait3A_113 = arith.constant 1 : i32
    %dma_wait3A_114 = arith.constant 0 : i32
    %dma_wait3A_115 = arith.constant 0 : i32
    %dma_wait3A_116 = tpu.memref_slice %arg10[%dma_wait3A_114, %dma_wait3A_115] : memref<157x128xi32, #tpu.memory_space<vmem>> -> memref<156x128xi32, #tpu.memory_space<vmem>>
    %dma_wait3A_117 = arith.constant 0 : i32
    %dma_wait3A_118 = tpu.memref_slice %arg3[%dma_wait3A_113, %mul3A_112, %dma_wait3A_117] : memref<2x2500x128xi32, #tpu.memory_space<hbm>> -> memref<1x156x128xi32, #tpu.memory_space<hbm>>
    %dma_wait3A_119 = tpu.memref_squeeze %dma_wait3A_118 : memref<1x156x128xi32, #tpu.memory_space<hbm>> -> memref<156x128xi32, #tpu.memory_space<hbm>>
    %dma_wait3A_120 = arith.constant 0 : i32
    %dma_wait3A_121 = arith.constant 0 : i32
    %dma_wait3A_122 = tpu.memref_slice %arg10[%dma_wait3A_120, %dma_wait3A_121] : memref<157x128xi32, #tpu.memory_space<vmem>> -> memref<156x128xi32, #tpu.memory_space<vmem>>
    %dma_wait3A_123 = arith.constant 0 : i32
    %dma_wait3A_124 = tpu.memref_slice %arg3[%dma_wait3A_113, %mul3A_112, %dma_wait3A_123] : memref<2x2500x128xi32, #tpu.memory_space<hbm>> -> memref<1x156x128xi32, #tpu.memory_space<hbm>>
    %dma_wait3A_125 = tpu.memref_squeeze %dma_wait3A_124 : memref<1x156x128xi32, #tpu.memory_space<hbm>> -> memref<156x128xi32, #tpu.memory_space<hbm>>
    tpu.wait_dma2 semaphore(%arg21 : memref<!tpu.dma_semaphore, #tpu.memory_space<semaphore_mem>>) src(%dma_wait3A_125 : memref<156x128xi32, #tpu.memory_space<hbm>>) dst(%dma_wait3A_122 : memref<156x128xi32, #tpu.memory_space<vmem>>)
    %lt3A_126 = arith.constant 4 : i32
    %lt3A_127 = arith.cmpi slt, %arg1, %lt3A_126 : i32
    %convert_element_type3A_128 = arith.extui %lt3A_127 : i1 to i32
    %cond3A_129 = arith.constant 0 : i32
    %cond3A_130 = arith.cmpi ne, %convert_element_type3A_128, %cond3A_129 : i32
    scf.if %cond3A_130 {
      %add3A_392 = arith.constant 2496 : i32
      %add3A_393 = arith.addi %add3A_392, %arg1 : i32
      %dma_wait3A_394 = arith.constant 0 : i32
      %dma_wait3A_395 = arith.constant 156 : i32
      %dma_wait3A_396 = arith.constant 0 : i32
      %dma_wait3A_397 = tpu.memref_slice %arg9[%dma_wait3A_395, %dma_wait3A_396] : memref<157x128xi32, #tpu.memory_space<vmem>> -> memref<1x128xi32, #tpu.memory_space<vmem>>
      %dma_wait3A_398 = arith.constant 0 : i32
      %dma_wait3A_399 = tpu.memref_slice %arg3[%dma_wait3A_394, %add3A_393, %dma_wait3A_398] : memref<2x2500x128xi32, #tpu.memory_space<hbm>> -> memref<1x1x128xi32, #tpu.memory_space<hbm>>
      %dma_wait3A_400 = tpu.memref_squeeze %dma_wait3A_399 : memref<1x1x128xi32, #tpu.memory_space<hbm>> -> memref<1x128xi32, #tpu.memory_space<hbm>>
      %dma_wait3A_401 = arith.constant 156 : i32
      %dma_wait3A_402 = arith.constant 0 : i32
      %dma_wait3A_403 = tpu.memref_slice %arg9[%dma_wait3A_401, %dma_wait3A_402] : memref<157x128xi32, #tpu.memory_space<vmem>> -> memref<1x128xi32, #tpu.memory_space<vmem>>
      %dma_wait3A_404 = arith.constant 0 : i32
      %dma_wait3A_405 = tpu.memref_slice %arg3[%dma_wait3A_394, %add3A_393, %dma_wait3A_404] : memref<2x2500x128xi32, #tpu.memory_space<hbm>> -> memref<1x1x128xi32, #tpu.memory_space<hbm>>
      %dma_wait3A_406 = tpu.memref_squeeze %dma_wait3A_405 : memref<1x1x128xi32, #tpu.memory_space<hbm>> -> memref<1x128xi32, #tpu.memory_space<hbm>>
      tpu.wait_dma2 semaphore(%arg21 : memref<!tpu.dma_semaphore, #tpu.memory_space<semaphore_mem>>) src(%dma_wait3A_406 : memref<1x128xi32, #tpu.memory_space<hbm>>) dst(%dma_wait3A_403 : memref<1x128xi32, #tpu.memory_space<vmem>>)
      %dma_wait3A_407 = arith.constant 1 : i32
      %dma_wait3A_408 = arith.constant 156 : i32
      %dma_wait3A_409 = arith.constant 0 : i32
      %dma_wait3A_410 = tpu.memref_slice %arg10[%dma_wait3A_408, %dma_wait3A_409] : memref<157x128xi32, #tpu.memory_space<vmem>> -> memref<1x128xi32, #tpu.memory_space<vmem>>
      %dma_wait3A_411 = arith.constant 0 : i32
      %dma_wait3A_412 = tpu.memref_slice %arg3[%dma_wait3A_407, %add3A_393, %dma_wait3A_411] : memref<2x2500x128xi32, #tpu.memory_space<hbm>> -> memref<1x1x128xi32, #tpu.memory_space<hbm>>
      %dma_wait3A_413 = tpu.memref_squeeze %dma_wait3A_412 : memref<1x1x128xi32, #tpu.memory_space<hbm>> -> memref<1x128xi32, #tpu.memory_space<hbm>>
      %dma_wait3A_414 = arith.constant 156 : i32
      %dma_wait3A_415 = arith.constant 0 : i32
      %dma_wait3A_416 = tpu.memref_slice %arg10[%dma_wait3A_414, %dma_wait3A_415] : memref<157x128xi32, #tpu.memory_space<vmem>> -> memref<1x128xi32, #tpu.memory_space<vmem>>
      %dma_wait3A_417 = arith.constant 0 : i32
      %dma_wait3A_418 = tpu.memref_slice %arg3[%dma_wait3A_407, %add3A_393, %dma_wait3A_417] : memref<2x2500x128xi32, #tpu.memory_space<hbm>> -> memref<1x1x128xi32, #tpu.memory_space<hbm>>
      %dma_wait3A_419 = tpu.memref_squeeze %dma_wait3A_418 : memref<1x1x128xi32, #tpu.memory_space<hbm>> -> memref<1x128xi32, #tpu.memory_space<hbm>>
      tpu.wait_dma2 semaphore(%arg21 : memref<!tpu.dma_semaphore, #tpu.memory_space<semaphore_mem>>) src(%dma_wait3A_419 : memref<1x128xi32, #tpu.memory_space<hbm>>) dst(%dma_wait3A_416 : memref<1x128xi32, #tpu.memory_space<vmem>>)
    } else {
    }
    %barrier3A = arith.constant 0 : index
    tpu.barrier barrier_id(%barrier3A)
    %mul3A_131 = arith.constant 64 : i32
    %mul3A_132 = arith.muli %arg0, %mul3A_131 : i32
    %multiple_of3A = tpu.assume_multiple %mul3A_132, 64 : i32
    %mul3A_133 = arith.constant 10000 : i32
    %mul3A_134 = arith.muli %arg0, %mul3A_133 : i32
    %multiple_of3A_135 = tpu.assume_multiple %mul3A_134, 10000 : i32
    %dma_start3A_136 = arith.constant 0 : i32
    %dma_start3A_137 = arith.constant 0 : i32
    %dma_start3A_138 = tpu.memref_slice %arg9[%dma_start3A_136, %dma_start3A_137] : memref<157x128xi32, #tpu.memory_space<vmem>> -> memref<1x128xi32, #tpu.memory_space<vmem>>
    %dma_start3A_139 = tpu.memref_squeeze %dma_start3A_138 : memref<1x128xi32, #tpu.memory_space<vmem>> -> memref<128xi32, #tpu.memory_space<vmem>>
    %dma_start3A_140 = arith.constant 0 : i32
    %dma_start3A_141 = tpu.memref_slice %arg2[%multiple_of3A_135, %dma_start3A_140] : memref<20000x64xf32, #tpu.memory_space<hbm>> -> memref<10000x64xf32, #tpu.memory_space<hbm>>
    %dma_start3A_142 = arith.constant 0 : i32
    %dma_start3A_143 = arith.constant 0 : i32
    %dma_start3A_144 = tpu.memref_slice %dma_start3A_141[%dma_start3A_142, %dma_start3A_143] : memref<10000x64xf32, #tpu.memory_space<hbm>> -> memref<10000x64xf32, #tpu.memory_space<hbm>>
    tpu.enqueue_indirect_dma source(%dma_start3A_144 : memref<10000x64xf32, #tpu.memory_space<hbm>>) target(%arg11 : memref<128x64xf32, #tpu.memory_space<vmem>>) offsets(%dma_start3A_139 : memref<128xi32, #tpu.memory_space<vmem>>) semaphore(%arg18 : memref<!tpu.dma_semaphore, #tpu.memory_space<semaphore_mem>>)
    %dma_start3A_145 = arith.constant 1 : i32
    %dma_start3A_146 = arith.constant 0 : i32
    %dma_start3A_147 = tpu.memref_slice %arg9[%dma_start3A_145, %dma_start3A_146] : memref<157x128xi32, #tpu.memory_space<vmem>> -> memref<1x128xi32, #tpu.memory_space<vmem>>
    %dma_start3A_148 = tpu.memref_squeeze %dma_start3A_147 : memref<1x128xi32, #tpu.memory_space<vmem>> -> memref<128xi32, #tpu.memory_space<vmem>>
    %dma_start3A_149 = arith.constant 0 : i32
    %dma_start3A_150 = tpu.memref_slice %arg2[%multiple_of3A_135, %dma_start3A_149] : memref<20000x64xf32, #tpu.memory_space<hbm>> -> memref<10000x64xf32, #tpu.memory_space<hbm>>
    %dma_start3A_151 = arith.constant 0 : i32
    %dma_start3A_152 = arith.constant 0 : i32
    %dma_start3A_153 = tpu.memref_slice %dma_start3A_150[%dma_start3A_151, %dma_start3A_152] : memref<10000x64xf32, #tpu.memory_space<hbm>> -> memref<10000x64xf32, #tpu.memory_space<hbm>>
    tpu.enqueue_indirect_dma source(%dma_start3A_153 : memref<10000x64xf32, #tpu.memory_space<hbm>>) target(%arg12 : memref<128x64xf32, #tpu.memory_space<vmem>>) offsets(%dma_start3A_148 : memref<128xi32, #tpu.memory_space<vmem>>) semaphore(%arg19 : memref<!tpu.dma_semaphore, #tpu.memory_space<semaphore_mem>>)
    %dma_start3A_154 = arith.constant 2 : i32
    %dma_start3A_155 = arith.constant 0 : i32
    %dma_start3A_156 = tpu.memref_slice %arg9[%dma_start3A_154, %dma_start3A_155] : memref<157x128xi32, #tpu.memory_space<vmem>> -> memref<1x128xi32, #tpu.memory_space<vmem>>
    %dma_start3A_157 = tpu.memref_squeeze %dma_start3A_156 : memref<1x128xi32, #tpu.memory_space<vmem>> -> memref<128xi32, #tpu.memory_space<vmem>>
    %dma_start3A_158 = arith.constant 0 : i32
    %dma_start3A_159 = tpu.memref_slice %arg2[%multiple_of3A_135, %dma_start3A_158] : memref<20000x64xf32, #tpu.memory_space<hbm>> -> memref<10000x64xf32, #tpu.memory_space<hbm>>
    %dma_start3A_160 = arith.constant 0 : i32
    %dma_start3A_161 = arith.constant 0 : i32
    %dma_start3A_162 = tpu.memref_slice %dma_start3A_159[%dma_start3A_160, %dma_start3A_161] : memref<10000x64xf32, #tpu.memory_space<hbm>> -> memref<10000x64xf32, #tpu.memory_space<hbm>>
    tpu.enqueue_indirect_dma source(%dma_start3A_162 : memref<10000x64xf32, #tpu.memory_space<hbm>>) target(%arg13 : memref<128x64xf32, #tpu.memory_space<vmem>>) offsets(%dma_start3A_157 : memref<128xi32, #tpu.memory_space<vmem>>) semaphore(%arg20 : memref<!tpu.dma_semaphore, #tpu.memory_space<semaphore_mem>>)
    %dma_wait3A_163 = arith.constant 0 : i32
    %dma_wait3A_164 = arith.constant 0 : i32
    %dma_wait3A_165 = tpu.memref_slice %arg9[%dma_wait3A_163, %dma_wait3A_164] : memref<157x128xi32, #tpu.memory_space<vmem>> -> memref<1x128xi32, #tpu.memory_space<vmem>>
    %dma_wait3A_166 = tpu.memref_squeeze %dma_wait3A_165 : memref<1x128xi32, #tpu.memory_space<vmem>> -> memref<128xi32, #tpu.memory_space<vmem>>
    %dma_wait3A_167 = arith.constant 0 : i32
    %dma_wait3A_168 = tpu.memref_slice %arg2[%multiple_of3A_135, %dma_wait3A_167] : memref<20000x64xf32, #tpu.memory_space<hbm>> -> memref<10000x64xf32, #tpu.memory_space<hbm>>
    %dma_wait3A_169 = arith.constant 0 : i32
    %dma_wait3A_170 = arith.constant 0 : i32
    %dma_wait3A_171 = tpu.memref_slice %dma_wait3A_168[%dma_wait3A_169, %dma_wait3A_170] : memref<10000x64xf32, #tpu.memory_space<hbm>> -> memref<10000x64xf32, #tpu.memory_space<hbm>>
    tpu.wait_indirect_dma semaphore(%arg18 : memref<!tpu.dma_semaphore, #tpu.memory_space<semaphore_mem>>) src(%dma_wait3A_171 : memref<10000x64xf32, #tpu.memory_space<hbm>>) dst(%arg11 : memref<128x64xf32, #tpu.memory_space<vmem>>)
    %dma_start3A_172 = arith.constant 0 : i32
    %dma_start3A_173 = arith.constant 0 : i32
    %dma_start3A_174 = tpu.memref_slice %arg10[%dma_start3A_172, %dma_start3A_173] : memref<157x128xi32, #tpu.memory_space<vmem>> -> memref<1x128xi32, #tpu.memory_space<vmem>>
    %dma_start3A_175 = tpu.memref_squeeze %dma_start3A_174 : memref<1x128xi32, #tpu.memory_space<vmem>> -> memref<128xi32, #tpu.memory_space<vmem>>
    %dma_start3A_176 = arith.constant 0 : i32
    %dma_start3A_177 = arith.constant 0 : i32
    %dma_start3A_178 = tpu.memref_slice %arg16[%dma_start3A_176, %dma_start3A_177] : memref<10240x64xf32, #tpu.memory_space<vmem_shared>> -> memref<10240x64xf32, #tpu.memory_space<vmem_shared>>
    tpu.enqueue_indirect_dma source(%arg11 : memref<128x64xf32, #tpu.memory_space<vmem>>) target(%dma_start3A_178 : memref<10240x64xf32, #tpu.memory_space<vmem_shared>>) offsets(%dma_start3A_175 : memref<128xi32, #tpu.memory_space<vmem>>) semaphore(%arg22 : memref<!tpu.dma_semaphore, #tpu.memory_space<semaphore_mem>>) {add = true}
    %eq3A = arith.constant 0 : i32
    %eq3A_179 = arith.cmpi eq, %arg0, %eq3A : i32
    %convert_element_type3A_180 = arith.extui %eq3A_179 : i1 to i32
    %cond3A_181 = arith.constant 0 : i32
    %cond3A_182 = arith.cmpi ne, %convert_element_type3A_180, %cond3A_181 : i32
    scf.if %cond3A_182 {
      %dma_start3A_392 = arith.constant 0 : i32
      %dma_start3A_393 = arith.constant 0 : i32
      %dma_start3A_394 = tpu.memref_slice %arg10[%dma_start3A_392, %dma_start3A_393] : memref<157x128xi32, #tpu.memory_space<vmem>> -> memref<1x128xi32, #tpu.memory_space<vmem>>
      %dma_start3A_395 = tpu.memref_squeeze %dma_start3A_394 : memref<1x128xi32, #tpu.memory_space<vmem>> -> memref<128xi32, #tpu.memory_space<vmem>>
      %dma_start3A_396 = arith.constant 0 : i32
      %dma_start3A_397 = arith.constant 0 : i32
      %dma_start3A_398 = tpu.memref_slice %arg17[%dma_start3A_396, %dma_start3A_397] : memref<10240x16xf32, #tpu.memory_space<vmem_shared>> -> memref<10240x16xf32, #tpu.memory_space<vmem_shared>>
      tpu.enqueue_indirect_dma source(%arg15 : memref<128x16xf32, #tpu.memory_space<vmem>>) target(%dma_start3A_398 : memref<10240x16xf32, #tpu.memory_space<vmem_shared>>) offsets(%dma_start3A_395 : memref<128xi32, #tpu.memory_space<vmem>>) semaphore(%arg26 : memref<!tpu.dma_semaphore, #tpu.memory_space<semaphore_mem>>) {add = true}
    } else {
    }
    %dma_start3A_183 = arith.constant 3 : i32
    %dma_start3A_184 = arith.constant 0 : i32
    %dma_start3A_185 = tpu.memref_slice %arg9[%dma_start3A_183, %dma_start3A_184] : memref<157x128xi32, #tpu.memory_space<vmem>> -> memref<1x128xi32, #tpu.memory_space<vmem>>
    %dma_start3A_186 = tpu.memref_squeeze %dma_start3A_185 : memref<1x128xi32, #tpu.memory_space<vmem>> -> memref<128xi32, #tpu.memory_space<vmem>>
    %dma_start3A_187 = arith.constant 0 : i32
    %dma_start3A_188 = tpu.memref_slice %arg2[%multiple_of3A_135, %dma_start3A_187] : memref<20000x64xf32, #tpu.memory_space<hbm>> -> memref<10000x64xf32, #tpu.memory_space<hbm>>
    %dma_start3A_189 = arith.constant 0 : i32
    %dma_start3A_190 = arith.constant 0 : i32
    %dma_start3A_191 = tpu.memref_slice %dma_start3A_188[%dma_start3A_189, %dma_start3A_190] : memref<10000x64xf32, #tpu.memory_space<hbm>> -> memref<10000x64xf32, #tpu.memory_space<hbm>>
    tpu.enqueue_indirect_dma source(%dma_start3A_191 : memref<10000x64xf32, #tpu.memory_space<hbm>>) target(%arg14 : memref<128x64xf32, #tpu.memory_space<vmem>>) offsets(%dma_start3A_186 : memref<128xi32, #tpu.memory_space<vmem>>) semaphore(%arg21 : memref<!tpu.dma_semaphore, #tpu.memory_space<semaphore_mem>>)
    %dma_wait3A_192 = arith.constant 1 : i32
    %dma_wait3A_193 = arith.constant 0 : i32
    %dma_wait3A_194 = tpu.memref_slice %arg9[%dma_wait3A_192, %dma_wait3A_193] : memref<157x128xi32, #tpu.memory_space<vmem>> -> memref<1x128xi32, #tpu.memory_space<vmem>>
    %dma_wait3A_195 = tpu.memref_squeeze %dma_wait3A_194 : memref<1x128xi32, #tpu.memory_space<vmem>> -> memref<128xi32, #tpu.memory_space<vmem>>
    %dma_wait3A_196 = arith.constant 0 : i32
    %dma_wait3A_197 = tpu.memref_slice %arg2[%multiple_of3A_135, %dma_wait3A_196] : memref<20000x64xf32, #tpu.memory_space<hbm>> -> memref<10000x64xf32, #tpu.memory_space<hbm>>
    %dma_wait3A_198 = arith.constant 0 : i32
    %dma_wait3A_199 = arith.constant 0 : i32
    %dma_wait3A_200 = tpu.memref_slice %dma_wait3A_197[%dma_wait3A_198, %dma_wait3A_199] : memref<10000x64xf32, #tpu.memory_space<hbm>> -> memref<10000x64xf32, #tpu.memory_space<hbm>>
    tpu.wait_indirect_dma semaphore(%arg19 : memref<!tpu.dma_semaphore, #tpu.memory_space<semaphore_mem>>) src(%dma_wait3A_200 : memref<10000x64xf32, #tpu.memory_space<hbm>>) dst(%arg12 : memref<128x64xf32, #tpu.memory_space<vmem>>)
    %dma_start3A_201 = arith.constant 1 : i32
    %dma_start3A_202 = arith.constant 0 : i32
    %dma_start3A_203 = tpu.memref_slice %arg10[%dma_start3A_201, %dma_start3A_202] : memref<157x128xi32, #tpu.memory_space<vmem>> -> memref<1x128xi32, #tpu.memory_space<vmem>>
    %dma_start3A_204 = tpu.memref_squeeze %dma_start3A_203 : memref<1x128xi32, #tpu.memory_space<vmem>> -> memref<128xi32, #tpu.memory_space<vmem>>
    %dma_start3A_205 = arith.constant 0 : i32
    %dma_start3A_206 = arith.constant 0 : i32
    %dma_start3A_207 = tpu.memref_slice %arg16[%dma_start3A_205, %dma_start3A_206] : memref<10240x64xf32, #tpu.memory_space<vmem_shared>> -> memref<10240x64xf32, #tpu.memory_space<vmem_shared>>
    tpu.enqueue_indirect_dma source(%arg12 : memref<128x64xf32, #tpu.memory_space<vmem>>) target(%dma_start3A_207 : memref<10240x64xf32, #tpu.memory_space<vmem_shared>>) offsets(%dma_start3A_204 : memref<128xi32, #tpu.memory_space<vmem>>) semaphore(%arg23 : memref<!tpu.dma_semaphore, #tpu.memory_space<semaphore_mem>>) {add = true}
    %eq3A_208 = arith.constant 1 : i32
    %eq3A_209 = arith.cmpi eq, %arg0, %eq3A_208 : i32
    %convert_element_type3A_210 = arith.extui %eq3A_209 : i1 to i32
    %cond3A_211 = arith.constant 0 : i32
    %cond3A_212 = arith.cmpi ne, %convert_element_type3A_210, %cond3A_211 : i32
    scf.if %cond3A_212 {
      %dma_start3A_392 = arith.constant 1 : i32
      %dma_start3A_393 = arith.constant 0 : i32
      %dma_start3A_394 = tpu.memref_slice %arg10[%dma_start3A_392, %dma_start3A_393] : memref<157x128xi32, #tpu.memory_space<vmem>> -> memref<1x128xi32, #tpu.memory_space<vmem>>
      %dma_start3A_395 = tpu.memref_squeeze %dma_start3A_394 : memref<1x128xi32, #tpu.memory_space<vmem>> -> memref<128xi32, #tpu.memory_space<vmem>>
      %dma_start3A_396 = arith.constant 0 : i32
      %dma_start3A_397 = arith.constant 0 : i32
      %dma_start3A_398 = tpu.memref_slice %arg17[%dma_start3A_396, %dma_start3A_397] : memref<10240x16xf32, #tpu.memory_space<vmem_shared>> -> memref<10240x16xf32, #tpu.memory_space<vmem_shared>>
      tpu.enqueue_indirect_dma source(%arg15 : memref<128x16xf32, #tpu.memory_space<vmem>>) target(%dma_start3A_398 : memref<10240x16xf32, #tpu.memory_space<vmem_shared>>) offsets(%dma_start3A_395 : memref<128xi32, #tpu.memory_space<vmem>>) semaphore(%arg26 : memref<!tpu.dma_semaphore, #tpu.memory_space<semaphore_mem>>) {add = true}
    } else {
    }
    %scan3A = arith.constant 0 : i32
    %scan3A_213 = arith.constant 0 : i32
    %scan3A_214 = arith.constant 38 : i32
    %scan3A_215 = arith.addi %scan3A_213, %scan3A_214 : i32
    %scan3A_216 = arith.constant 1 : i32
    scf.for %scan3A_392 = %scan3A_213 to %scan3A_215 step %scan3A_216  : i32 {
      %mul3A_393 = arith.constant 4 : i32
      %mul3A_394 = arith.muli %mul3A_393, %scan3A_392 : i32
      %add3A_395 = arith.constant 2 : i32
      %add3A_396 = arith.addi %mul3A_394, %add3A_395 : i32
      %add3A_397 = arith.constant 0 : i32
      %add3A_398 = arith.addi %add3A_396, %add3A_397 : i32
      %sub3A = arith.constant 2 : i32
      %sub3A_399 = arith.subi %add3A_398, %sub3A : i32
      %dma_wait3A_400 = arith.constant 0 : i32
      %dma_wait3A_401 = tpu.memref_slice %arg10[%sub3A_399, %dma_wait3A_400] : memref<157x128xi32, #tpu.memory_space<vmem>> -> memref<1x128xi32, #tpu.memory_space<vmem>>
      %dma_wait3A_402 = tpu.memref_squeeze %dma_wait3A_401 : memref<1x128xi32, #tpu.memory_space<vmem>> -> memref<128xi32, #tpu.memory_space<vmem>>
      %dma_wait3A_403 = arith.constant 0 : i32
      %dma_wait3A_404 = arith.constant 0 : i32
      %dma_wait3A_405 = tpu.memref_slice %arg16[%dma_wait3A_403, %dma_wait3A_404] : memref<10240x64xf32, #tpu.memory_space<vmem_shared>> -> memref<10240x64xf32, #tpu.memory_space<vmem_shared>>
      tpu.wait_indirect_dma semaphore(%arg22 : memref<!tpu.dma_semaphore, #tpu.memory_space<semaphore_mem>>) src(%arg11 : memref<128x64xf32, #tpu.memory_space<vmem>>) dst(%dma_wait3A_405 : memref<10240x64xf32, #tpu.memory_space<vmem_shared>>)
      %add3A_406 = arith.constant 0 : i32
      %add3A_407 = arith.addi %add3A_396, %add3A_406 : i32
      %add3A_408 = arith.constant 2 : i32
      %add3A_409 = arith.addi %add3A_407, %add3A_408 : i32
      %dma_start3A_410 = arith.constant 0 : i32
      %dma_start3A_411 = tpu.memref_slice %arg9[%add3A_409, %dma_start3A_410] : memref<157x128xi32, #tpu.memory_space<vmem>> -> memref<1x128xi32, #tpu.memory_space<vmem>>
      %dma_start3A_412 = tpu.memref_squeeze %dma_start3A_411 : memref<1x128xi32, #tpu.memory_space<vmem>> -> memref<128xi32, #tpu.memory_space<vmem>>
      %dma_start3A_413 = arith.constant 0 : i32
      %dma_start3A_414 = tpu.memref_slice %arg2[%multiple_of3A_135, %dma_start3A_413] : memref<20000x64xf32, #tpu.memory_space<hbm>> -> memref<10000x64xf32, #tpu.memory_space<hbm>>
      %dma_start3A_415 = arith.constant 0 : i32
      %dma_start3A_416 = arith.constant 0 : i32
      %dma_start3A_417 = tpu.memref_slice %dma_start3A_414[%dma_start3A_415, %dma_start3A_416] : memref<10000x64xf32, #tpu.memory_space<hbm>> -> memref<10000x64xf32, #tpu.memory_space<hbm>>
      tpu.enqueue_indirect_dma source(%dma_start3A_417 : memref<10000x64xf32, #tpu.memory_space<hbm>>) target(%arg11 : memref<128x64xf32, #tpu.memory_space<vmem>>) offsets(%dma_start3A_412 : memref<128xi32, #tpu.memory_space<vmem>>) semaphore(%arg18 : memref<!tpu.dma_semaphore, #tpu.memory_space<semaphore_mem>>)
      %add3A_418 = arith.constant 0 : i32
      %add3A_419 = arith.addi %add3A_396, %add3A_418 : i32
      %dma_wait3A_420 = arith.constant 0 : i32
      %dma_wait3A_421 = tpu.memref_slice %arg9[%add3A_419, %dma_wait3A_420] : memref<157x128xi32, #tpu.memory_space<vmem>> -> memref<1x128xi32, #tpu.memory_space<vmem>>
      %dma_wait3A_422 = tpu.memref_squeeze %dma_wait3A_421 : memref<1x128xi32, #tpu.memory_space<vmem>> -> memref<128xi32, #tpu.memory_space<vmem>>
      %dma_wait3A_423 = arith.constant 0 : i32
      %dma_wait3A_424 = tpu.memref_slice %arg2[%multiple_of3A_135, %dma_wait3A_423] : memref<20000x64xf32, #tpu.memory_space<hbm>> -> memref<10000x64xf32, #tpu.memory_space<hbm>>
      %dma_wait3A_425 = arith.constant 0 : i32
      %dma_wait3A_426 = arith.constant 0 : i32
      %dma_wait3A_427 = tpu.memref_slice %dma_wait3A_424[%dma_wait3A_425, %dma_wait3A_426] : memref<10000x64xf32, #tpu.memory_space<hbm>> -> memref<10000x64xf32, #tpu.memory_space<hbm>>
      tpu.wait_indirect_dma semaphore(%arg20 : memref<!tpu.dma_semaphore, #tpu.memory_space<semaphore_mem>>) src(%dma_wait3A_427 : memref<10000x64xf32, #tpu.memory_space<hbm>>) dst(%arg13 : memref<128x64xf32, #tpu.memory_space<vmem>>)
      %add3A_428 = arith.constant 0 : i32
      %add3A_429 = arith.addi %add3A_396, %add3A_428 : i32
      %dma_start3A_430 = arith.constant 0 : i32
      %dma_start3A_431 = tpu.memref_slice %arg10[%add3A_429, %dma_start3A_430] : memref<157x128xi32, #tpu.memory_space<vmem>> -> memref<1x128xi32, #tpu.memory_space<vmem>>
      %dma_start3A_432 = tpu.memref_squeeze %dma_start3A_431 : memref<1x128xi32, #tpu.memory_space<vmem>> -> memref<128xi32, #tpu.memory_space<vmem>>
      %dma_start3A_433 = arith.constant 0 : i32
      %dma_start3A_434 = arith.constant 0 : i32
      %dma_start3A_435 = tpu.memref_slice %arg16[%dma_start3A_433, %dma_start3A_434] : memref<10240x64xf32, #tpu.memory_space<vmem_shared>> -> memref<10240x64xf32, #tpu.memory_space<vmem_shared>>
      tpu.enqueue_indirect_dma source(%arg13 : memref<128x64xf32, #tpu.memory_space<vmem>>) target(%dma_start3A_435 : memref<10240x64xf32, #tpu.memory_space<vmem_shared>>) offsets(%dma_start3A_432 : memref<128xi32, #tpu.memory_space<vmem>>) semaphore(%arg24 : memref<!tpu.dma_semaphore, #tpu.memory_space<semaphore_mem>>) {add = true}
      %add3A_436 = arith.constant 0 : i32
      %add3A_437 = arith.addi %add3A_396, %add3A_436 : i32
      %eq3A_438 = arith.constant 0 : i32
      %eq3A_439 = arith.cmpi eq, %arg0, %eq3A_438 : i32
      %convert_element_type3A_440 = arith.extui %eq3A_439 : i1 to i32
      %cond3A_441 = arith.constant 0 : i32
      %cond3A_442 = arith.cmpi ne, %convert_element_type3A_440, %cond3A_441 : i32
      scf.if %cond3A_442 {
        %sub3A_584 = arith.constant 2 : i32
        %sub3A_585 = arith.subi %add3A_437, %sub3A_584 : i32
        %dma_wait3A_586 = arith.constant 0 : i32
        %dma_wait3A_587 = tpu.memref_slice %arg10[%sub3A_585, %dma_wait3A_586] : memref<157x128xi32, #tpu.memory_space<vmem>> -> memref<1x128xi32, #tpu.memory_space<vmem>>
        %dma_wait3A_588 = tpu.memref_squeeze %dma_wait3A_587 : memref<1x128xi32, #tpu.memory_space<vmem>> -> memref<128xi32, #tpu.memory_space<vmem>>
        %dma_wait3A_589 = arith.constant 0 : i32
        %dma_wait3A_590 = arith.constant 0 : i32
        %dma_wait3A_591 = tpu.memref_slice %arg17[%dma_wait3A_589, %dma_wait3A_590] : memref<10240x16xf32, #tpu.memory_space<vmem_shared>> -> memref<10240x16xf32, #tpu.memory_space<vmem_shared>>
        tpu.wait_indirect_dma semaphore(%arg26 : memref<!tpu.dma_semaphore, #tpu.memory_space<semaphore_mem>>) src(%arg15 : memref<128x16xf32, #tpu.memory_space<vmem>>) dst(%dma_wait3A_591 : memref<10240x16xf32, #tpu.memory_space<vmem_shared>>)
        %dma_start3A_592 = arith.constant 0 : i32
        %dma_start3A_593 = tpu.memref_slice %arg10[%add3A_437, %dma_start3A_592] : memref<157x128xi32, #tpu.memory_space<vmem>> -> memref<1x128xi32, #tpu.memory_space<vmem>>
        %dma_start3A_594 = tpu.memref_squeeze %dma_start3A_593 : memref<1x128xi32, #tpu.memory_space<vmem>> -> memref<128xi32, #tpu.memory_space<vmem>>
        %dma_start3A_595 = arith.constant 0 : i32
        %dma_start3A_596 = arith.constant 0 : i32
        %dma_start3A_597 = tpu.memref_slice %arg17[%dma_start3A_595, %dma_start3A_596] : memref<10240x16xf32, #tpu.memory_space<vmem_shared>> -> memref<10240x16xf32, #tpu.memory_space<vmem_shared>>
        tpu.enqueue_indirect_dma source(%arg15 : memref<128x16xf32, #tpu.memory_space<vmem>>) target(%dma_start3A_597 : memref<10240x16xf32, #tpu.memory_space<vmem_shared>>) offsets(%dma_start3A_594 : memref<128xi32, #tpu.memory_space<vmem>>) semaphore(%arg26 : memref<!tpu.dma_semaphore, #tpu.memory_space<semaphore_mem>>) {add = true}
      } else {
      }
      %add3A_443 = arith.constant 1 : i32
      %add3A_444 = arith.addi %add3A_396, %add3A_443 : i32
      %sub3A_445 = arith.constant 2 : i32
      %sub3A_446 = arith.subi %add3A_444, %sub3A_445 : i32
      %dma_wait3A_447 = arith.constant 0 : i32
      %dma_wait3A_448 = tpu.memref_slice %arg10[%sub3A_446, %dma_wait3A_447] : memref<157x128xi32, #tpu.memory_space<vmem>> -> memref<1x128xi32, #tpu.memory_space<vmem>>
      %dma_wait3A_449 = tpu.memref_squeeze %dma_wait3A_448 : memref<1x128xi32, #tpu.memory_space<vmem>> -> memref<128xi32, #tpu.memory_space<vmem>>
      %dma_wait3A_450 = arith.constant 0 : i32
      %dma_wait3A_451 = arith.constant 0 : i32
      %dma_wait3A_452 = tpu.memref_slice %arg16[%dma_wait3A_450, %dma_wait3A_451] : memref<10240x64xf32, #tpu.memory_space<vmem_shared>> -> memref<10240x64xf32, #tpu.memory_space<vmem_shared>>
      tpu.wait_indirect_dma semaphore(%arg23 : memref<!tpu.dma_semaphore, #tpu.memory_space<semaphore_mem>>) src(%arg12 : memref<128x64xf32, #tpu.memory_space<vmem>>) dst(%dma_wait3A_452 : memref<10240x64xf32, #tpu.memory_space<vmem_shared>>)
      %add3A_453 = arith.constant 1 : i32
      %add3A_454 = arith.addi %add3A_396, %add3A_453 : i32
      %add3A_455 = arith.constant 2 : i32
      %add3A_456 = arith.addi %add3A_454, %add3A_455 : i32
      %dma_start3A_457 = arith.constant 0 : i32
      %dma_start3A_458 = tpu.memref_slice %arg9[%add3A_456, %dma_start3A_457] : memref<157x128xi32, #tpu.memory_space<vmem>> -> memref<1x128xi32, #tpu.memory_space<vmem>>
      %dma_start3A_459 = tpu.memref_squeeze %dma_start3A_458 : memref<1x128xi32, #tpu.memory_space<vmem>> -> memref<128xi32, #tpu.memory_space<vmem>>
      %dma_start3A_460 = arith.constant 0 : i32
      %dma_start3A_461 = tpu.memref_slice %arg2[%multiple_of3A_135, %dma_start3A_460] : memref<20000x64xf32, #tpu.memory_space<hbm>> -> memref<10000x64xf32, #tpu.memory_space<hbm>>
      %dma_start3A_462 = arith.constant 0 : i32
      %dma_start3A_463 = arith.constant 0 : i32
      %dma_start3A_464 = tpu.memref_slice %dma_start3A_461[%dma_start3A_462, %dma_start3A_463] : memref<10000x64xf32, #tpu.memory_space<hbm>> -> memref<10000x64xf32, #tpu.memory_space<hbm>>
      tpu.enqueue_indirect_dma source(%dma_start3A_464 : memref<10000x64xf32, #tpu.memory_space<hbm>>) target(%arg12 : memref<128x64xf32, #tpu.memory_space<vmem>>) offsets(%dma_start3A_459 : memref<128xi32, #tpu.memory_space<vmem>>) semaphore(%arg19 : memref<!tpu.dma_semaphore, #tpu.memory_space<semaphore_mem>>)
      %add3A_465 = arith.constant 1 : i32
      %add3A_466 = arith.addi %add3A_396, %add3A_465 : i32
      %dma_wait3A_467 = arith.constant 0 : i32
      %dma_wait3A_468 = tpu.memref_slice %arg9[%add3A_466, %dma_wait3A_467] : memref<157x128xi32, #tpu.memory_space<vmem>> -> memref<1x128xi32, #tpu.memory_space<vmem>>
      %dma_wait3A_469 = tpu.memref_squeeze %dma_wait3A_468 : memref<1x128xi32, #tpu.memory_space<vmem>> -> memref<128xi32, #tpu.memory_space<vmem>>
      %dma_wait3A_470 = arith.constant 0 : i32
      %dma_wait3A_471 = tpu.memref_slice %arg2[%multiple_of3A_135, %dma_wait3A_470] : memref<20000x64xf32, #tpu.memory_space<hbm>> -> memref<10000x64xf32, #tpu.memory_space<hbm>>
      %dma_wait3A_472 = arith.constant 0 : i32
      %dma_wait3A_473 = arith.constant 0 : i32
      %dma_wait3A_474 = tpu.memref_slice %dma_wait3A_471[%dma_wait3A_472, %dma_wait3A_473] : memref<10000x64xf32, #tpu.memory_space<hbm>> -> memref<10000x64xf32, #tpu.memory_space<hbm>>
      tpu.wait_indirect_dma semaphore(%arg21 : memref<!tpu.dma_semaphore, #tpu.memory_space<semaphore_mem>>) src(%dma_wait3A_474 : memref<10000x64xf32, #tpu.memory_space<hbm>>) dst(%arg14 : memref<128x64xf32, #tpu.memory_space<vmem>>)
      %add3A_475 = arith.constant 1 : i32
      %add3A_476 = arith.addi %add3A_396, %add3A_475 : i32
      %dma_start3A_477 = arith.constant 0 : i32
      %dma_start3A_478 = tpu.memref_slice %arg10[%add3A_476, %dma_start3A_477] : memref<157x128xi32, #tpu.memory_space<vmem>> -> memref<1x128xi32, #tpu.memory_space<vmem>>
      %dma_start3A_479 = tpu.memref_squeeze %dma_start3A_478 : memref<1x128xi32, #tpu.memory_space<vmem>> -> memref<128xi32, #tpu.memory_space<vmem>>
      %dma_start3A_480 = arith.constant 0 : i32
      %dma_start3A_481 = arith.constant 0 : i32
      %dma_start3A_482 = tpu.memref_slice %arg16[%dma_start3A_480, %dma_start3A_481] : memref<10240x64xf32, #tpu.memory_space<vmem_shared>> -> memref<10240x64xf32, #tpu.memory_space<vmem_shared>>
      tpu.enqueue_indirect_dma source(%arg14 : memref<128x64xf32, #tpu.memory_space<vmem>>) target(%dma_start3A_482 : memref<10240x64xf32, #tpu.memory_space<vmem_shared>>) offsets(%dma_start3A_479 : memref<128xi32, #tpu.memory_space<vmem>>) semaphore(%arg25 : memref<!tpu.dma_semaphore, #tpu.memory_space<semaphore_mem>>) {add = true}
      %add3A_483 = arith.constant 1 : i32
      %add3A_484 = arith.addi %add3A_396, %add3A_483 : i32
      %eq3A_485 = arith.constant 1 : i32
      %eq3A_486 = arith.cmpi eq, %arg0, %eq3A_485 : i32
      %convert_element_type3A_487 = arith.extui %eq3A_486 : i1 to i32
      %cond3A_488 = arith.constant 0 : i32
      %cond3A_489 = arith.cmpi ne, %convert_element_type3A_487, %cond3A_488 : i32
      scf.if %cond3A_489 {
        %sub3A_584 = arith.constant 2 : i32
        %sub3A_585 = arith.subi %add3A_484, %sub3A_584 : i32
        %dma_wait3A_586 = arith.constant 0 : i32
        %dma_wait3A_587 = tpu.memref_slice %arg10[%sub3A_585, %dma_wait3A_586] : memref<157x128xi32, #tpu.memory_space<vmem>> -> memref<1x128xi32, #tpu.memory_space<vmem>>
        %dma_wait3A_588 = tpu.memref_squeeze %dma_wait3A_587 : memref<1x128xi32, #tpu.memory_space<vmem>> -> memref<128xi32, #tpu.memory_space<vmem>>
        %dma_wait3A_589 = arith.constant 0 : i32
        %dma_wait3A_590 = arith.constant 0 : i32
        %dma_wait3A_591 = tpu.memref_slice %arg17[%dma_wait3A_589, %dma_wait3A_590] : memref<10240x16xf32, #tpu.memory_space<vmem_shared>> -> memref<10240x16xf32, #tpu.memory_space<vmem_shared>>
        tpu.wait_indirect_dma semaphore(%arg26 : memref<!tpu.dma_semaphore, #tpu.memory_space<semaphore_mem>>) src(%arg15 : memref<128x16xf32, #tpu.memory_space<vmem>>) dst(%dma_wait3A_591 : memref<10240x16xf32, #tpu.memory_space<vmem_shared>>)
        %dma_start3A_592 = arith.constant 0 : i32
        %dma_start3A_593 = tpu.memref_slice %arg10[%add3A_484, %dma_start3A_592] : memref<157x128xi32, #tpu.memory_space<vmem>> -> memref<1x128xi32, #tpu.memory_space<vmem>>
        %dma_start3A_594 = tpu.memref_squeeze %dma_start3A_593 : memref<1x128xi32, #tpu.memory_space<vmem>> -> memref<128xi32, #tpu.memory_space<vmem>>
        %dma_start3A_595 = arith.constant 0 : i32
        %dma_start3A_596 = arith.constant 0 : i32
        %dma_start3A_597 = tpu.memref_slice %arg17[%dma_start3A_595, %dma_start3A_596] : memref<10240x16xf32, #tpu.memory_space<vmem_shared>> -> memref<10240x16xf32, #tpu.memory_space<vmem_shared>>
        tpu.enqueue_indirect_dma source(%arg15 : memref<128x16xf32, #tpu.memory_space<vmem>>) target(%dma_start3A_597 : memref<10240x16xf32, #tpu.memory_space<vmem_shared>>) offsets(%dma_start3A_594 : memref<128xi32, #tpu.memory_space<vmem>>) semaphore(%arg26 : memref<!tpu.dma_semaphore, #tpu.memory_space<semaphore_mem>>) {add = true}
      } else {
      }
      %add3A_490 = arith.constant 2 : i32
      %add3A_491 = arith.addi %add3A_396, %add3A_490 : i32
      %sub3A_492 = arith.constant 2 : i32
      %sub3A_493 = arith.subi %add3A_491, %sub3A_492 : i32
      %dma_wait3A_494 = arith.constant 0 : i32
      %dma_wait3A_495 = tpu.memref_slice %arg10[%sub3A_493, %dma_wait3A_494] : memref<157x128xi32, #tpu.memory_space<vmem>> -> memref<1x128xi32, #tpu.memory_space<vmem>>
      %dma_wait3A_496 = tpu.memref_squeeze %dma_wait3A_495 : memref<1x128xi32, #tpu.memory_space<vmem>> -> memref<128xi32, #tpu.memory_space<vmem>>
      %dma_wait3A_497 = arith.constant 0 : i32
      %dma_wait3A_498 = arith.constant 0 : i32
      %dma_wait3A_499 = tpu.memref_slice %arg16[%dma_wait3A_497, %dma_wait3A_498] : memref<10240x64xf32, #tpu.memory_space<vmem_shared>> -> memref<10240x64xf32, #tpu.memory_space<vmem_shared>>
      tpu.wait_indirect_dma semaphore(%arg24 : memref<!tpu.dma_semaphore, #tpu.memory_space<semaphore_mem>>) src(%arg13 : memref<128x64xf32, #tpu.memory_space<vmem>>) dst(%dma_wait3A_499 : memref<10240x64xf32, #tpu.memory_space<vmem_shared>>)
      %add3A_500 = arith.constant 2 : i32
      %add3A_501 = arith.addi %add3A_396, %add3A_500 : i32
      %add3A_502 = arith.constant 2 : i32
      %add3A_503 = arith.addi %add3A_501, %add3A_502 : i32
      %dma_start3A_504 = arith.constant 0 : i32
      %dma_start3A_505 = tpu.memref_slice %arg9[%add3A_503, %dma_start3A_504] : memref<157x128xi32, #tpu.memory_space<vmem>> -> memref<1x128xi32, #tpu.memory_space<vmem>>
      %dma_start3A_506 = tpu.memref_squeeze %dma_start3A_505 : memref<1x128xi32, #tpu.memory_space<vmem>> -> memref<128xi32, #tpu.memory_space<vmem>>
      %dma_start3A_507 = arith.constant 0 : i32
      %dma_start3A_508 = tpu.memref_slice %arg2[%multiple_of3A_135, %dma_start3A_507] : memref<20000x64xf32, #tpu.memory_space<hbm>> -> memref<10000x64xf32, #tpu.memory_space<hbm>>
      %dma_start3A_509 = arith.constant 0 : i32
      %dma_start3A_510 = arith.constant 0 : i32
      %dma_start3A_511 = tpu.memref_slice %dma_start3A_508[%dma_start3A_509, %dma_start3A_510] : memref<10000x64xf32, #tpu.memory_space<hbm>> -> memref<10000x64xf32, #tpu.memory_space<hbm>>
      tpu.enqueue_indirect_dma source(%dma_start3A_511 : memref<10000x64xf32, #tpu.memory_space<hbm>>) target(%arg13 : memref<128x64xf32, #tpu.memory_space<vmem>>) offsets(%dma_start3A_506 : memref<128xi32, #tpu.memory_space<vmem>>) semaphore(%arg20 : memref<!tpu.dma_semaphore, #tpu.memory_space<semaphore_mem>>)
      %add3A_512 = arith.constant 2 : i32
      %add3A_513 = arith.addi %add3A_396, %add3A_512 : i32
      %dma_wait3A_514 = arith.constant 0 : i32
      %dma_wait3A_515 = tpu.memref_slice %arg9[%add3A_513, %dma_wait3A_514] : memref<157x128xi32, #tpu.memory_space<vmem>> -> memref<1x128xi32, #tpu.memory_space<vmem>>
      %dma_wait3A_516 = tpu.memref_squeeze %dma_wait3A_515 : memref<1x128xi32, #tpu.memory_space<vmem>> -> memref<128xi32, #tpu.memory_space<vmem>>
      %dma_wait3A_517 = arith.constant 0 : i32
      %dma_wait3A_518 = tpu.memref_slice %arg2[%multiple_of3A_135, %dma_wait3A_517] : memref<20000x64xf32, #tpu.memory_space<hbm>> -> memref<10000x64xf32, #tpu.memory_space<hbm>>
      %dma_wait3A_519 = arith.constant 0 : i32
      %dma_wait3A_520 = arith.constant 0 : i32
      %dma_wait3A_521 = tpu.memref_slice %dma_wait3A_518[%dma_wait3A_519, %dma_wait3A_520] : memref<10000x64xf32, #tpu.memory_space<hbm>> -> memref<10000x64xf32, #tpu.memory_space<hbm>>
      tpu.wait_indirect_dma semaphore(%arg18 : memref<!tpu.dma_semaphore, #tpu.memory_space<semaphore_mem>>) src(%dma_wait3A_521 : memref<10000x64xf32, #tpu.memory_space<hbm>>) dst(%arg11 : memref<128x64xf32, #tpu.memory_space<vmem>>)
      %add3A_522 = arith.constant 2 : i32
      %add3A_523 = arith.addi %add3A_396, %add3A_522 : i32
      %dma_start3A_524 = arith.constant 0 : i32
      %dma_start3A_525 = tpu.memref_slice %arg10[%add3A_523, %dma_start3A_524] : memref<157x128xi32, #tpu.memory_space<vmem>> -> memref<1x128xi32, #tpu.memory_space<vmem>>
      %dma_start3A_526 = tpu.memref_squeeze %dma_start3A_525 : memref<1x128xi32, #tpu.memory_space<vmem>> -> memref<128xi32, #tpu.memory_space<vmem>>
      %dma_start3A_527 = arith.constant 0 : i32
      %dma_start3A_528 = arith.constant 0 : i32
      %dma_start3A_529 = tpu.memref_slice %arg16[%dma_start3A_527, %dma_start3A_528] : memref<10240x64xf32, #tpu.memory_space<vmem_shared>> -> memref<10240x64xf32, #tpu.memory_space<vmem_shared>>
      tpu.enqueue_indirect_dma source(%arg11 : memref<128x64xf32, #tpu.memory_space<vmem>>) target(%dma_start3A_529 : memref<10240x64xf32, #tpu.memory_space<vmem_shared>>) offsets(%dma_start3A_526 : memref<128xi32, #tpu.memory_space<vmem>>) semaphore(%arg22 : memref<!tpu.dma_semaphore, #tpu.memory_space<semaphore_mem>>) {add = true}
      %add3A_530 = arith.constant 2 : i32
      %add3A_531 = arith.addi %add3A_396, %add3A_530 : i32
      %eq3A_532 = arith.constant 0 : i32
      %eq3A_533 = arith.cmpi eq, %arg0, %eq3A_532 : i32
      %convert_element_type3A_534 = arith.extui %eq3A_533 : i1 to i32
      %cond3A_535 = arith.constant 0 : i32
      %cond3A_536 = arith.cmpi ne, %convert_element_type3A_534, %cond3A_535 : i32
      scf.if %cond3A_536 {
        %sub3A_584 = arith.constant 2 : i32
        %sub3A_585 = arith.subi %add3A_531, %sub3A_584 : i32
        %dma_wait3A_586 = arith.constant 0 : i32
        %dma_wait3A_587 = tpu.memref_slice %arg10[%sub3A_585, %dma_wait3A_586] : memref<157x128xi32, #tpu.memory_space<vmem>> -> memref<1x128xi32, #tpu.memory_space<vmem>>
        %dma_wait3A_588 = tpu.memref_squeeze %dma_wait3A_587 : memref<1x128xi32, #tpu.memory_space<vmem>> -> memref<128xi32, #tpu.memory_space<vmem>>
        %dma_wait3A_589 = arith.constant 0 : i32
        %dma_wait3A_590 = arith.constant 0 : i32
        %dma_wait3A_591 = tpu.memref_slice %arg17[%dma_wait3A_589, %dma_wait3A_590] : memref<10240x16xf32, #tpu.memory_space<vmem_shared>> -> memref<10240x16xf32, #tpu.memory_space<vmem_shared>>
        tpu.wait_indirect_dma semaphore(%arg26 : memref<!tpu.dma_semaphore, #tpu.memory_space<semaphore_mem>>) src(%arg15 : memref<128x16xf32, #tpu.memory_space<vmem>>) dst(%dma_wait3A_591 : memref<10240x16xf32, #tpu.memory_space<vmem_shared>>)
        %dma_start3A_592 = arith.constant 0 : i32
        %dma_start3A_593 = tpu.memref_slice %arg10[%add3A_531, %dma_start3A_592] : memref<157x128xi32, #tpu.memory_space<vmem>> -> memref<1x128xi32, #tpu.memory_space<vmem>>
        %dma_start3A_594 = tpu.memref_squeeze %dma_start3A_593 : memref<1x128xi32, #tpu.memory_space<vmem>> -> memref<128xi32, #tpu.memory_space<vmem>>
        %dma_start3A_595 = arith.constant 0 : i32
        %dma_start3A_596 = arith.constant 0 : i32
        %dma_start3A_597 = tpu.memref_slice %arg17[%dma_start3A_595, %dma_start3A_596] : memref<10240x16xf32, #tpu.memory_space<vmem_shared>> -> memref<10240x16xf32, #tpu.memory_space<vmem_shared>>
        tpu.enqueue_indirect_dma source(%arg15 : memref<128x16xf32, #tpu.memory_space<vmem>>) target(%dma_start3A_597 : memref<10240x16xf32, #tpu.memory_space<vmem_shared>>) offsets(%dma_start3A_594 : memref<128xi32, #tpu.memory_space<vmem>>) semaphore(%arg26 : memref<!tpu.dma_semaphore, #tpu.memory_space<semaphore_mem>>) {add = true}
      } else {
      }
      %add3A_537 = arith.constant 3 : i32
      %add3A_538 = arith.addi %add3A_396, %add3A_537 : i32
      %sub3A_539 = arith.constant 2 : i32
      %sub3A_540 = arith.subi %add3A_538, %sub3A_539 : i32
      %dma_wait3A_541 = arith.constant 0 : i32
      %dma_wait3A_542 = tpu.memref_slice %arg10[%sub3A_540, %dma_wait3A_541] : memref<157x128xi32, #tpu.memory_space<vmem>> -> memref<1x128xi32, #tpu.memory_space<vmem>>
      %dma_wait3A_543 = tpu.memref_squeeze %dma_wait3A_542 : memref<1x128xi32, #tpu.memory_space<vmem>> -> memref<128xi32, #tpu.memory_space<vmem>>
      %dma_wait3A_544 = arith.constant 0 : i32
      %dma_wait3A_545 = arith.constant 0 : i32
      %dma_wait3A_546 = tpu.memref_slice %arg16[%dma_wait3A_544, %dma_wait3A_545] : memref<10240x64xf32, #tpu.memory_space<vmem_shared>> -> memref<10240x64xf32, #tpu.memory_space<vmem_shared>>
      tpu.wait_indirect_dma semaphore(%arg25 : memref<!tpu.dma_semaphore, #tpu.memory_space<semaphore_mem>>) src(%arg14 : memref<128x64xf32, #tpu.memory_space<vmem>>) dst(%dma_wait3A_546 : memref<10240x64xf32, #tpu.memory_space<vmem_shared>>)
      %add3A_547 = arith.constant 3 : i32
      %add3A_548 = arith.addi %add3A_396, %add3A_547 : i32
      %add3A_549 = arith.constant 2 : i32
      %add3A_550 = arith.addi %add3A_548, %add3A_549 : i32
      %dma_start3A_551 = arith.constant 0 : i32
      %dma_start3A_552 = tpu.memref_slice %arg9[%add3A_550, %dma_start3A_551] : memref<157x128xi32, #tpu.memory_space<vmem>> -> memref<1x128xi32, #tpu.memory_space<vmem>>
      %dma_start3A_553 = tpu.memref_squeeze %dma_start3A_552 : memref<1x128xi32, #tpu.memory_space<vmem>> -> memref<128xi32, #tpu.memory_space<vmem>>
      %dma_start3A_554 = arith.constant 0 : i32
      %dma_start3A_555 = tpu.memref_slice %arg2[%multiple_of3A_135, %dma_start3A_554] : memref<20000x64xf32, #tpu.memory_space<hbm>> -> memref<10000x64xf32, #tpu.memory_space<hbm>>
      %dma_start3A_556 = arith.constant 0 : i32
      %dma_start3A_557 = arith.constant 0 : i32
      %dma_start3A_558 = tpu.memref_slice %dma_start3A_555[%dma_start3A_556, %dma_start3A_557] : memref<10000x64xf32, #tpu.memory_space<hbm>> -> memref<10000x64xf32, #tpu.memory_space<hbm>>
      tpu.enqueue_indirect_dma source(%dma_start3A_558 : memref<10000x64xf32, #tpu.memory_space<hbm>>) target(%arg14 : memref<128x64xf32, #tpu.memory_space<vmem>>) offsets(%dma_start3A_553 : memref<128xi32, #tpu.memory_space<vmem>>) semaphore(%arg21 : memref<!tpu.dma_semaphore, #tpu.memory_space<semaphore_mem>>)
      %add3A_559 = arith.constant 3 : i32
      %add3A_560 = arith.addi %add3A_396, %add3A_559 : i32
      %dma_wait3A_561 = arith.constant 0 : i32
      %dma_wait3A_562 = tpu.memref_slice %arg9[%add3A_560, %dma_wait3A_561] : memref<157x128xi32, #tpu.memory_space<vmem>> -> memref<1x128xi32, #tpu.memory_space<vmem>>
      %dma_wait3A_563 = tpu.memref_squeeze %dma_wait3A_562 : memref<1x128xi32, #tpu.memory_space<vmem>> -> memref<128xi32, #tpu.memory_space<vmem>>
      %dma_wait3A_564 = arith.constant 0 : i32
      %dma_wait3A_565 = tpu.memref_slice %arg2[%multiple_of3A_135, %dma_wait3A_564] : memref<20000x64xf32, #tpu.memory_space<hbm>> -> memref<10000x64xf32, #tpu.memory_space<hbm>>
      %dma_wait3A_566 = arith.constant 0 : i32
      %dma_wait3A_567 = arith.constant 0 : i32
      %dma_wait3A_568 = tpu.memref_slice %dma_wait3A_565[%dma_wait3A_566, %dma_wait3A_567] : memref<10000x64xf32, #tpu.memory_space<hbm>> -> memref<10000x64xf32, #tpu.memory_space<hbm>>
      tpu.wait_indirect_dma semaphore(%arg19 : memref<!tpu.dma_semaphore, #tpu.memory_space<semaphore_mem>>) src(%dma_wait3A_568 : memref<10000x64xf32, #tpu.memory_space<hbm>>) dst(%arg12 : memref<128x64xf32, #tpu.memory_space<vmem>>)
      %add3A_569 = arith.constant 3 : i32
      %add3A_570 = arith.addi %add3A_396, %add3A_569 : i32
      %dma_start3A_571 = arith.constant 0 : i32
      %dma_start3A_572 = tpu.memref_slice %arg10[%add3A_570, %dma_start3A_571] : memref<157x128xi32, #tpu.memory_space<vmem>> -> memref<1x128xi32, #tpu.memory_space<vmem>>
      %dma_start3A_573 = tpu.memref_squeeze %dma_start3A_572 : memref<1x128xi32, #tpu.memory_space<vmem>> -> memref<128xi32, #tpu.memory_space<vmem>>
      %dma_start3A_574 = arith.constant 0 : i32
      %dma_start3A_575 = arith.constant 0 : i32
      %dma_start3A_576 = tpu.memref_slice %arg16[%dma_start3A_574, %dma_start3A_575] : memref<10240x64xf32, #tpu.memory_space<vmem_shared>> -> memref<10240x64xf32, #tpu.memory_space<vmem_shared>>
      tpu.enqueue_indirect_dma source(%arg12 : memref<128x64xf32, #tpu.memory_space<vmem>>) target(%dma_start3A_576 : memref<10240x64xf32, #tpu.memory_space<vmem_shared>>) offsets(%dma_start3A_573 : memref<128xi32, #tpu.memory_space<vmem>>) semaphore(%arg23 : memref<!tpu.dma_semaphore, #tpu.memory_space<semaphore_mem>>) {add = true}
      %add3A_577 = arith.constant 3 : i32
      %add3A_578 = arith.addi %add3A_396, %add3A_577 : i32
      %eq3A_579 = arith.constant 1 : i32
      %eq3A_580 = arith.cmpi eq, %arg0, %eq3A_579 : i32
      %convert_element_type3A_581 = arith.extui %eq3A_580 : i1 to i32
      %cond3A_582 = arith.constant 0 : i32
      %cond3A_583 = arith.cmpi ne, %convert_element_type3A_581, %cond3A_582 : i32
      scf.if %cond3A_583 {
        %sub3A_584 = arith.constant 2 : i32
        %sub3A_585 = arith.subi %add3A_578, %sub3A_584 : i32
        %dma_wait3A_586 = arith.constant 0 : i32
        %dma_wait3A_587 = tpu.memref_slice %arg10[%sub3A_585, %dma_wait3A_586] : memref<157x128xi32, #tpu.memory_space<vmem>> -> memref<1x128xi32, #tpu.memory_space<vmem>>
        %dma_wait3A_588 = tpu.memref_squeeze %dma_wait3A_587 : memref<1x128xi32, #tpu.memory_space<vmem>> -> memref<128xi32, #tpu.memory_space<vmem>>
        %dma_wait3A_589 = arith.constant 0 : i32
        %dma_wait3A_590 = arith.constant 0 : i32
        %dma_wait3A_591 = tpu.memref_slice %arg17[%dma_wait3A_589, %dma_wait3A_590] : memref<10240x16xf32, #tpu.memory_space<vmem_shared>> -> memref<10240x16xf32, #tpu.memory_space<vmem_shared>>
        tpu.wait_indirect_dma semaphore(%arg26 : memref<!tpu.dma_semaphore, #tpu.memory_space<semaphore_mem>>) src(%arg15 : memref<128x16xf32, #tpu.memory_space<vmem>>) dst(%dma_wait3A_591 : memref<10240x16xf32, #tpu.memory_space<vmem_shared>>)
        %dma_start3A_592 = arith.constant 0 : i32
        %dma_start3A_593 = tpu.memref_slice %arg10[%add3A_578, %dma_start3A_592] : memref<157x128xi32, #tpu.memory_space<vmem>> -> memref<1x128xi32, #tpu.memory_space<vmem>>
        %dma_start3A_594 = tpu.memref_squeeze %dma_start3A_593 : memref<1x128xi32, #tpu.memory_space<vmem>> -> memref<128xi32, #tpu.memory_space<vmem>>
        %dma_start3A_595 = arith.constant 0 : i32
        %dma_start3A_596 = arith.constant 0 : i32
        %dma_start3A_597 = tpu.memref_slice %arg17[%dma_start3A_595, %dma_start3A_596] : memref<10240x16xf32, #tpu.memory_space<vmem_shared>> -> memref<10240x16xf32, #tpu.memory_space<vmem_shared>>
        tpu.enqueue_indirect_dma source(%arg15 : memref<128x16xf32, #tpu.memory_space<vmem>>) target(%dma_start3A_597 : memref<10240x16xf32, #tpu.memory_space<vmem_shared>>) offsets(%dma_start3A_594 : memref<128xi32, #tpu.memory_space<vmem>>) semaphore(%arg26 : memref<!tpu.dma_semaphore, #tpu.memory_space<semaphore_mem>>) {add = true}
      } else {
      }
    }
    %scan3A_217 = arith.constant 38 : i32
    %dma_wait3A_218 = arith.constant 154 : i32
    %dma_wait3A_219 = arith.constant 0 : i32
    %dma_wait3A_220 = tpu.memref_slice %arg9[%dma_wait3A_218, %dma_wait3A_219] : memref<157x128xi32, #tpu.memory_space<vmem>> -> memref<1x128xi32, #tpu.memory_space<vmem>>
    %dma_wait3A_221 = tpu.memref_squeeze %dma_wait3A_220 : memref<1x128xi32, #tpu.memory_space<vmem>> -> memref<128xi32, #tpu.memory_space<vmem>>
    %dma_wait3A_222 = arith.constant 0 : i32
    %dma_wait3A_223 = tpu.memref_slice %arg2[%multiple_of3A_135, %dma_wait3A_222] : memref<20000x64xf32, #tpu.memory_space<hbm>> -> memref<10000x64xf32, #tpu.memory_space<hbm>>
    %dma_wait3A_224 = arith.constant 0 : i32
    %dma_wait3A_225 = arith.constant 0 : i32
    %dma_wait3A_226 = tpu.memref_slice %dma_wait3A_223[%dma_wait3A_224, %dma_wait3A_225] : memref<10000x64xf32, #tpu.memory_space<hbm>> -> memref<10000x64xf32, #tpu.memory_space<hbm>>
    tpu.wait_indirect_dma semaphore(%arg20 : memref<!tpu.dma_semaphore, #tpu.memory_space<semaphore_mem>>) src(%dma_wait3A_226 : memref<10000x64xf32, #tpu.memory_space<hbm>>) dst(%arg13 : memref<128x64xf32, #tpu.memory_space<vmem>>)
    %dma_start3A_227 = arith.constant 154 : i32
    %dma_start3A_228 = arith.constant 0 : i32
    %dma_start3A_229 = tpu.memref_slice %arg10[%dma_start3A_227, %dma_start3A_228] : memref<157x128xi32, #tpu.memory_space<vmem>> -> memref<1x128xi32, #tpu.memory_space<vmem>>
    %dma_start3A_230 = tpu.memref_squeeze %dma_start3A_229 : memref<1x128xi32, #tpu.memory_space<vmem>> -> memref<128xi32, #tpu.memory_space<vmem>>
    %dma_start3A_231 = arith.constant 0 : i32
    %dma_start3A_232 = arith.constant 0 : i32
    %dma_start3A_233 = tpu.memref_slice %arg16[%dma_start3A_231, %dma_start3A_232] : memref<10240x64xf32, #tpu.memory_space<vmem_shared>> -> memref<10240x64xf32, #tpu.memory_space<vmem_shared>>
    tpu.enqueue_indirect_dma source(%arg13 : memref<128x64xf32, #tpu.memory_space<vmem>>) target(%dma_start3A_233 : memref<10240x64xf32, #tpu.memory_space<vmem_shared>>) offsets(%dma_start3A_230 : memref<128xi32, #tpu.memory_space<vmem>>) semaphore(%arg24 : memref<!tpu.dma_semaphore, #tpu.memory_space<semaphore_mem>>) {add = true}
    %eq3A_234 = arith.constant 0 : i32
    %eq3A_235 = arith.cmpi eq, %arg0, %eq3A_234 : i32
    %convert_element_type3A_236 = arith.extui %eq3A_235 : i1 to i32
    %cond3A_237 = arith.constant 0 : i32
    %cond3A_238 = arith.cmpi ne, %convert_element_type3A_236, %cond3A_237 : i32
    scf.if %cond3A_238 {
      %dma_wait3A_392 = arith.constant 152 : i32
      %dma_wait3A_393 = arith.constant 0 : i32
      %dma_wait3A_394 = tpu.memref_slice %arg10[%dma_wait3A_392, %dma_wait3A_393] : memref<157x128xi32, #tpu.memory_space<vmem>> -> memref<1x128xi32, #tpu.memory_space<vmem>>
      %dma_wait3A_395 = tpu.memref_squeeze %dma_wait3A_394 : memref<1x128xi32, #tpu.memory_space<vmem>> -> memref<128xi32, #tpu.memory_space<vmem>>
      %dma_wait3A_396 = arith.constant 0 : i32
      %dma_wait3A_397 = arith.constant 0 : i32
      %dma_wait3A_398 = tpu.memref_slice %arg17[%dma_wait3A_396, %dma_wait3A_397] : memref<10240x16xf32, #tpu.memory_space<vmem_shared>> -> memref<10240x16xf32, #tpu.memory_space<vmem_shared>>
      tpu.wait_indirect_dma semaphore(%arg26 : memref<!tpu.dma_semaphore, #tpu.memory_space<semaphore_mem>>) src(%arg15 : memref<128x16xf32, #tpu.memory_space<vmem>>) dst(%dma_wait3A_398 : memref<10240x16xf32, #tpu.memory_space<vmem_shared>>)
      %dma_start3A_399 = arith.constant 154 : i32
      %dma_start3A_400 = arith.constant 0 : i32
      %dma_start3A_401 = tpu.memref_slice %arg10[%dma_start3A_399, %dma_start3A_400] : memref<157x128xi32, #tpu.memory_space<vmem>> -> memref<1x128xi32, #tpu.memory_space<vmem>>
      %dma_start3A_402 = tpu.memref_squeeze %dma_start3A_401 : memref<1x128xi32, #tpu.memory_space<vmem>> -> memref<128xi32, #tpu.memory_space<vmem>>
      %dma_start3A_403 = arith.constant 0 : i32
      %dma_start3A_404 = arith.constant 0 : i32
      %dma_start3A_405 = tpu.memref_slice %arg17[%dma_start3A_403, %dma_start3A_404] : memref<10240x16xf32, #tpu.memory_space<vmem_shared>> -> memref<10240x16xf32, #tpu.memory_space<vmem_shared>>
      tpu.enqueue_indirect_dma source(%arg15 : memref<128x16xf32, #tpu.memory_space<vmem>>) target(%dma_start3A_405 : memref<10240x16xf32, #tpu.memory_space<vmem_shared>>) offsets(%dma_start3A_402 : memref<128xi32, #tpu.memory_space<vmem>>) semaphore(%arg26 : memref<!tpu.dma_semaphore, #tpu.memory_space<semaphore_mem>>) {add = true}
    } else {
    }
    %dma_wait3A_239 = arith.constant 155 : i32
    %dma_wait3A_240 = arith.constant 0 : i32
    %dma_wait3A_241 = tpu.memref_slice %arg9[%dma_wait3A_239, %dma_wait3A_240] : memref<157x128xi32, #tpu.memory_space<vmem>> -> memref<1x128xi32, #tpu.memory_space<vmem>>
    %dma_wait3A_242 = tpu.memref_squeeze %dma_wait3A_241 : memref<1x128xi32, #tpu.memory_space<vmem>> -> memref<128xi32, #tpu.memory_space<vmem>>
    %dma_wait3A_243 = arith.constant 0 : i32
    %dma_wait3A_244 = tpu.memref_slice %arg2[%multiple_of3A_135, %dma_wait3A_243] : memref<20000x64xf32, #tpu.memory_space<hbm>> -> memref<10000x64xf32, #tpu.memory_space<hbm>>
    %dma_wait3A_245 = arith.constant 0 : i32
    %dma_wait3A_246 = arith.constant 0 : i32
    %dma_wait3A_247 = tpu.memref_slice %dma_wait3A_244[%dma_wait3A_245, %dma_wait3A_246] : memref<10000x64xf32, #tpu.memory_space<hbm>> -> memref<10000x64xf32, #tpu.memory_space<hbm>>
    tpu.wait_indirect_dma semaphore(%arg21 : memref<!tpu.dma_semaphore, #tpu.memory_space<semaphore_mem>>) src(%dma_wait3A_247 : memref<10000x64xf32, #tpu.memory_space<hbm>>) dst(%arg14 : memref<128x64xf32, #tpu.memory_space<vmem>>)
    %dma_start3A_248 = arith.constant 155 : i32
    %dma_start3A_249 = arith.constant 0 : i32
    %dma_start3A_250 = tpu.memref_slice %arg10[%dma_start3A_248, %dma_start3A_249] : memref<157x128xi32, #tpu.memory_space<vmem>> -> memref<1x128xi32, #tpu.memory_space<vmem>>
    %dma_start3A_251 = tpu.memref_squeeze %dma_start3A_250 : memref<1x128xi32, #tpu.memory_space<vmem>> -> memref<128xi32, #tpu.memory_space<vmem>>
    %dma_start3A_252 = arith.constant 0 : i32
    %dma_start3A_253 = arith.constant 0 : i32
    %dma_start3A_254 = tpu.memref_slice %arg16[%dma_start3A_252, %dma_start3A_253] : memref<10240x64xf32, #tpu.memory_space<vmem_shared>> -> memref<10240x64xf32, #tpu.memory_space<vmem_shared>>
    tpu.enqueue_indirect_dma source(%arg14 : memref<128x64xf32, #tpu.memory_space<vmem>>) target(%dma_start3A_254 : memref<10240x64xf32, #tpu.memory_space<vmem_shared>>) offsets(%dma_start3A_251 : memref<128xi32, #tpu.memory_space<vmem>>) semaphore(%arg25 : memref<!tpu.dma_semaphore, #tpu.memory_space<semaphore_mem>>) {add = true}
    %eq3A_255 = arith.constant 1 : i32
    %eq3A_256 = arith.cmpi eq, %arg0, %eq3A_255 : i32
    %convert_element_type3A_257 = arith.extui %eq3A_256 : i1 to i32
    %cond3A_258 = arith.constant 0 : i32
    %cond3A_259 = arith.cmpi ne, %convert_element_type3A_257, %cond3A_258 : i32
    scf.if %cond3A_259 {
      %dma_wait3A_392 = arith.constant 153 : i32
      %dma_wait3A_393 = arith.constant 0 : i32
      %dma_wait3A_394 = tpu.memref_slice %arg10[%dma_wait3A_392, %dma_wait3A_393] : memref<157x128xi32, #tpu.memory_space<vmem>> -> memref<1x128xi32, #tpu.memory_space<vmem>>
      %dma_wait3A_395 = tpu.memref_squeeze %dma_wait3A_394 : memref<1x128xi32, #tpu.memory_space<vmem>> -> memref<128xi32, #tpu.memory_space<vmem>>
      %dma_wait3A_396 = arith.constant 0 : i32
      %dma_wait3A_397 = arith.constant 0 : i32
      %dma_wait3A_398 = tpu.memref_slice %arg17[%dma_wait3A_396, %dma_wait3A_397] : memref<10240x16xf32, #tpu.memory_space<vmem_shared>> -> memref<10240x16xf32, #tpu.memory_space<vmem_shared>>
      tpu.wait_indirect_dma semaphore(%arg26 : memref<!tpu.dma_semaphore, #tpu.memory_space<semaphore_mem>>) src(%arg15 : memref<128x16xf32, #tpu.memory_space<vmem>>) dst(%dma_wait3A_398 : memref<10240x16xf32, #tpu.memory_space<vmem_shared>>)
      %dma_start3A_399 = arith.constant 155 : i32
      %dma_start3A_400 = arith.constant 0 : i32
      %dma_start3A_401 = tpu.memref_slice %arg10[%dma_start3A_399, %dma_start3A_400] : memref<157x128xi32, #tpu.memory_space<vmem>> -> memref<1x128xi32, #tpu.memory_space<vmem>>
      %dma_start3A_402 = tpu.memref_squeeze %dma_start3A_401 : memref<1x128xi32, #tpu.memory_space<vmem>> -> memref<128xi32, #tpu.memory_space<vmem>>
      %dma_start3A_403 = arith.constant 0 : i32
      %dma_start3A_404 = arith.constant 0 : i32
      %dma_start3A_405 = tpu.memref_slice %arg17[%dma_start3A_403, %dma_start3A_404] : memref<10240x16xf32, #tpu.memory_space<vmem_shared>> -> memref<10240x16xf32, #tpu.memory_space<vmem_shared>>
      tpu.enqueue_indirect_dma source(%arg15 : memref<128x16xf32, #tpu.memory_space<vmem>>) target(%dma_start3A_405 : memref<10240x16xf32, #tpu.memory_space<vmem_shared>>) offsets(%dma_start3A_402 : memref<128xi32, #tpu.memory_space<vmem>>) semaphore(%arg26 : memref<!tpu.dma_semaphore, #tpu.memory_space<semaphore_mem>>) {add = true}
    } else {
    }
    %dma_wait3A_260 = arith.constant 152 : i32
    %dma_wait3A_261 = arith.constant 0 : i32
    %dma_wait3A_262 = tpu.memref_slice %arg10[%dma_wait3A_260, %dma_wait3A_261] : memref<157x128xi32, #tpu.memory_space<vmem>> -> memref<1x128xi32, #tpu.memory_space<vmem>>
    %dma_wait3A_263 = tpu.memref_squeeze %dma_wait3A_262 : memref<1x128xi32, #tpu.memory_space<vmem>> -> memref<128xi32, #tpu.memory_space<vmem>>
    %dma_wait3A_264 = arith.constant 0 : i32
    %dma_wait3A_265 = arith.constant 0 : i32
    %dma_wait3A_266 = tpu.memref_slice %arg16[%dma_wait3A_264, %dma_wait3A_265] : memref<10240x64xf32, #tpu.memory_space<vmem_shared>> -> memref<10240x64xf32, #tpu.memory_space<vmem_shared>>
    tpu.wait_indirect_dma semaphore(%arg22 : memref<!tpu.dma_semaphore, #tpu.memory_space<semaphore_mem>>) src(%arg11 : memref<128x64xf32, #tpu.memory_space<vmem>>) dst(%dma_wait3A_266 : memref<10240x64xf32, #tpu.memory_space<vmem_shared>>)
    %dma_wait3A_267 = arith.constant 153 : i32
    %dma_wait3A_268 = arith.constant 0 : i32
    %dma_wait3A_269 = tpu.memref_slice %arg10[%dma_wait3A_267, %dma_wait3A_268] : memref<157x128xi32, #tpu.memory_space<vmem>> -> memref<1x128xi32, #tpu.memory_space<vmem>>
    %dma_wait3A_270 = tpu.memref_squeeze %dma_wait3A_269 : memref<1x128xi32, #tpu.memory_space<vmem>> -> memref<128xi32, #tpu.memory_space<vmem>>
    %dma_wait3A_271 = arith.constant 0 : i32
    %dma_wait3A_272 = arith.constant 0 : i32
    %dma_wait3A_273 = tpu.memref_slice %arg16[%dma_wait3A_271, %dma_wait3A_272] : memref<10240x64xf32, #tpu.memory_space<vmem_shared>> -> memref<10240x64xf32, #tpu.memory_space<vmem_shared>>
    tpu.wait_indirect_dma semaphore(%arg23 : memref<!tpu.dma_semaphore, #tpu.memory_space<semaphore_mem>>) src(%arg12 : memref<128x64xf32, #tpu.memory_space<vmem>>) dst(%dma_wait3A_273 : memref<10240x64xf32, #tpu.memory_space<vmem_shared>>)
    %dma_wait3A_274 = arith.constant 154 : i32
    %dma_wait3A_275 = arith.constant 0 : i32
    %dma_wait3A_276 = tpu.memref_slice %arg10[%dma_wait3A_274, %dma_wait3A_275] : memref<157x128xi32, #tpu.memory_space<vmem>> -> memref<1x128xi32, #tpu.memory_space<vmem>>
    %dma_wait3A_277 = tpu.memref_squeeze %dma_wait3A_276 : memref<1x128xi32, #tpu.memory_space<vmem>> -> memref<128xi32, #tpu.memory_space<vmem>>
    %dma_wait3A_278 = arith.constant 0 : i32
    %dma_wait3A_279 = arith.constant 0 : i32
    %dma_wait3A_280 = tpu.memref_slice %arg16[%dma_wait3A_278, %dma_wait3A_279] : memref<10240x64xf32, #tpu.memory_space<vmem_shared>> -> memref<10240x64xf32, #tpu.memory_space<vmem_shared>>
    tpu.wait_indirect_dma semaphore(%arg24 : memref<!tpu.dma_semaphore, #tpu.memory_space<semaphore_mem>>) src(%arg13 : memref<128x64xf32, #tpu.memory_space<vmem>>) dst(%dma_wait3A_280 : memref<10240x64xf32, #tpu.memory_space<vmem_shared>>)
    %dma_wait3A_281 = arith.constant 155 : i32
    %dma_wait3A_282 = arith.constant 0 : i32
    %dma_wait3A_283 = tpu.memref_slice %arg10[%dma_wait3A_281, %dma_wait3A_282] : memref<157x128xi32, #tpu.memory_space<vmem>> -> memref<1x128xi32, #tpu.memory_space<vmem>>
    %dma_wait3A_284 = tpu.memref_squeeze %dma_wait3A_283 : memref<1x128xi32, #tpu.memory_space<vmem>> -> memref<128xi32, #tpu.memory_space<vmem>>
    %dma_wait3A_285 = arith.constant 0 : i32
    %dma_wait3A_286 = arith.constant 0 : i32
    %dma_wait3A_287 = tpu.memref_slice %arg16[%dma_wait3A_285, %dma_wait3A_286] : memref<10240x64xf32, #tpu.memory_space<vmem_shared>> -> memref<10240x64xf32, #tpu.memory_space<vmem_shared>>
    tpu.wait_indirect_dma semaphore(%arg25 : memref<!tpu.dma_semaphore, #tpu.memory_space<semaphore_mem>>) src(%arg14 : memref<128x64xf32, #tpu.memory_space<vmem>>) dst(%dma_wait3A_287 : memref<10240x64xf32, #tpu.memory_space<vmem_shared>>)
    %eq3A_288 = arith.constant 0 : i32
    %eq3A_289 = arith.cmpi eq, %arg0, %eq3A_288 : i32
    %convert_element_type3A_290 = arith.extui %eq3A_289 : i1 to i32
    %cond3A_291 = arith.constant 0 : i32
    %cond3A_292 = arith.cmpi ne, %convert_element_type3A_290, %cond3A_291 : i32
    scf.if %cond3A_292 {
      %dma_wait3A_392 = arith.constant 154 : i32
      %dma_wait3A_393 = arith.constant 0 : i32
      %dma_wait3A_394 = tpu.memref_slice %arg10[%dma_wait3A_392, %dma_wait3A_393] : memref<157x128xi32, #tpu.memory_space<vmem>> -> memref<1x128xi32, #tpu.memory_space<vmem>>
      %dma_wait3A_395 = tpu.memref_squeeze %dma_wait3A_394 : memref<1x128xi32, #tpu.memory_space<vmem>> -> memref<128xi32, #tpu.memory_space<vmem>>
      %dma_wait3A_396 = arith.constant 0 : i32
      %dma_wait3A_397 = arith.constant 0 : i32
      %dma_wait3A_398 = tpu.memref_slice %arg17[%dma_wait3A_396, %dma_wait3A_397] : memref<10240x16xf32, #tpu.memory_space<vmem_shared>> -> memref<10240x16xf32, #tpu.memory_space<vmem_shared>>
      tpu.wait_indirect_dma semaphore(%arg26 : memref<!tpu.dma_semaphore, #tpu.memory_space<semaphore_mem>>) src(%arg15 : memref<128x16xf32, #tpu.memory_space<vmem>>) dst(%dma_wait3A_398 : memref<10240x16xf32, #tpu.memory_space<vmem_shared>>)
    } else {
    }
    %eq3A_293 = arith.constant 1 : i32
    %eq3A_294 = arith.cmpi eq, %arg0, %eq3A_293 : i32
    %convert_element_type3A_295 = arith.extui %eq3A_294 : i1 to i32
    %cond3A_296 = arith.constant 0 : i32
    %cond3A_297 = arith.cmpi ne, %convert_element_type3A_295, %cond3A_296 : i32
    scf.if %cond3A_297 {
      %dma_wait3A_392 = arith.constant 155 : i32
      %dma_wait3A_393 = arith.constant 0 : i32
      %dma_wait3A_394 = tpu.memref_slice %arg10[%dma_wait3A_392, %dma_wait3A_393] : memref<157x128xi32, #tpu.memory_space<vmem>> -> memref<1x128xi32, #tpu.memory_space<vmem>>
      %dma_wait3A_395 = tpu.memref_squeeze %dma_wait3A_394 : memref<1x128xi32, #tpu.memory_space<vmem>> -> memref<128xi32, #tpu.memory_space<vmem>>
      %dma_wait3A_396 = arith.constant 0 : i32
      %dma_wait3A_397 = arith.constant 0 : i32
      %dma_wait3A_398 = tpu.memref_slice %arg17[%dma_wait3A_396, %dma_wait3A_397] : memref<10240x16xf32, #tpu.memory_space<vmem_shared>> -> memref<10240x16xf32, #tpu.memory_space<vmem_shared>>
      tpu.wait_indirect_dma semaphore(%arg26 : memref<!tpu.dma_semaphore, #tpu.memory_space<semaphore_mem>>) src(%arg15 : memref<128x16xf32, #tpu.memory_space<vmem>>) dst(%dma_wait3A_398 : memref<10240x16xf32, #tpu.memory_space<vmem_shared>>)
    } else {
    }
    %lt3A_298 = arith.constant 4 : i32
    %lt3A_299 = arith.cmpi slt, %arg1, %lt3A_298 : i32
    %convert_element_type3A_300 = arith.extui %lt3A_299 : i1 to i32
    %cond3A_301 = arith.constant 0 : i32
    %cond3A_302 = arith.cmpi ne, %convert_element_type3A_300, %cond3A_301 : i32
    scf.if %cond3A_302 {
      %dma_start3A_392 = arith.constant 156 : i32
      %dma_start3A_393 = arith.constant 0 : i32
      %dma_start3A_394 = tpu.memref_slice %arg9[%dma_start3A_392, %dma_start3A_393] : memref<157x128xi32, #tpu.memory_space<vmem>> -> memref<1x128xi32, #tpu.memory_space<vmem>>
      %dma_start3A_395 = tpu.memref_squeeze %dma_start3A_394 : memref<1x128xi32, #tpu.memory_space<vmem>> -> memref<128xi32, #tpu.memory_space<vmem>>
      %dma_start3A_396 = arith.constant 0 : i32
      %dma_start3A_397 = tpu.memref_slice %arg2[%multiple_of3A_135, %dma_start3A_396] : memref<20000x64xf32, #tpu.memory_space<hbm>> -> memref<10000x64xf32, #tpu.memory_space<hbm>>
      %dma_start3A_398 = arith.constant 0 : i32
      %dma_start3A_399 = arith.constant 0 : i32
      %dma_start3A_400 = tpu.memref_slice %dma_start3A_397[%dma_start3A_398, %dma_start3A_399] : memref<10000x64xf32, #tpu.memory_space<hbm>> -> memref<10000x64xf32, #tpu.memory_space<hbm>>
      tpu.enqueue_indirect_dma source(%dma_start3A_400 : memref<10000x64xf32, #tpu.memory_space<hbm>>) target(%arg11 : memref<128x64xf32, #tpu.memory_space<vmem>>) offsets(%dma_start3A_395 : memref<128xi32, #tpu.memory_space<vmem>>) semaphore(%arg18 : memref<!tpu.dma_semaphore, #tpu.memory_space<semaphore_mem>>)
      %dma_wait3A_401 = arith.constant 156 : i32
      %dma_wait3A_402 = arith.constant 0 : i32
      %dma_wait3A_403 = tpu.memref_slice %arg9[%dma_wait3A_401, %dma_wait3A_402] : memref<157x128xi32, #tpu.memory_space<vmem>> -> memref<1x128xi32, #tpu.memory_space<vmem>>
      %dma_wait3A_404 = tpu.memref_squeeze %dma_wait3A_403 : memref<1x128xi32, #tpu.memory_space<vmem>> -> memref<128xi32, #tpu.memory_space<vmem>>
      %dma_wait3A_405 = arith.constant 0 : i32
      %dma_wait3A_406 = tpu.memref_slice %arg2[%multiple_of3A_135, %dma_wait3A_405] : memref<20000x64xf32, #tpu.memory_space<hbm>> -> memref<10000x64xf32, #tpu.memory_space<hbm>>
      %dma_wait3A_407 = arith.constant 0 : i32
      %dma_wait3A_408 = arith.constant 0 : i32
      %dma_wait3A_409 = tpu.memref_slice %dma_wait3A_406[%dma_wait3A_407, %dma_wait3A_408] : memref<10000x64xf32, #tpu.memory_space<hbm>> -> memref<10000x64xf32, #tpu.memory_space<hbm>>
      tpu.wait_indirect_dma semaphore(%arg18 : memref<!tpu.dma_semaphore, #tpu.memory_space<semaphore_mem>>) src(%dma_wait3A_409 : memref<10000x64xf32, #tpu.memory_space<hbm>>) dst(%arg11 : memref<128x64xf32, #tpu.memory_space<vmem>>)
      %dma_start3A_410 = arith.constant 156 : i32
      %dma_start3A_411 = arith.constant 0 : i32
      %dma_start3A_412 = tpu.memref_slice %arg10[%dma_start3A_410, %dma_start3A_411] : memref<157x128xi32, #tpu.memory_space<vmem>> -> memref<1x128xi32, #tpu.memory_space<vmem>>
      %dma_start3A_413 = tpu.memref_squeeze %dma_start3A_412 : memref<1x128xi32, #tpu.memory_space<vmem>> -> memref<128xi32, #tpu.memory_space<vmem>>
      %dma_start3A_414 = arith.constant 0 : i32
      %dma_start3A_415 = arith.constant 0 : i32
      %dma_start3A_416 = tpu.memref_slice %arg16[%dma_start3A_414, %dma_start3A_415] : memref<10240x64xf32, #tpu.memory_space<vmem_shared>> -> memref<10240x64xf32, #tpu.memory_space<vmem_shared>>
      tpu.enqueue_indirect_dma source(%arg11 : memref<128x64xf32, #tpu.memory_space<vmem>>) target(%dma_start3A_416 : memref<10240x64xf32, #tpu.memory_space<vmem_shared>>) offsets(%dma_start3A_413 : memref<128xi32, #tpu.memory_space<vmem>>) semaphore(%arg22 : memref<!tpu.dma_semaphore, #tpu.memory_space<semaphore_mem>>) {add = true}
      %dma_wait3A_417 = arith.constant 156 : i32
      %dma_wait3A_418 = arith.constant 0 : i32
      %dma_wait3A_419 = tpu.memref_slice %arg10[%dma_wait3A_417, %dma_wait3A_418] : memref<157x128xi32, #tpu.memory_space<vmem>> -> memref<1x128xi32, #tpu.memory_space<vmem>>
      %dma_wait3A_420 = tpu.memref_squeeze %dma_wait3A_419 : memref<1x128xi32, #tpu.memory_space<vmem>> -> memref<128xi32, #tpu.memory_space<vmem>>
      %dma_wait3A_421 = arith.constant 0 : i32
      %dma_wait3A_422 = arith.constant 0 : i32
      %dma_wait3A_423 = tpu.memref_slice %arg16[%dma_wait3A_421, %dma_wait3A_422] : memref<10240x64xf32, #tpu.memory_space<vmem_shared>> -> memref<10240x64xf32, #tpu.memory_space<vmem_shared>>
      tpu.wait_indirect_dma semaphore(%arg22 : memref<!tpu.dma_semaphore, #tpu.memory_space<semaphore_mem>>) src(%arg11 : memref<128x64xf32, #tpu.memory_space<vmem>>) dst(%dma_wait3A_423 : memref<10240x64xf32, #tpu.memory_space<vmem_shared>>)
      %jit3A = arith.constant 2 : i32
      %eq3A_424 = arith.constant 0 : i32
      %eq3A_425 = arith.cmpi eq, %jit3A, %eq3A_424 : i32
      %jit3A_426 = arith.constant 1 : i32
      %select_n3A = arith.select %eq3A_425, %jit3A_426, %jit3A : i32
      %rem3A = arith.remsi %arg1, %select_n3A : i32
      %ne3A = arith.constant 0 : i32
      %ne3A_427 = arith.cmpi ne, %rem3A, %ne3A : i32
      %lt3A_428 = arith.constant 0 : i32
      %lt3A_429 = arith.cmpi slt, %rem3A, %lt3A_428 : i32
      %lt3A_430 = arith.constant 0 : i32
      %lt3A_431 = arith.cmpi slt, %select_n3A, %lt3A_430 : i32
      %ne3A_432 = arith.xori %lt3A_429, %lt3A_431 : i1
      %and3A = arith.andi %ne3A_432, %ne3A_427 : i1
      %add3A_433 = arith.addi %rem3A, %select_n3A : i32
      %select_n3A_434 = arith.select %and3A, %add3A_433, %rem3A : i32
      %eq3A_435 = arith.cmpi eq, %arg0, %select_n3A_434 : i32
      %convert_element_type3A_436 = arith.extui %eq3A_435 : i1 to i32
      %cond3A_437 = arith.constant 0 : i32
      %cond3A_438 = arith.cmpi ne, %convert_element_type3A_436, %cond3A_437 : i32
      scf.if %cond3A_438 {
        %dma_start3A_439 = arith.constant 156 : i32
        %dma_start3A_440 = arith.constant 0 : i32
        %dma_start3A_441 = tpu.memref_slice %arg10[%dma_start3A_439, %dma_start3A_440] : memref<157x128xi32, #tpu.memory_space<vmem>> -> memref<1x128xi32, #tpu.memory_space<vmem>>
        %dma_start3A_442 = tpu.memref_squeeze %dma_start3A_441 : memref<1x128xi32, #tpu.memory_space<vmem>> -> memref<128xi32, #tpu.memory_space<vmem>>
        %dma_start3A_443 = arith.constant 0 : i32
        %dma_start3A_444 = arith.constant 0 : i32
        %dma_start3A_445 = tpu.memref_slice %arg17[%dma_start3A_443, %dma_start3A_444] : memref<10240x16xf32, #tpu.memory_space<vmem_shared>> -> memref<10240x16xf32, #tpu.memory_space<vmem_shared>>
        tpu.enqueue_indirect_dma source(%arg15 : memref<128x16xf32, #tpu.memory_space<vmem>>) target(%dma_start3A_445 : memref<10240x16xf32, #tpu.memory_space<vmem_shared>>) offsets(%dma_start3A_442 : memref<128xi32, #tpu.memory_space<vmem>>) semaphore(%arg26 : memref<!tpu.dma_semaphore, #tpu.memory_space<semaphore_mem>>) {add = true}
        %dma_wait3A_446 = arith.constant 156 : i32
        %dma_wait3A_447 = arith.constant 0 : i32
        %dma_wait3A_448 = tpu.memref_slice %arg10[%dma_wait3A_446, %dma_wait3A_447] : memref<157x128xi32, #tpu.memory_space<vmem>> -> memref<1x128xi32, #tpu.memory_space<vmem>>
        %dma_wait3A_449 = tpu.memref_squeeze %dma_wait3A_448 : memref<1x128xi32, #tpu.memory_space<vmem>> -> memref<128xi32, #tpu.memory_space<vmem>>
        %dma_wait3A_450 = arith.constant 0 : i32
        %dma_wait3A_451 = arith.constant 0 : i32
        %dma_wait3A_452 = tpu.memref_slice %arg17[%dma_wait3A_450, %dma_wait3A_451] : memref<10240x16xf32, #tpu.memory_space<vmem_shared>> -> memref<10240x16xf32, #tpu.memory_space<vmem_shared>>
        tpu.wait_indirect_dma semaphore(%arg26 : memref<!tpu.dma_semaphore, #tpu.memory_space<semaphore_mem>>) src(%arg15 : memref<128x16xf32, #tpu.memory_space<vmem>>) dst(%dma_wait3A_452 : memref<10240x16xf32, #tpu.memory_space<vmem_shared>>)
      } else {
      }
    } else {
    }
    %barrier3A_303 = arith.constant 0 : index
    tpu.barrier barrier_id(%barrier3A_303)
    %mul3A_304 = arith.constant 640 : i32
    %mul3A_305 = arith.muli %arg1, %mul3A_304 : i32
    %add3A_306 = arith.constant 0 : i32
    %add3A_307 = arith.addi %mul3A_305, %add3A_306 : i32
    %dma_start3A_308 = tpu.memref_slice %arg7[%add3A_307, %multiple_of3A] : memref<10240x128xf32, #tpu.memory_space<hbm>> -> memref<128x64xf32, #tpu.memory_space<hbm>>
    %dma_start3A_309 = arith.constant 0 : i32
    %dma_start3A_310 = tpu.memref_slice %arg16[%add3A_307, %dma_start3A_309] : memref<10240x64xf32, #tpu.memory_space<vmem_shared>> -> memref<128x64xf32, #tpu.memory_space<vmem_shared>>
    tpu.enqueue_dma source(%dma_start3A_310 : memref<128x64xf32, #tpu.memory_space<vmem_shared>>) target(%dma_start3A_308 : memref<128x64xf32, #tpu.memory_space<hbm>>) target_semaphore(%arg22 : memref<!tpu.dma_semaphore, #tpu.memory_space<semaphore_mem>>)
    %mul3A_311 = arith.constant 640 : i32
    %mul3A_312 = arith.muli %arg1, %mul3A_311 : i32
    %add3A_313 = arith.constant 128 : i32
    %add3A_314 = arith.addi %mul3A_312, %add3A_313 : i32
    %dma_start3A_315 = tpu.memref_slice %arg7[%add3A_314, %multiple_of3A] : memref<10240x128xf32, #tpu.memory_space<hbm>> -> memref<128x64xf32, #tpu.memory_space<hbm>>
    %dma_start3A_316 = arith.constant 0 : i32
    %dma_start3A_317 = tpu.memref_slice %arg16[%add3A_314, %dma_start3A_316] : memref<10240x64xf32, #tpu.memory_space<vmem_shared>> -> memref<128x64xf32, #tpu.memory_space<vmem_shared>>
    tpu.enqueue_dma source(%dma_start3A_317 : memref<128x64xf32, #tpu.memory_space<vmem_shared>>) target(%dma_start3A_315 : memref<128x64xf32, #tpu.memory_space<hbm>>) target_semaphore(%arg22 : memref<!tpu.dma_semaphore, #tpu.memory_space<semaphore_mem>>)
    %mul3A_318 = arith.constant 640 : i32
    %mul3A_319 = arith.muli %arg1, %mul3A_318 : i32
    %add3A_320 = arith.constant 256 : i32
    %add3A_321 = arith.addi %mul3A_319, %add3A_320 : i32
    %dma_start3A_322 = tpu.memref_slice %arg7[%add3A_321, %multiple_of3A] : memref<10240x128xf32, #tpu.memory_space<hbm>> -> memref<128x64xf32, #tpu.memory_space<hbm>>
    %dma_start3A_323 = arith.constant 0 : i32
    %dma_start3A_324 = tpu.memref_slice %arg16[%add3A_321, %dma_start3A_323] : memref<10240x64xf32, #tpu.memory_space<vmem_shared>> -> memref<128x64xf32, #tpu.memory_space<vmem_shared>>
    tpu.enqueue_dma source(%dma_start3A_324 : memref<128x64xf32, #tpu.memory_space<vmem_shared>>) target(%dma_start3A_322 : memref<128x64xf32, #tpu.memory_space<hbm>>) target_semaphore(%arg22 : memref<!tpu.dma_semaphore, #tpu.memory_space<semaphore_mem>>)
    %mul3A_325 = arith.constant 640 : i32
    %mul3A_326 = arith.muli %arg1, %mul3A_325 : i32
    %add3A_327 = arith.constant 384 : i32
    %add3A_328 = arith.addi %mul3A_326, %add3A_327 : i32
    %dma_start3A_329 = tpu.memref_slice %arg7[%add3A_328, %multiple_of3A] : memref<10240x128xf32, #tpu.memory_space<hbm>> -> memref<128x64xf32, #tpu.memory_space<hbm>>
    %dma_start3A_330 = arith.constant 0 : i32
    %dma_start3A_331 = tpu.memref_slice %arg16[%add3A_328, %dma_start3A_330] : memref<10240x64xf32, #tpu.memory_space<vmem_shared>> -> memref<128x64xf32, #tpu.memory_space<vmem_shared>>
    tpu.enqueue_dma source(%dma_start3A_331 : memref<128x64xf32, #tpu.memory_space<vmem_shared>>) target(%dma_start3A_329 : memref<128x64xf32, #tpu.memory_space<hbm>>) target_semaphore(%arg22 : memref<!tpu.dma_semaphore, #tpu.memory_space<semaphore_mem>>)
    %mul3A_332 = arith.constant 640 : i32
    %mul3A_333 = arith.muli %arg1, %mul3A_332 : i32
    %add3A_334 = arith.constant 512 : i32
    %add3A_335 = arith.addi %mul3A_333, %add3A_334 : i32
    %dma_start3A_336 = tpu.memref_slice %arg7[%add3A_335, %multiple_of3A] : memref<10240x128xf32, #tpu.memory_space<hbm>> -> memref<128x64xf32, #tpu.memory_space<hbm>>
    %dma_start3A_337 = arith.constant 0 : i32
    %dma_start3A_338 = tpu.memref_slice %arg16[%add3A_335, %dma_start3A_337] : memref<10240x64xf32, #tpu.memory_space<vmem_shared>> -> memref<128x64xf32, #tpu.memory_space<vmem_shared>>
    tpu.enqueue_dma source(%dma_start3A_338 : memref<128x64xf32, #tpu.memory_space<vmem_shared>>) target(%dma_start3A_336 : memref<128x64xf32, #tpu.memory_space<hbm>>) target_semaphore(%arg22 : memref<!tpu.dma_semaphore, #tpu.memory_space<semaphore_mem>>)
    %mul3A_339 = arith.constant 640 : i32
    %mul3A_340 = arith.muli %arg1, %mul3A_339 : i32
    %mul3A_341 = arith.constant 640 : i32
    %mul3A_342 = arith.muli %arg1, %mul3A_341 : i32
    %dma_start3A_343 = arith.constant 0 : i32
    %dma_start3A_344 = tpu.memref_slice %arg8[%arg0, %mul3A_342, %dma_start3A_343] : memref<2x10240x16xf32, #tpu.memory_space<hbm>> -> memref<1x640x16xf32, #tpu.memory_space<hbm>>
    %dma_start3A_345 = tpu.memref_squeeze %dma_start3A_344 : memref<1x640x16xf32, #tpu.memory_space<hbm>> -> memref<640x16xf32, #tpu.memory_space<hbm>>
    %dma_start3A_346 = arith.constant 0 : i32
    %dma_start3A_347 = tpu.memref_slice %arg17[%mul3A_340, %dma_start3A_346] : memref<10240x16xf32, #tpu.memory_space<vmem_shared>> -> memref<640x16xf32, #tpu.memory_space<vmem_shared>>
    tpu.enqueue_dma source(%dma_start3A_347 : memref<640x16xf32, #tpu.memory_space<vmem_shared>>) target(%dma_start3A_345 : memref<640x16xf32, #tpu.memory_space<hbm>>) target_semaphore(%arg23 : memref<!tpu.dma_semaphore, #tpu.memory_space<semaphore_mem>>)
    %mul3A_348 = arith.constant 640 : i32
    %mul3A_349 = arith.muli %arg1, %mul3A_348 : i32
    %add3A_350 = arith.constant 0 : i32
    %add3A_351 = arith.addi %mul3A_349, %add3A_350 : i32
    %dma_wait3A_352 = tpu.memref_slice %arg7[%add3A_351, %multiple_of3A] : memref<10240x128xf32, #tpu.memory_space<hbm>> -> memref<128x64xf32, #tpu.memory_space<hbm>>
    %dma_wait3A_353 = arith.constant 0 : i32
    %dma_wait3A_354 = tpu.memref_slice %arg16[%add3A_351, %dma_wait3A_353] : memref<10240x64xf32, #tpu.memory_space<vmem_shared>> -> memref<128x64xf32, #tpu.memory_space<vmem_shared>>
    tpu.wait_dma2 semaphore(%arg22 : memref<!tpu.dma_semaphore, #tpu.memory_space<semaphore_mem>>) src(%dma_wait3A_354 : memref<128x64xf32, #tpu.memory_space<vmem_shared>>) dst(%dma_wait3A_352 : memref<128x64xf32, #tpu.memory_space<hbm>>)
    %mul3A_355 = arith.constant 640 : i32
    %mul3A_356 = arith.muli %arg1, %mul3A_355 : i32
    %add3A_357 = arith.constant 128 : i32
    %add3A_358 = arith.addi %mul3A_356, %add3A_357 : i32
    %dma_wait3A_359 = tpu.memref_slice %arg7[%add3A_358, %multiple_of3A] : memref<10240x128xf32, #tpu.memory_space<hbm>> -> memref<128x64xf32, #tpu.memory_space<hbm>>
    %dma_wait3A_360 = arith.constant 0 : i32
    %dma_wait3A_361 = tpu.memref_slice %arg16[%add3A_358, %dma_wait3A_360] : memref<10240x64xf32, #tpu.memory_space<vmem_shared>> -> memref<128x64xf32, #tpu.memory_space<vmem_shared>>
    tpu.wait_dma2 semaphore(%arg22 : memref<!tpu.dma_semaphore, #tpu.memory_space<semaphore_mem>>) src(%dma_wait3A_361 : memref<128x64xf32, #tpu.memory_space<vmem_shared>>) dst(%dma_wait3A_359 : memref<128x64xf32, #tpu.memory_space<hbm>>)
    %mul3A_362 = arith.constant 640 : i32
    %mul3A_363 = arith.muli %arg1, %mul3A_362 : i32
    %add3A_364 = arith.constant 256 : i32
    %add3A_365 = arith.addi %mul3A_363, %add3A_364 : i32
    %dma_wait3A_366 = tpu.memref_slice %arg7[%add3A_365, %multiple_of3A] : memref<10240x128xf32, #tpu.memory_space<hbm>> -> memref<128x64xf32, #tpu.memory_space<hbm>>
    %dma_wait3A_367 = arith.constant 0 : i32
    %dma_wait3A_368 = tpu.memref_slice %arg16[%add3A_365, %dma_wait3A_367] : memref<10240x64xf32, #tpu.memory_space<vmem_shared>> -> memref<128x64xf32, #tpu.memory_space<vmem_shared>>
    tpu.wait_dma2 semaphore(%arg22 : memref<!tpu.dma_semaphore, #tpu.memory_space<semaphore_mem>>) src(%dma_wait3A_368 : memref<128x64xf32, #tpu.memory_space<vmem_shared>>) dst(%dma_wait3A_366 : memref<128x64xf32, #tpu.memory_space<hbm>>)
    %mul3A_369 = arith.constant 640 : i32
    %mul3A_370 = arith.muli %arg1, %mul3A_369 : i32
    %add3A_371 = arith.constant 384 : i32
    %add3A_372 = arith.addi %mul3A_370, %add3A_371 : i32
    %dma_wait3A_373 = tpu.memref_slice %arg7[%add3A_372, %multiple_of3A] : memref<10240x128xf32, #tpu.memory_space<hbm>> -> memref<128x64xf32, #tpu.memory_space<hbm>>
    %dma_wait3A_374 = arith.constant 0 : i32
    %dma_wait3A_375 = tpu.memref_slice %arg16[%add3A_372, %dma_wait3A_374] : memref<10240x64xf32, #tpu.memory_space<vmem_shared>> -> memref<128x64xf32, #tpu.memory_space<vmem_shared>>
    tpu.wait_dma2 semaphore(%arg22 : memref<!tpu.dma_semaphore, #tpu.memory_space<semaphore_mem>>) src(%dma_wait3A_375 : memref<128x64xf32, #tpu.memory_space<vmem_shared>>) dst(%dma_wait3A_373 : memref<128x64xf32, #tpu.memory_space<hbm>>)
    %mul3A_376 = arith.constant 640 : i32
    %mul3A_377 = arith.muli %arg1, %mul3A_376 : i32
    %add3A_378 = arith.constant 512 : i32
    %add3A_379 = arith.addi %mul3A_377, %add3A_378 : i32
    %dma_wait3A_380 = tpu.memref_slice %arg7[%add3A_379, %multiple_of3A] : memref<10240x128xf32, #tpu.memory_space<hbm>> -> memref<128x64xf32, #tpu.memory_space<hbm>>
    %dma_wait3A_381 = arith.constant 0 : i32
    %dma_wait3A_382 = tpu.memref_slice %arg16[%add3A_379, %dma_wait3A_381] : memref<10240x64xf32, #tpu.memory_space<vmem_shared>> -> memref<128x64xf32, #tpu.memory_space<vmem_shared>>
    tpu.wait_dma2 semaphore(%arg22 : memref<!tpu.dma_semaphore, #tpu.memory_space<semaphore_mem>>) src(%dma_wait3A_382 : memref<128x64xf32, #tpu.memory_space<vmem_shared>>) dst(%dma_wait3A_380 : memref<128x64xf32, #tpu.memory_space<hbm>>)
    %mul3A_383 = arith.constant 640 : i32
    %mul3A_384 = arith.muli %arg1, %mul3A_383 : i32
    %mul3A_385 = arith.constant 640 : i32
    %mul3A_386 = arith.muli %arg1, %mul3A_385 : i32
    %dma_wait3A_387 = arith.constant 0 : i32
    %dma_wait3A_388 = tpu.memref_slice %arg8[%arg0, %mul3A_386, %dma_wait3A_387] : memref<2x10240x16xf32, #tpu.memory_space<hbm>> -> memref<1x640x16xf32, #tpu.memory_space<hbm>>
    %dma_wait3A_389 = tpu.memref_squeeze %dma_wait3A_388 : memref<1x640x16xf32, #tpu.memory_space<hbm>> -> memref<640x16xf32, #tpu.memory_space<hbm>>
    %dma_wait3A_390 = arith.constant 0 : i32
    %dma_wait3A_391 = tpu.memref_slice %arg17[%mul3A_384, %dma_wait3A_390] : memref<10240x16xf32, #tpu.memory_space<vmem_shared>> -> memref<640x16xf32, #tpu.memory_space<vmem_shared>>
    tpu.wait_dma2 semaphore(%arg23 : memref<!tpu.dma_semaphore, #tpu.memory_space<semaphore_mem>>) src(%dma_wait3A_391 : memref<640x16xf32, #tpu.memory_space<vmem_shared>>) dst(%dma_wait3A_389 : memref<640x16xf32, #tpu.memory_space<hbm>>)
    return
  }
}

#map = affine_map<(d0, d1) -> (0, 0)>
#map1 = affine_map<(d0, d1) -> (0, 0, 0)>
module attributes {stable_mosaic.version = 14 : i64} {
  func.func @_seg_sum_body(%arg0: i32, %arg1: i32, %arg2: memref<20000x64xf32, #tpu.memory_space<hbm>>, %arg3: memref<2x2500x128xi32, #tpu.memory_space<hbm>>, %arg4: memref<128x64xf32, #tpu.memory_space<hbm>>, %arg5: memref<10240x128xf32, #tpu.memory_space<hbm>>, %arg6: memref<157x128xi32, #tpu.memory_space<vmem>>, %arg7: memref<157x128xi32, #tpu.memory_space<vmem>>, %arg8: memref<128x64xf32, #tpu.memory_space<vmem>>, %arg9: memref<128x64xf32, #tpu.memory_space<vmem>>, %arg10: memref<128x64xf32, #tpu.memory_space<vmem>>, %arg11: memref<128x64xf32, #tpu.memory_space<vmem>>, %arg12: memref<10240x64xf32, #tpu.memory_space<vmem_shared>>, %arg13: memref<!tpu.dma_semaphore, #tpu.memory_space<semaphore_mem>>, %arg14: memref<!tpu.dma_semaphore, #tpu.memory_space<semaphore_mem>>, %arg15: memref<!tpu.dma_semaphore, #tpu.memory_space<semaphore_mem>>, %arg16: memref<!tpu.dma_semaphore, #tpu.memory_space<semaphore_mem>>, %arg17: memref<!tpu.dma_semaphore, #tpu.memory_space<semaphore_mem>>, %arg18: memref<!tpu.dma_semaphore, #tpu.memory_space<semaphore_mem>>, %arg19: memref<!tpu.dma_semaphore, #tpu.memory_space<semaphore_mem>>, %arg20: memref<!tpu.dma_semaphore, #tpu.memory_space<semaphore_mem>>) attributes {dimension_semantics = [#tpu.dimension_semantics<core_parallel>, #tpu.dimension_semantics<subcore_parallel>], iteration_bounds = array<i64: 2, 16>, scalar_prefetch = 0 : i64, scratch_operands = 15 : i64, tpu.core_type = #tpu.core_type<sc_vector_subcore>, window_params = [{transform_indices = #map}, {transform_indices = #map1}, {transform_indices = #map}, {transform_indices = #map}]} {
    %mul3A = arith.constant 640 : i32
    %mul3A_0 = arith.muli %arg1, %mul3A : i32
    %add3A = arith.constant 0 : i32
    %add3A_1 = arith.addi %mul3A_0, %add3A : i32
    %dma_start3A = arith.constant 0 : i32
    %dma_start3A_2 = tpu.memref_slice %arg12[%add3A_1, %dma_start3A] : memref<10240x64xf32, #tpu.memory_space<vmem_shared>> -> memref<128x64xf32, #tpu.memory_space<vmem_shared>>
    tpu.enqueue_dma source(%arg4 : memref<128x64xf32, #tpu.memory_space<hbm>>) target(%dma_start3A_2 : memref<128x64xf32, #tpu.memory_space<vmem_shared>>) target_semaphore(%arg13 : memref<!tpu.dma_semaphore, #tpu.memory_space<semaphore_mem>>)
    %mul3A_3 = arith.constant 640 : i32
    %mul3A_4 = arith.muli %arg1, %mul3A_3 : i32
    %add3A_5 = arith.constant 128 : i32
    %add3A_6 = arith.addi %mul3A_4, %add3A_5 : i32
    %dma_start3A_7 = arith.constant 0 : i32
    %dma_start3A_8 = tpu.memref_slice %arg12[%add3A_6, %dma_start3A_7] : memref<10240x64xf32, #tpu.memory_space<vmem_shared>> -> memref<128x64xf32, #tpu.memory_space<vmem_shared>>
    tpu.enqueue_dma source(%arg4 : memref<128x64xf32, #tpu.memory_space<hbm>>) target(%dma_start3A_8 : memref<128x64xf32, #tpu.memory_space<vmem_shared>>) target_semaphore(%arg13 : memref<!tpu.dma_semaphore, #tpu.memory_space<semaphore_mem>>)
    %mul3A_9 = arith.constant 640 : i32
    %mul3A_10 = arith.muli %arg1, %mul3A_9 : i32
    %add3A_11 = arith.constant 256 : i32
    %add3A_12 = arith.addi %mul3A_10, %add3A_11 : i32
    %dma_start3A_13 = arith.constant 0 : i32
    %dma_start3A_14 = tpu.memref_slice %arg12[%add3A_12, %dma_start3A_13] : memref<10240x64xf32, #tpu.memory_space<vmem_shared>> -> memref<128x64xf32, #tpu.memory_space<vmem_shared>>
    tpu.enqueue_dma source(%arg4 : memref<128x64xf32, #tpu.memory_space<hbm>>) target(%dma_start3A_14 : memref<128x64xf32, #tpu.memory_space<vmem_shared>>) target_semaphore(%arg13 : memref<!tpu.dma_semaphore, #tpu.memory_space<semaphore_mem>>)
    %mul3A_15 = arith.constant 640 : i32
    %mul3A_16 = arith.muli %arg1, %mul3A_15 : i32
    %add3A_17 = arith.constant 384 : i32
    %add3A_18 = arith.addi %mul3A_16, %add3A_17 : i32
    %dma_start3A_19 = arith.constant 0 : i32
    %dma_start3A_20 = tpu.memref_slice %arg12[%add3A_18, %dma_start3A_19] : memref<10240x64xf32, #tpu.memory_space<vmem_shared>> -> memref<128x64xf32, #tpu.memory_space<vmem_shared>>
    tpu.enqueue_dma source(%arg4 : memref<128x64xf32, #tpu.memory_space<hbm>>) target(%dma_start3A_20 : memref<128x64xf32, #tpu.memory_space<vmem_shared>>) target_semaphore(%arg13 : memref<!tpu.dma_semaphore, #tpu.memory_space<semaphore_mem>>)
    %mul3A_21 = arith.constant 640 : i32
    %mul3A_22 = arith.muli %arg1, %mul3A_21 : i32
    %add3A_23 = arith.constant 512 : i32
    %add3A_24 = arith.addi %mul3A_22, %add3A_23 : i32
    %dma_start3A_25 = arith.constant 0 : i32
    %dma_start3A_26 = tpu.memref_slice %arg12[%add3A_24, %dma_start3A_25] : memref<10240x64xf32, #tpu.memory_space<vmem_shared>> -> memref<128x64xf32, #tpu.memory_space<vmem_shared>>
    tpu.enqueue_dma source(%arg4 : memref<128x64xf32, #tpu.memory_space<hbm>>) target(%dma_start3A_26 : memref<128x64xf32, #tpu.memory_space<vmem_shared>>) target_semaphore(%arg13 : memref<!tpu.dma_semaphore, #tpu.memory_space<semaphore_mem>>)
    %mul3A_27 = arith.constant 156 : i32
    %mul3A_28 = arith.muli %arg1, %mul3A_27 : i32
    %dma_start3A_29 = arith.constant 0 : i32
    %dma_start3A_30 = arith.constant 0 : i32
    %dma_start3A_31 = arith.constant 0 : i32
    %dma_start3A_32 = tpu.memref_slice %arg6[%dma_start3A_30, %dma_start3A_31] : memref<157x128xi32, #tpu.memory_space<vmem>> -> memref<156x128xi32, #tpu.memory_space<vmem>>
    %dma_start3A_33 = arith.constant 0 : i32
    %dma_start3A_34 = tpu.memref_slice %arg3[%dma_start3A_29, %mul3A_28, %dma_start3A_33] : memref<2x2500x128xi32, #tpu.memory_space<hbm>> -> memref<1x156x128xi32, #tpu.memory_space<hbm>>
    %dma_start3A_35 = tpu.memref_squeeze %dma_start3A_34 : memref<1x156x128xi32, #tpu.memory_space<hbm>> -> memref<156x128xi32, #tpu.memory_space<hbm>>
    %dma_start3A_36 = arith.constant 0 : i32
    %dma_start3A_37 = arith.constant 0 : i32
    %dma_start3A_38 = tpu.memref_slice %arg6[%dma_start3A_36, %dma_start3A_37] : memref<157x128xi32, #tpu.memory_space<vmem>> -> memref<156x128xi32, #tpu.memory_space<vmem>>
    %dma_start3A_39 = arith.constant 0 : i32
    %dma_start3A_40 = tpu.memref_slice %arg3[%dma_start3A_29, %mul3A_28, %dma_start3A_39] : memref<2x2500x128xi32, #tpu.memory_space<hbm>> -> memref<1x156x128xi32, #tpu.memory_space<hbm>>
    %dma_start3A_41 = tpu.memref_squeeze %dma_start3A_40 : memref<1x156x128xi32, #tpu.memory_space<hbm>> -> memref<156x128xi32, #tpu.memory_space<hbm>>
    tpu.enqueue_dma source(%dma_start3A_41 : memref<156x128xi32, #tpu.memory_space<hbm>>) target(%dma_start3A_38 : memref<156x128xi32, #tpu.memory_space<vmem>>) target_semaphore(%arg14 : memref<!tpu.dma_semaphore, #tpu.memory_space<semaphore_mem>>)
    %mul3A_42 = arith.constant 156 : i32
    %mul3A_43 = arith.muli %arg1, %mul3A_42 : i32
    %dma_start3A_44 = arith.constant 1 : i32
    %dma_start3A_45 = arith.constant 0 : i32
    %dma_start3A_46 = arith.constant 0 : i32
    %dma_start3A_47 = tpu.memref_slice %arg7[%dma_start3A_45, %dma_start3A_46] : memref<157x128xi32, #tpu.memory_space<vmem>> -> memref<156x128xi32, #tpu.memory_space<vmem>>
    %dma_start3A_48 = arith.constant 0 : i32
    %dma_start3A_49 = tpu.memref_slice %arg3[%dma_start3A_44, %mul3A_43, %dma_start3A_48] : memref<2x2500x128xi32, #tpu.memory_space<hbm>> -> memref<1x156x128xi32, #tpu.memory_space<hbm>>
    %dma_start3A_50 = tpu.memref_squeeze %dma_start3A_49 : memref<1x156x128xi32, #tpu.memory_space<hbm>> -> memref<156x128xi32, #tpu.memory_space<hbm>>
    %dma_start3A_51 = arith.constant 0 : i32
    %dma_start3A_52 = arith.constant 0 : i32
    %dma_start3A_53 = tpu.memref_slice %arg7[%dma_start3A_51, %dma_start3A_52] : memref<157x128xi32, #tpu.memory_space<vmem>> -> memref<156x128xi32, #tpu.memory_space<vmem>>
    %dma_start3A_54 = arith.constant 0 : i32
    %dma_start3A_55 = tpu.memref_slice %arg3[%dma_start3A_44, %mul3A_43, %dma_start3A_54] : memref<2x2500x128xi32, #tpu.memory_space<hbm>> -> memref<1x156x128xi32, #tpu.memory_space<hbm>>
    %dma_start3A_56 = tpu.memref_squeeze %dma_start3A_55 : memref<1x156x128xi32, #tpu.memory_space<hbm>> -> memref<156x128xi32, #tpu.memory_space<hbm>>
    tpu.enqueue_dma source(%dma_start3A_56 : memref<156x128xi32, #tpu.memory_space<hbm>>) target(%dma_start3A_53 : memref<156x128xi32, #tpu.memory_space<vmem>>) target_semaphore(%arg14 : memref<!tpu.dma_semaphore, #tpu.memory_space<semaphore_mem>>)
    %lt3A = arith.constant 4 : i32
    %lt3A_57 = arith.cmpi slt, %arg1, %lt3A : i32
    %convert_element_type3A = arith.extui %lt3A_57 : i1 to i32
    %cond3A = arith.constant 0 : i32
    %cond3A_58 = arith.cmpi ne, %convert_element_type3A, %cond3A : i32
    scf.if %cond3A_58 {
      %add3A_337 = arith.constant 2496 : i32
      %add3A_338 = arith.addi %add3A_337, %arg1 : i32
      %dma_start3A_339 = arith.constant 0 : i32
      %dma_start3A_340 = arith.constant 156 : i32
      %dma_start3A_341 = arith.constant 0 : i32
      %dma_start3A_342 = tpu.memref_slice %arg6[%dma_start3A_340, %dma_start3A_341] : memref<157x128xi32, #tpu.memory_space<vmem>> -> memref<1x128xi32, #tpu.memory_space<vmem>>
      %dma_start3A_343 = arith.constant 0 : i32
      %dma_start3A_344 = tpu.memref_slice %arg3[%dma_start3A_339, %add3A_338, %dma_start3A_343] : memref<2x2500x128xi32, #tpu.memory_space<hbm>> -> memref<1x1x128xi32, #tpu.memory_space<hbm>>
      %dma_start3A_345 = tpu.memref_squeeze %dma_start3A_344 : memref<1x1x128xi32, #tpu.memory_space<hbm>> -> memref<1x128xi32, #tpu.memory_space<hbm>>
      %dma_start3A_346 = arith.constant 156 : i32
      %dma_start3A_347 = arith.constant 0 : i32
      %dma_start3A_348 = tpu.memref_slice %arg6[%dma_start3A_346, %dma_start3A_347] : memref<157x128xi32, #tpu.memory_space<vmem>> -> memref<1x128xi32, #tpu.memory_space<vmem>>
      %dma_start3A_349 = arith.constant 0 : i32
      %dma_start3A_350 = tpu.memref_slice %arg3[%dma_start3A_339, %add3A_338, %dma_start3A_349] : memref<2x2500x128xi32, #tpu.memory_space<hbm>> -> memref<1x1x128xi32, #tpu.memory_space<hbm>>
      %dma_start3A_351 = tpu.memref_squeeze %dma_start3A_350 : memref<1x1x128xi32, #tpu.memory_space<hbm>> -> memref<1x128xi32, #tpu.memory_space<hbm>>
      tpu.enqueue_dma source(%dma_start3A_351 : memref<1x128xi32, #tpu.memory_space<hbm>>) target(%dma_start3A_348 : memref<1x128xi32, #tpu.memory_space<vmem>>) target_semaphore(%arg14 : memref<!tpu.dma_semaphore, #tpu.memory_space<semaphore_mem>>)
      %dma_start3A_352 = arith.constant 1 : i32
      %dma_start3A_353 = arith.constant 156 : i32
      %dma_start3A_354 = arith.constant 0 : i32
      %dma_start3A_355 = tpu.memref_slice %arg7[%dma_start3A_353, %dma_start3A_354] : memref<157x128xi32, #tpu.memory_space<vmem>> -> memref<1x128xi32, #tpu.memory_space<vmem>>
      %dma_start3A_356 = arith.constant 0 : i32
      %dma_start3A_357 = tpu.memref_slice %arg3[%dma_start3A_352, %add3A_338, %dma_start3A_356] : memref<2x2500x128xi32, #tpu.memory_space<hbm>> -> memref<1x1x128xi32, #tpu.memory_space<hbm>>
      %dma_start3A_358 = tpu.memref_squeeze %dma_start3A_357 : memref<1x1x128xi32, #tpu.memory_space<hbm>> -> memref<1x128xi32, #tpu.memory_space<hbm>>
      %dma_start3A_359 = arith.constant 156 : i32
      %dma_start3A_360 = arith.constant 0 : i32
      %dma_start3A_361 = tpu.memref_slice %arg7[%dma_start3A_359, %dma_start3A_360] : memref<157x128xi32, #tpu.memory_space<vmem>> -> memref<1x128xi32, #tpu.memory_space<vmem>>
      %dma_start3A_362 = arith.constant 0 : i32
      %dma_start3A_363 = tpu.memref_slice %arg3[%dma_start3A_352, %add3A_338, %dma_start3A_362] : memref<2x2500x128xi32, #tpu.memory_space<hbm>> -> memref<1x1x128xi32, #tpu.memory_space<hbm>>
      %dma_start3A_364 = tpu.memref_squeeze %dma_start3A_363 : memref<1x1x128xi32, #tpu.memory_space<hbm>> -> memref<1x128xi32, #tpu.memory_space<hbm>>
      tpu.enqueue_dma source(%dma_start3A_364 : memref<1x128xi32, #tpu.memory_space<hbm>>) target(%dma_start3A_361 : memref<1x128xi32, #tpu.memory_space<vmem>>) target_semaphore(%arg14 : memref<!tpu.dma_semaphore, #tpu.memory_space<semaphore_mem>>)
    } else {
    }
    %mul3A_59 = arith.constant 640 : i32
    %mul3A_60 = arith.muli %arg1, %mul3A_59 : i32
    %add3A_61 = arith.constant 0 : i32
    %add3A_62 = arith.addi %mul3A_60, %add3A_61 : i32
    %dma_wait3A = arith.constant 0 : i32
    %dma_wait3A_63 = tpu.memref_slice %arg12[%add3A_62, %dma_wait3A] : memref<10240x64xf32, #tpu.memory_space<vmem_shared>> -> memref<128x64xf32, #tpu.memory_space<vmem_shared>>
    tpu.wait_dma2 semaphore(%arg13 : memref<!tpu.dma_semaphore, #tpu.memory_space<semaphore_mem>>) src(%arg4 : memref<128x64xf32, #tpu.memory_space<hbm>>) dst(%dma_wait3A_63 : memref<128x64xf32, #tpu.memory_space<vmem_shared>>)
    %mul3A_64 = arith.constant 640 : i32
    %mul3A_65 = arith.muli %arg1, %mul3A_64 : i32
    %add3A_66 = arith.constant 128 : i32
    %add3A_67 = arith.addi %mul3A_65, %add3A_66 : i32
    %dma_wait3A_68 = arith.constant 0 : i32
    %dma_wait3A_69 = tpu.memref_slice %arg12[%add3A_67, %dma_wait3A_68] : memref<10240x64xf32, #tpu.memory_space<vmem_shared>> -> memref<128x64xf32, #tpu.memory_space<vmem_shared>>
    tpu.wait_dma2 semaphore(%arg13 : memref<!tpu.dma_semaphore, #tpu.memory_space<semaphore_mem>>) src(%arg4 : memref<128x64xf32, #tpu.memory_space<hbm>>) dst(%dma_wait3A_69 : memref<128x64xf32, #tpu.memory_space<vmem_shared>>)
    %mul3A_70 = arith.constant 640 : i32
    %mul3A_71 = arith.muli %arg1, %mul3A_70 : i32
    %add3A_72 = arith.constant 256 : i32
    %add3A_73 = arith.addi %mul3A_71, %add3A_72 : i32
    %dma_wait3A_74 = arith.constant 0 : i32
    %dma_wait3A_75 = tpu.memref_slice %arg12[%add3A_73, %dma_wait3A_74] : memref<10240x64xf32, #tpu.memory_space<vmem_shared>> -> memref<128x64xf32, #tpu.memory_space<vmem_shared>>
    tpu.wait_dma2 semaphore(%arg13 : memref<!tpu.dma_semaphore, #tpu.memory_space<semaphore_mem>>) src(%arg4 : memref<128x64xf32, #tpu.memory_space<hbm>>) dst(%dma_wait3A_75 : memref<128x64xf32, #tpu.memory_space<vmem_shared>>)
    %mul3A_76 = arith.constant 640 : i32
    %mul3A_77 = arith.muli %arg1, %mul3A_76 : i32
    %add3A_78 = arith.constant 384 : i32
    %add3A_79 = arith.addi %mul3A_77, %add3A_78 : i32
    %dma_wait3A_80 = arith.constant 0 : i32
    %dma_wait3A_81 = tpu.memref_slice %arg12[%add3A_79, %dma_wait3A_80] : memref<10240x64xf32, #tpu.memory_space<vmem_shared>> -> memref<128x64xf32, #tpu.memory_space<vmem_shared>>
    tpu.wait_dma2 semaphore(%arg13 : memref<!tpu.dma_semaphore, #tpu.memory_space<semaphore_mem>>) src(%arg4 : memref<128x64xf32, #tpu.memory_space<hbm>>) dst(%dma_wait3A_81 : memref<128x64xf32, #tpu.memory_space<vmem_shared>>)
    %mul3A_82 = arith.constant 640 : i32
    %mul3A_83 = arith.muli %arg1, %mul3A_82 : i32
    %add3A_84 = arith.constant 512 : i32
    %add3A_85 = arith.addi %mul3A_83, %add3A_84 : i32
    %dma_wait3A_86 = arith.constant 0 : i32
    %dma_wait3A_87 = tpu.memref_slice %arg12[%add3A_85, %dma_wait3A_86] : memref<10240x64xf32, #tpu.memory_space<vmem_shared>> -> memref<128x64xf32, #tpu.memory_space<vmem_shared>>
    tpu.wait_dma2 semaphore(%arg13 : memref<!tpu.dma_semaphore, #tpu.memory_space<semaphore_mem>>) src(%arg4 : memref<128x64xf32, #tpu.memory_space<hbm>>) dst(%dma_wait3A_87 : memref<128x64xf32, #tpu.memory_space<vmem_shared>>)
    %mul3A_88 = arith.constant 156 : i32
    %mul3A_89 = arith.muli %arg1, %mul3A_88 : i32
    %dma_wait3A_90 = arith.constant 0 : i32
    %dma_wait3A_91 = arith.constant 0 : i32
    %dma_wait3A_92 = arith.constant 0 : i32
    %dma_wait3A_93 = tpu.memref_slice %arg6[%dma_wait3A_91, %dma_wait3A_92] : memref<157x128xi32, #tpu.memory_space<vmem>> -> memref<156x128xi32, #tpu.memory_space<vmem>>
    %dma_wait3A_94 = arith.constant 0 : i32
    %dma_wait3A_95 = tpu.memref_slice %arg3[%dma_wait3A_90, %mul3A_89, %dma_wait3A_94] : memref<2x2500x128xi32, #tpu.memory_space<hbm>> -> memref<1x156x128xi32, #tpu.memory_space<hbm>>
    %dma_wait3A_96 = tpu.memref_squeeze %dma_wait3A_95 : memref<1x156x128xi32, #tpu.memory_space<hbm>> -> memref<156x128xi32, #tpu.memory_space<hbm>>
    %dma_wait3A_97 = arith.constant 0 : i32
    %dma_wait3A_98 = arith.constant 0 : i32
    %dma_wait3A_99 = tpu.memref_slice %arg6[%dma_wait3A_97, %dma_wait3A_98] : memref<157x128xi32, #tpu.memory_space<vmem>> -> memref<156x128xi32, #tpu.memory_space<vmem>>
    %dma_wait3A_100 = arith.constant 0 : i32
    %dma_wait3A_101 = tpu.memref_slice %arg3[%dma_wait3A_90, %mul3A_89, %dma_wait3A_100] : memref<2x2500x128xi32, #tpu.memory_space<hbm>> -> memref<1x156x128xi32, #tpu.memory_space<hbm>>
    %dma_wait3A_102 = tpu.memref_squeeze %dma_wait3A_101 : memref<1x156x128xi32, #tpu.memory_space<hbm>> -> memref<156x128xi32, #tpu.memory_space<hbm>>
    tpu.wait_dma2 semaphore(%arg14 : memref<!tpu.dma_semaphore, #tpu.memory_space<semaphore_mem>>) src(%dma_wait3A_102 : memref<156x128xi32, #tpu.memory_space<hbm>>) dst(%dma_wait3A_99 : memref<156x128xi32, #tpu.memory_space<vmem>>)
    %mul3A_103 = arith.constant 156 : i32
    %mul3A_104 = arith.muli %arg1, %mul3A_103 : i32
    %dma_wait3A_105 = arith.constant 1 : i32
    %dma_wait3A_106 = arith.constant 0 : i32
    %dma_wait3A_107 = arith.constant 0 : i32
    %dma_wait3A_108 = tpu.memref_slice %arg7[%dma_wait3A_106, %dma_wait3A_107] : memref<157x128xi32, #tpu.memory_space<vmem>> -> memref<156x128xi32, #tpu.memory_space<vmem>>
    %dma_wait3A_109 = arith.constant 0 : i32
    %dma_wait3A_110 = tpu.memref_slice %arg3[%dma_wait3A_105, %mul3A_104, %dma_wait3A_109] : memref<2x2500x128xi32, #tpu.memory_space<hbm>> -> memref<1x156x128xi32, #tpu.memory_space<hbm>>
    %dma_wait3A_111 = tpu.memref_squeeze %dma_wait3A_110 : memref<1x156x128xi32, #tpu.memory_space<hbm>> -> memref<156x128xi32, #tpu.memory_space<hbm>>
    %dma_wait3A_112 = arith.constant 0 : i32
    %dma_wait3A_113 = arith.constant 0 : i32
    %dma_wait3A_114 = tpu.memref_slice %arg7[%dma_wait3A_112, %dma_wait3A_113] : memref<157x128xi32, #tpu.memory_space<vmem>> -> memref<156x128xi32, #tpu.memory_space<vmem>>
    %dma_wait3A_115 = arith.constant 0 : i32
    %dma_wait3A_116 = tpu.memref_slice %arg3[%dma_wait3A_105, %mul3A_104, %dma_wait3A_115] : memref<2x2500x128xi32, #tpu.memory_space<hbm>> -> memref<1x156x128xi32, #tpu.memory_space<hbm>>
    %dma_wait3A_117 = tpu.memref_squeeze %dma_wait3A_116 : memref<1x156x128xi32, #tpu.memory_space<hbm>> -> memref<156x128xi32, #tpu.memory_space<hbm>>
    tpu.wait_dma2 semaphore(%arg14 : memref<!tpu.dma_semaphore, #tpu.memory_space<semaphore_mem>>) src(%dma_wait3A_117 : memref<156x128xi32, #tpu.memory_space<hbm>>) dst(%dma_wait3A_114 : memref<156x128xi32, #tpu.memory_space<vmem>>)
    %lt3A_118 = arith.constant 4 : i32
    %lt3A_119 = arith.cmpi slt, %arg1, %lt3A_118 : i32
    %convert_element_type3A_120 = arith.extui %lt3A_119 : i1 to i32
    %cond3A_121 = arith.constant 0 : i32
    %cond3A_122 = arith.cmpi ne, %convert_element_type3A_120, %cond3A_121 : i32
    scf.if %cond3A_122 {
      %add3A_337 = arith.constant 2496 : i32
      %add3A_338 = arith.addi %add3A_337, %arg1 : i32
      %dma_wait3A_339 = arith.constant 0 : i32
      %dma_wait3A_340 = arith.constant 156 : i32
      %dma_wait3A_341 = arith.constant 0 : i32
      %dma_wait3A_342 = tpu.memref_slice %arg6[%dma_wait3A_340, %dma_wait3A_341] : memref<157x128xi32, #tpu.memory_space<vmem>> -> memref<1x128xi32, #tpu.memory_space<vmem>>
      %dma_wait3A_343 = arith.constant 0 : i32
      %dma_wait3A_344 = tpu.memref_slice %arg3[%dma_wait3A_339, %add3A_338, %dma_wait3A_343] : memref<2x2500x128xi32, #tpu.memory_space<hbm>> -> memref<1x1x128xi32, #tpu.memory_space<hbm>>
      %dma_wait3A_345 = tpu.memref_squeeze %dma_wait3A_344 : memref<1x1x128xi32, #tpu.memory_space<hbm>> -> memref<1x128xi32, #tpu.memory_space<hbm>>
      %dma_wait3A_346 = arith.constant 156 : i32
      %dma_wait3A_347 = arith.constant 0 : i32
      %dma_wait3A_348 = tpu.memref_slice %arg6[%dma_wait3A_346, %dma_wait3A_347] : memref<157x128xi32, #tpu.memory_space<vmem>> -> memref<1x128xi32, #tpu.memory_space<vmem>>
      %dma_wait3A_349 = arith.constant 0 : i32
      %dma_wait3A_350 = tpu.memref_slice %arg3[%dma_wait3A_339, %add3A_338, %dma_wait3A_349] : memref<2x2500x128xi32, #tpu.memory_space<hbm>> -> memref<1x1x128xi32, #tpu.memory_space<hbm>>
      %dma_wait3A_351 = tpu.memref_squeeze %dma_wait3A_350 : memref<1x1x128xi32, #tpu.memory_space<hbm>> -> memref<1x128xi32, #tpu.memory_space<hbm>>
      tpu.wait_dma2 semaphore(%arg14 : memref<!tpu.dma_semaphore, #tpu.memory_space<semaphore_mem>>) src(%dma_wait3A_351 : memref<1x128xi32, #tpu.memory_space<hbm>>) dst(%dma_wait3A_348 : memref<1x128xi32, #tpu.memory_space<vmem>>)
      %dma_wait3A_352 = arith.constant 1 : i32
      %dma_wait3A_353 = arith.constant 156 : i32
      %dma_wait3A_354 = arith.constant 0 : i32
      %dma_wait3A_355 = tpu.memref_slice %arg7[%dma_wait3A_353, %dma_wait3A_354] : memref<157x128xi32, #tpu.memory_space<vmem>> -> memref<1x128xi32, #tpu.memory_space<vmem>>
      %dma_wait3A_356 = arith.constant 0 : i32
      %dma_wait3A_357 = tpu.memref_slice %arg3[%dma_wait3A_352, %add3A_338, %dma_wait3A_356] : memref<2x2500x128xi32, #tpu.memory_space<hbm>> -> memref<1x1x128xi32, #tpu.memory_space<hbm>>
      %dma_wait3A_358 = tpu.memref_squeeze %dma_wait3A_357 : memref<1x1x128xi32, #tpu.memory_space<hbm>> -> memref<1x128xi32, #tpu.memory_space<hbm>>
      %dma_wait3A_359 = arith.constant 156 : i32
      %dma_wait3A_360 = arith.constant 0 : i32
      %dma_wait3A_361 = tpu.memref_slice %arg7[%dma_wait3A_359, %dma_wait3A_360] : memref<157x128xi32, #tpu.memory_space<vmem>> -> memref<1x128xi32, #tpu.memory_space<vmem>>
      %dma_wait3A_362 = arith.constant 0 : i32
      %dma_wait3A_363 = tpu.memref_slice %arg3[%dma_wait3A_352, %add3A_338, %dma_wait3A_362] : memref<2x2500x128xi32, #tpu.memory_space<hbm>> -> memref<1x1x128xi32, #tpu.memory_space<hbm>>
      %dma_wait3A_364 = tpu.memref_squeeze %dma_wait3A_363 : memref<1x1x128xi32, #tpu.memory_space<hbm>> -> memref<1x128xi32, #tpu.memory_space<hbm>>
      tpu.wait_dma2 semaphore(%arg14 : memref<!tpu.dma_semaphore, #tpu.memory_space<semaphore_mem>>) src(%dma_wait3A_364 : memref<1x128xi32, #tpu.memory_space<hbm>>) dst(%dma_wait3A_361 : memref<1x128xi32, #tpu.memory_space<vmem>>)
    } else {
    }
    %barrier3A = arith.constant 0 : index
    tpu.barrier barrier_id(%barrier3A)
    %mul3A_123 = arith.constant 64 : i32
    %mul3A_124 = arith.muli %arg0, %mul3A_123 : i32
    %multiple_of3A = tpu.assume_multiple %mul3A_124, 64 : i32
    %mul3A_125 = arith.constant 10000 : i32
    %mul3A_126 = arith.muli %arg0, %mul3A_125 : i32
    %multiple_of3A_127 = tpu.assume_multiple %mul3A_126, 10000 : i32
    %dma_start3A_128 = arith.constant 0 : i32
    %dma_start3A_129 = arith.constant 0 : i32
    %dma_start3A_130 = tpu.memref_slice %arg6[%dma_start3A_128, %dma_start3A_129] : memref<157x128xi32, #tpu.memory_space<vmem>> -> memref<1x128xi32, #tpu.memory_space<vmem>>
    %dma_start3A_131 = tpu.memref_squeeze %dma_start3A_130 : memref<1x128xi32, #tpu.memory_space<vmem>> -> memref<128xi32, #tpu.memory_space<vmem>>
    %dma_start3A_132 = arith.constant 0 : i32
    %dma_start3A_133 = tpu.memref_slice %arg2[%multiple_of3A_127, %dma_start3A_132] : memref<20000x64xf32, #tpu.memory_space<hbm>> -> memref<10000x64xf32, #tpu.memory_space<hbm>>
    %dma_start3A_134 = arith.constant 0 : i32
    %dma_start3A_135 = arith.constant 0 : i32
    %dma_start3A_136 = tpu.memref_slice %dma_start3A_133[%dma_start3A_134, %dma_start3A_135] : memref<10000x64xf32, #tpu.memory_space<hbm>> -> memref<10000x64xf32, #tpu.memory_space<hbm>>
    tpu.enqueue_indirect_dma source(%dma_start3A_136 : memref<10000x64xf32, #tpu.memory_space<hbm>>) target(%arg8 : memref<128x64xf32, #tpu.memory_space<vmem>>) offsets(%dma_start3A_131 : memref<128xi32, #tpu.memory_space<vmem>>) semaphore(%arg13 : memref<!tpu.dma_semaphore, #tpu.memory_space<semaphore_mem>>)
    %dma_start3A_137 = arith.constant 1 : i32
    %dma_start3A_138 = arith.constant 0 : i32
    %dma_start3A_139 = tpu.memref_slice %arg6[%dma_start3A_137, %dma_start3A_138] : memref<157x128xi32, #tpu.memory_space<vmem>> -> memref<1x128xi32, #tpu.memory_space<vmem>>
    %dma_start3A_140 = tpu.memref_squeeze %dma_start3A_139 : memref<1x128xi32, #tpu.memory_space<vmem>> -> memref<128xi32, #tpu.memory_space<vmem>>
    %dma_start3A_141 = arith.constant 0 : i32
    %dma_start3A_142 = tpu.memref_slice %arg2[%multiple_of3A_127, %dma_start3A_141] : memref<20000x64xf32, #tpu.memory_space<hbm>> -> memref<10000x64xf32, #tpu.memory_space<hbm>>
    %dma_start3A_143 = arith.constant 0 : i32
    %dma_start3A_144 = arith.constant 0 : i32
    %dma_start3A_145 = tpu.memref_slice %dma_start3A_142[%dma_start3A_143, %dma_start3A_144] : memref<10000x64xf32, #tpu.memory_space<hbm>> -> memref<10000x64xf32, #tpu.memory_space<hbm>>
    tpu.enqueue_indirect_dma source(%dma_start3A_145 : memref<10000x64xf32, #tpu.memory_space<hbm>>) target(%arg9 : memref<128x64xf32, #tpu.memory_space<vmem>>) offsets(%dma_start3A_140 : memref<128xi32, #tpu.memory_space<vmem>>) semaphore(%arg14 : memref<!tpu.dma_semaphore, #tpu.memory_space<semaphore_mem>>)
    %dma_start3A_146 = arith.constant 2 : i32
    %dma_start3A_147 = arith.constant 0 : i32
    %dma_start3A_148 = tpu.memref_slice %arg6[%dma_start3A_146, %dma_start3A_147] : memref<157x128xi32, #tpu.memory_space<vmem>> -> memref<1x128xi32, #tpu.memory_space<vmem>>
    %dma_start3A_149 = tpu.memref_squeeze %dma_start3A_148 : memref<1x128xi32, #tpu.memory_space<vmem>> -> memref<128xi32, #tpu.memory_space<vmem>>
    %dma_start3A_150 = arith.constant 0 : i32
    %dma_start3A_151 = tpu.memref_slice %arg2[%multiple_of3A_127, %dma_start3A_150] : memref<20000x64xf32, #tpu.memory_space<hbm>> -> memref<10000x64xf32, #tpu.memory_space<hbm>>
    %dma_start3A_152 = arith.constant 0 : i32
    %dma_start3A_153 = arith.constant 0 : i32
    %dma_start3A_154 = tpu.memref_slice %dma_start3A_151[%dma_start3A_152, %dma_start3A_153] : memref<10000x64xf32, #tpu.memory_space<hbm>> -> memref<10000x64xf32, #tpu.memory_space<hbm>>
    tpu.enqueue_indirect_dma source(%dma_start3A_154 : memref<10000x64xf32, #tpu.memory_space<hbm>>) target(%arg10 : memref<128x64xf32, #tpu.memory_space<vmem>>) offsets(%dma_start3A_149 : memref<128xi32, #tpu.memory_space<vmem>>) semaphore(%arg15 : memref<!tpu.dma_semaphore, #tpu.memory_space<semaphore_mem>>)
    %dma_wait3A_155 = arith.constant 0 : i32
    %dma_wait3A_156 = arith.constant 0 : i32
    %dma_wait3A_157 = tpu.memref_slice %arg6[%dma_wait3A_155, %dma_wait3A_156] : memref<157x128xi32, #tpu.memory_space<vmem>> -> memref<1x128xi32, #tpu.memory_space<vmem>>
    %dma_wait3A_158 = tpu.memref_squeeze %dma_wait3A_157 : memref<1x128xi32, #tpu.memory_space<vmem>> -> memref<128xi32, #tpu.memory_space<vmem>>
    %dma_wait3A_159 = arith.constant 0 : i32
    %dma_wait3A_160 = tpu.memref_slice %arg2[%multiple_of3A_127, %dma_wait3A_159] : memref<20000x64xf32, #tpu.memory_space<hbm>> -> memref<10000x64xf32, #tpu.memory_space<hbm>>
    %dma_wait3A_161 = arith.constant 0 : i32
    %dma_wait3A_162 = arith.constant 0 : i32
    %dma_wait3A_163 = tpu.memref_slice %dma_wait3A_160[%dma_wait3A_161, %dma_wait3A_162] : memref<10000x64xf32, #tpu.memory_space<hbm>> -> memref<10000x64xf32, #tpu.memory_space<hbm>>
    tpu.wait_indirect_dma semaphore(%arg13 : memref<!tpu.dma_semaphore, #tpu.memory_space<semaphore_mem>>) src(%dma_wait3A_163 : memref<10000x64xf32, #tpu.memory_space<hbm>>) dst(%arg8 : memref<128x64xf32, #tpu.memory_space<vmem>>)
    %dma_start3A_164 = arith.constant 0 : i32
    %dma_start3A_165 = arith.constant 0 : i32
    %dma_start3A_166 = tpu.memref_slice %arg7[%dma_start3A_164, %dma_start3A_165] : memref<157x128xi32, #tpu.memory_space<vmem>> -> memref<1x128xi32, #tpu.memory_space<vmem>>
    %dma_start3A_167 = tpu.memref_squeeze %dma_start3A_166 : memref<1x128xi32, #tpu.memory_space<vmem>> -> memref<128xi32, #tpu.memory_space<vmem>>
    %dma_start3A_168 = arith.constant 0 : i32
    %dma_start3A_169 = arith.constant 0 : i32
    %dma_start3A_170 = tpu.memref_slice %arg12[%dma_start3A_168, %dma_start3A_169] : memref<10240x64xf32, #tpu.memory_space<vmem_shared>> -> memref<10240x64xf32, #tpu.memory_space<vmem_shared>>
    tpu.enqueue_indirect_dma source(%arg8 : memref<128x64xf32, #tpu.memory_space<vmem>>) target(%dma_start3A_170 : memref<10240x64xf32, #tpu.memory_space<vmem_shared>>) offsets(%dma_start3A_167 : memref<128xi32, #tpu.memory_space<vmem>>) semaphore(%arg17 : memref<!tpu.dma_semaphore, #tpu.memory_space<semaphore_mem>>) {add = true}
    %dma_start3A_171 = arith.constant 3 : i32
    %dma_start3A_172 = arith.constant 0 : i32
    %dma_start3A_173 = tpu.memref_slice %arg6[%dma_start3A_171, %dma_start3A_172] : memref<157x128xi32, #tpu.memory_space<vmem>> -> memref<1x128xi32, #tpu.memory_space<vmem>>
    %dma_start3A_174 = tpu.memref_squeeze %dma_start3A_173 : memref<1x128xi32, #tpu.memory_space<vmem>> -> memref<128xi32, #tpu.memory_space<vmem>>
    %dma_start3A_175 = arith.constant 0 : i32
    %dma_start3A_176 = tpu.memref_slice %arg2[%multiple_of3A_127, %dma_start3A_175] : memref<20000x64xf32, #tpu.memory_space<hbm>> -> memref<10000x64xf32, #tpu.memory_space<hbm>>
    %dma_start3A_177 = arith.constant 0 : i32
    %dma_start3A_178 = arith.constant 0 : i32
    %dma_start3A_179 = tpu.memref_slice %dma_start3A_176[%dma_start3A_177, %dma_start3A_178] : memref<10000x64xf32, #tpu.memory_space<hbm>> -> memref<10000x64xf32, #tpu.memory_space<hbm>>
    tpu.enqueue_indirect_dma source(%dma_start3A_179 : memref<10000x64xf32, #tpu.memory_space<hbm>>) target(%arg11 : memref<128x64xf32, #tpu.memory_space<vmem>>) offsets(%dma_start3A_174 : memref<128xi32, #tpu.memory_space<vmem>>) semaphore(%arg16 : memref<!tpu.dma_semaphore, #tpu.memory_space<semaphore_mem>>)
    %dma_wait3A_180 = arith.constant 1 : i32
    %dma_wait3A_181 = arith.constant 0 : i32
    %dma_wait3A_182 = tpu.memref_slice %arg6[%dma_wait3A_180, %dma_wait3A_181] : memref<157x128xi32, #tpu.memory_space<vmem>> -> memref<1x128xi32, #tpu.memory_space<vmem>>
    %dma_wait3A_183 = tpu.memref_squeeze %dma_wait3A_182 : memref<1x128xi32, #tpu.memory_space<vmem>> -> memref<128xi32, #tpu.memory_space<vmem>>
    %dma_wait3A_184 = arith.constant 0 : i32
    %dma_wait3A_185 = tpu.memref_slice %arg2[%multiple_of3A_127, %dma_wait3A_184] : memref<20000x64xf32, #tpu.memory_space<hbm>> -> memref<10000x64xf32, #tpu.memory_space<hbm>>
    %dma_wait3A_186 = arith.constant 0 : i32
    %dma_wait3A_187 = arith.constant 0 : i32
    %dma_wait3A_188 = tpu.memref_slice %dma_wait3A_185[%dma_wait3A_186, %dma_wait3A_187] : memref<10000x64xf32, #tpu.memory_space<hbm>> -> memref<10000x64xf32, #tpu.memory_space<hbm>>
    tpu.wait_indirect_dma semaphore(%arg14 : memref<!tpu.dma_semaphore, #tpu.memory_space<semaphore_mem>>) src(%dma_wait3A_188 : memref<10000x64xf32, #tpu.memory_space<hbm>>) dst(%arg9 : memref<128x64xf32, #tpu.memory_space<vmem>>)
    %dma_start3A_189 = arith.constant 1 : i32
    %dma_start3A_190 = arith.constant 0 : i32
    %dma_start3A_191 = tpu.memref_slice %arg7[%dma_start3A_189, %dma_start3A_190] : memref<157x128xi32, #tpu.memory_space<vmem>> -> memref<1x128xi32, #tpu.memory_space<vmem>>
    %dma_start3A_192 = tpu.memref_squeeze %dma_start3A_191 : memref<1x128xi32, #tpu.memory_space<vmem>> -> memref<128xi32, #tpu.memory_space<vmem>>
    %dma_start3A_193 = arith.constant 0 : i32
    %dma_start3A_194 = arith.constant 0 : i32
    %dma_start3A_195 = tpu.memref_slice %arg12[%dma_start3A_193, %dma_start3A_194] : memref<10240x64xf32, #tpu.memory_space<vmem_shared>> -> memref<10240x64xf32, #tpu.memory_space<vmem_shared>>
    tpu.enqueue_indirect_dma source(%arg9 : memref<128x64xf32, #tpu.memory_space<vmem>>) target(%dma_start3A_195 : memref<10240x64xf32, #tpu.memory_space<vmem_shared>>) offsets(%dma_start3A_192 : memref<128xi32, #tpu.memory_space<vmem>>) semaphore(%arg18 : memref<!tpu.dma_semaphore, #tpu.memory_space<semaphore_mem>>) {add = true}
    %scan3A = arith.constant 0 : i32
    %scan3A_196 = arith.constant 0 : i32
    %scan3A_197 = arith.constant 38 : i32
    %scan3A_198 = arith.addi %scan3A_196, %scan3A_197 : i32
    %scan3A_199 = arith.constant 1 : i32
    scf.for %scan3A_337 = %scan3A_196 to %scan3A_198 step %scan3A_199  : i32 {
      %mul3A_338 = arith.constant 4 : i32
      %mul3A_339 = arith.muli %mul3A_338, %scan3A_337 : i32
      %add3A_340 = arith.constant 2 : i32
      %add3A_341 = arith.addi %mul3A_339, %add3A_340 : i32
      %add3A_342 = arith.constant 0 : i32
      %add3A_343 = arith.addi %add3A_341, %add3A_342 : i32
      %sub3A = arith.constant 2 : i32
      %sub3A_344 = arith.subi %add3A_343, %sub3A : i32
      %dma_wait3A_345 = arith.constant 0 : i32
      %dma_wait3A_346 = tpu.memref_slice %arg7[%sub3A_344, %dma_wait3A_345] : memref<157x128xi32, #tpu.memory_space<vmem>> -> memref<1x128xi32, #tpu.memory_space<vmem>>
      %dma_wait3A_347 = tpu.memref_squeeze %dma_wait3A_346 : memref<1x128xi32, #tpu.memory_space<vmem>> -> memref<128xi32, #tpu.memory_space<vmem>>
      %dma_wait3A_348 = arith.constant 0 : i32
      %dma_wait3A_349 = arith.constant 0 : i32
      %dma_wait3A_350 = tpu.memref_slice %arg12[%dma_wait3A_348, %dma_wait3A_349] : memref<10240x64xf32, #tpu.memory_space<vmem_shared>> -> memref<10240x64xf32, #tpu.memory_space<vmem_shared>>
      tpu.wait_indirect_dma semaphore(%arg17 : memref<!tpu.dma_semaphore, #tpu.memory_space<semaphore_mem>>) src(%arg8 : memref<128x64xf32, #tpu.memory_space<vmem>>) dst(%dma_wait3A_350 : memref<10240x64xf32, #tpu.memory_space<vmem_shared>>)
      %add3A_351 = arith.constant 0 : i32
      %add3A_352 = arith.addi %add3A_341, %add3A_351 : i32
      %add3A_353 = arith.constant 2 : i32
      %add3A_354 = arith.addi %add3A_352, %add3A_353 : i32
      %dma_start3A_355 = arith.constant 0 : i32
      %dma_start3A_356 = tpu.memref_slice %arg6[%add3A_354, %dma_start3A_355] : memref<157x128xi32, #tpu.memory_space<vmem>> -> memref<1x128xi32, #tpu.memory_space<vmem>>
      %dma_start3A_357 = tpu.memref_squeeze %dma_start3A_356 : memref<1x128xi32, #tpu.memory_space<vmem>> -> memref<128xi32, #tpu.memory_space<vmem>>
      %dma_start3A_358 = arith.constant 0 : i32
      %dma_start3A_359 = tpu.memref_slice %arg2[%multiple_of3A_127, %dma_start3A_358] : memref<20000x64xf32, #tpu.memory_space<hbm>> -> memref<10000x64xf32, #tpu.memory_space<hbm>>
      %dma_start3A_360 = arith.constant 0 : i32
      %dma_start3A_361 = arith.constant 0 : i32
      %dma_start3A_362 = tpu.memref_slice %dma_start3A_359[%dma_start3A_360, %dma_start3A_361] : memref<10000x64xf32, #tpu.memory_space<hbm>> -> memref<10000x64xf32, #tpu.memory_space<hbm>>
      tpu.enqueue_indirect_dma source(%dma_start3A_362 : memref<10000x64xf32, #tpu.memory_space<hbm>>) target(%arg8 : memref<128x64xf32, #tpu.memory_space<vmem>>) offsets(%dma_start3A_357 : memref<128xi32, #tpu.memory_space<vmem>>) semaphore(%arg13 : memref<!tpu.dma_semaphore, #tpu.memory_space<semaphore_mem>>)
      %add3A_363 = arith.constant 0 : i32
      %add3A_364 = arith.addi %add3A_341, %add3A_363 : i32
      %dma_wait3A_365 = arith.constant 0 : i32
      %dma_wait3A_366 = tpu.memref_slice %arg6[%add3A_364, %dma_wait3A_365] : memref<157x128xi32, #tpu.memory_space<vmem>> -> memref<1x128xi32, #tpu.memory_space<vmem>>
      %dma_wait3A_367 = tpu.memref_squeeze %dma_wait3A_366 : memref<1x128xi32, #tpu.memory_space<vmem>> -> memref<128xi32, #tpu.memory_space<vmem>>
      %dma_wait3A_368 = arith.constant 0 : i32
      %dma_wait3A_369 = tpu.memref_slice %arg2[%multiple_of3A_127, %dma_wait3A_368] : memref<20000x64xf32, #tpu.memory_space<hbm>> -> memref<10000x64xf32, #tpu.memory_space<hbm>>
      %dma_wait3A_370 = arith.constant 0 : i32
      %dma_wait3A_371 = arith.constant 0 : i32
      %dma_wait3A_372 = tpu.memref_slice %dma_wait3A_369[%dma_wait3A_370, %dma_wait3A_371] : memref<10000x64xf32, #tpu.memory_space<hbm>> -> memref<10000x64xf32, #tpu.memory_space<hbm>>
      tpu.wait_indirect_dma semaphore(%arg15 : memref<!tpu.dma_semaphore, #tpu.memory_space<semaphore_mem>>) src(%dma_wait3A_372 : memref<10000x64xf32, #tpu.memory_space<hbm>>) dst(%arg10 : memref<128x64xf32, #tpu.memory_space<vmem>>)
      %add3A_373 = arith.constant 0 : i32
      %add3A_374 = arith.addi %add3A_341, %add3A_373 : i32
      %dma_start3A_375 = arith.constant 0 : i32
      %dma_start3A_376 = tpu.memref_slice %arg7[%add3A_374, %dma_start3A_375] : memref<157x128xi32, #tpu.memory_space<vmem>> -> memref<1x128xi32, #tpu.memory_space<vmem>>
      %dma_start3A_377 = tpu.memref_squeeze %dma_start3A_376 : memref<1x128xi32, #tpu.memory_space<vmem>> -> memref<128xi32, #tpu.memory_space<vmem>>
      %dma_start3A_378 = arith.constant 0 : i32
      %dma_start3A_379 = arith.constant 0 : i32
      %dma_start3A_380 = tpu.memref_slice %arg12[%dma_start3A_378, %dma_start3A_379] : memref<10240x64xf32, #tpu.memory_space<vmem_shared>> -> memref<10240x64xf32, #tpu.memory_space<vmem_shared>>
      tpu.enqueue_indirect_dma source(%arg10 : memref<128x64xf32, #tpu.memory_space<vmem>>) target(%dma_start3A_380 : memref<10240x64xf32, #tpu.memory_space<vmem_shared>>) offsets(%dma_start3A_377 : memref<128xi32, #tpu.memory_space<vmem>>) semaphore(%arg19 : memref<!tpu.dma_semaphore, #tpu.memory_space<semaphore_mem>>) {add = true}
      %add3A_381 = arith.constant 0 : i32
      %add3A_382 = arith.addi %add3A_341, %add3A_381 : i32
      %add3A_383 = arith.constant 1 : i32
      %add3A_384 = arith.addi %add3A_341, %add3A_383 : i32
      %sub3A_385 = arith.constant 2 : i32
      %sub3A_386 = arith.subi %add3A_384, %sub3A_385 : i32
      %dma_wait3A_387 = arith.constant 0 : i32
      %dma_wait3A_388 = tpu.memref_slice %arg7[%sub3A_386, %dma_wait3A_387] : memref<157x128xi32, #tpu.memory_space<vmem>> -> memref<1x128xi32, #tpu.memory_space<vmem>>
      %dma_wait3A_389 = tpu.memref_squeeze %dma_wait3A_388 : memref<1x128xi32, #tpu.memory_space<vmem>> -> memref<128xi32, #tpu.memory_space<vmem>>
      %dma_wait3A_390 = arith.constant 0 : i32
      %dma_wait3A_391 = arith.constant 0 : i32
      %dma_wait3A_392 = tpu.memref_slice %arg12[%dma_wait3A_390, %dma_wait3A_391] : memref<10240x64xf32, #tpu.memory_space<vmem_shared>> -> memref<10240x64xf32, #tpu.memory_space<vmem_shared>>
      tpu.wait_indirect_dma semaphore(%arg18 : memref<!tpu.dma_semaphore, #tpu.memory_space<semaphore_mem>>) src(%arg9 : memref<128x64xf32, #tpu.memory_space<vmem>>) dst(%dma_wait3A_392 : memref<10240x64xf32, #tpu.memory_space<vmem_shared>>)
      %add3A_393 = arith.constant 1 : i32
      %add3A_394 = arith.addi %add3A_341, %add3A_393 : i32
      %add3A_395 = arith.constant 2 : i32
      %add3A_396 = arith.addi %add3A_394, %add3A_395 : i32
      %dma_start3A_397 = arith.constant 0 : i32
      %dma_start3A_398 = tpu.memref_slice %arg6[%add3A_396, %dma_start3A_397] : memref<157x128xi32, #tpu.memory_space<vmem>> -> memref<1x128xi32, #tpu.memory_space<vmem>>
      %dma_start3A_399 = tpu.memref_squeeze %dma_start3A_398 : memref<1x128xi32, #tpu.memory_space<vmem>> -> memref<128xi32, #tpu.memory_space<vmem>>
      %dma_start3A_400 = arith.constant 0 : i32
      %dma_start3A_401 = tpu.memref_slice %arg2[%multiple_of3A_127, %dma_start3A_400] : memref<20000x64xf32, #tpu.memory_space<hbm>> -> memref<10000x64xf32, #tpu.memory_space<hbm>>
      %dma_start3A_402 = arith.constant 0 : i32
      %dma_start3A_403 = arith.constant 0 : i32
      %dma_start3A_404 = tpu.memref_slice %dma_start3A_401[%dma_start3A_402, %dma_start3A_403] : memref<10000x64xf32, #tpu.memory_space<hbm>> -> memref<10000x64xf32, #tpu.memory_space<hbm>>
      tpu.enqueue_indirect_dma source(%dma_start3A_404 : memref<10000x64xf32, #tpu.memory_space<hbm>>) target(%arg9 : memref<128x64xf32, #tpu.memory_space<vmem>>) offsets(%dma_start3A_399 : memref<128xi32, #tpu.memory_space<vmem>>) semaphore(%arg14 : memref<!tpu.dma_semaphore, #tpu.memory_space<semaphore_mem>>)
      %add3A_405 = arith.constant 1 : i32
      %add3A_406 = arith.addi %add3A_341, %add3A_405 : i32
      %dma_wait3A_407 = arith.constant 0 : i32
      %dma_wait3A_408 = tpu.memref_slice %arg6[%add3A_406, %dma_wait3A_407] : memref<157x128xi32, #tpu.memory_space<vmem>> -> memref<1x128xi32, #tpu.memory_space<vmem>>
      %dma_wait3A_409 = tpu.memref_squeeze %dma_wait3A_408 : memref<1x128xi32, #tpu.memory_space<vmem>> -> memref<128xi32, #tpu.memory_space<vmem>>
      %dma_wait3A_410 = arith.constant 0 : i32
      %dma_wait3A_411 = tpu.memref_slice %arg2[%multiple_of3A_127, %dma_wait3A_410] : memref<20000x64xf32, #tpu.memory_space<hbm>> -> memref<10000x64xf32, #tpu.memory_space<hbm>>
      %dma_wait3A_412 = arith.constant 0 : i32
      %dma_wait3A_413 = arith.constant 0 : i32
      %dma_wait3A_414 = tpu.memref_slice %dma_wait3A_411[%dma_wait3A_412, %dma_wait3A_413] : memref<10000x64xf32, #tpu.memory_space<hbm>> -> memref<10000x64xf32, #tpu.memory_space<hbm>>
      tpu.wait_indirect_dma semaphore(%arg16 : memref<!tpu.dma_semaphore, #tpu.memory_space<semaphore_mem>>) src(%dma_wait3A_414 : memref<10000x64xf32, #tpu.memory_space<hbm>>) dst(%arg11 : memref<128x64xf32, #tpu.memory_space<vmem>>)
      %add3A_415 = arith.constant 1 : i32
      %add3A_416 = arith.addi %add3A_341, %add3A_415 : i32
      %dma_start3A_417 = arith.constant 0 : i32
      %dma_start3A_418 = tpu.memref_slice %arg7[%add3A_416, %dma_start3A_417] : memref<157x128xi32, #tpu.memory_space<vmem>> -> memref<1x128xi32, #tpu.memory_space<vmem>>
      %dma_start3A_419 = tpu.memref_squeeze %dma_start3A_418 : memref<1x128xi32, #tpu.memory_space<vmem>> -> memref<128xi32, #tpu.memory_space<vmem>>
      %dma_start3A_420 = arith.constant 0 : i32
      %dma_start3A_421 = arith.constant 0 : i32
      %dma_start3A_422 = tpu.memref_slice %arg12[%dma_start3A_420, %dma_start3A_421] : memref<10240x64xf32, #tpu.memory_space<vmem_shared>> -> memref<10240x64xf32, #tpu.memory_space<vmem_shared>>
      tpu.enqueue_indirect_dma source(%arg11 : memref<128x64xf32, #tpu.memory_space<vmem>>) target(%dma_start3A_422 : memref<10240x64xf32, #tpu.memory_space<vmem_shared>>) offsets(%dma_start3A_419 : memref<128xi32, #tpu.memory_space<vmem>>) semaphore(%arg20 : memref<!tpu.dma_semaphore, #tpu.memory_space<semaphore_mem>>) {add = true}
      %add3A_423 = arith.constant 1 : i32
      %add3A_424 = arith.addi %add3A_341, %add3A_423 : i32
      %add3A_425 = arith.constant 2 : i32
      %add3A_426 = arith.addi %add3A_341, %add3A_425 : i32
      %sub3A_427 = arith.constant 2 : i32
      %sub3A_428 = arith.subi %add3A_426, %sub3A_427 : i32
      %dma_wait3A_429 = arith.constant 0 : i32
      %dma_wait3A_430 = tpu.memref_slice %arg7[%sub3A_428, %dma_wait3A_429] : memref<157x128xi32, #tpu.memory_space<vmem>> -> memref<1x128xi32, #tpu.memory_space<vmem>>
      %dma_wait3A_431 = tpu.memref_squeeze %dma_wait3A_430 : memref<1x128xi32, #tpu.memory_space<vmem>> -> memref<128xi32, #tpu.memory_space<vmem>>
      %dma_wait3A_432 = arith.constant 0 : i32
      %dma_wait3A_433 = arith.constant 0 : i32
      %dma_wait3A_434 = tpu.memref_slice %arg12[%dma_wait3A_432, %dma_wait3A_433] : memref<10240x64xf32, #tpu.memory_space<vmem_shared>> -> memref<10240x64xf32, #tpu.memory_space<vmem_shared>>
      tpu.wait_indirect_dma semaphore(%arg19 : memref<!tpu.dma_semaphore, #tpu.memory_space<semaphore_mem>>) src(%arg10 : memref<128x64xf32, #tpu.memory_space<vmem>>) dst(%dma_wait3A_434 : memref<10240x64xf32, #tpu.memory_space<vmem_shared>>)
      %add3A_435 = arith.constant 2 : i32
      %add3A_436 = arith.addi %add3A_341, %add3A_435 : i32
      %add3A_437 = arith.constant 2 : i32
      %add3A_438 = arith.addi %add3A_436, %add3A_437 : i32
      %dma_start3A_439 = arith.constant 0 : i32
      %dma_start3A_440 = tpu.memref_slice %arg6[%add3A_438, %dma_start3A_439] : memref<157x128xi32, #tpu.memory_space<vmem>> -> memref<1x128xi32, #tpu.memory_space<vmem>>
      %dma_start3A_441 = tpu.memref_squeeze %dma_start3A_440 : memref<1x128xi32, #tpu.memory_space<vmem>> -> memref<128xi32, #tpu.memory_space<vmem>>
      %dma_start3A_442 = arith.constant 0 : i32
      %dma_start3A_443 = tpu.memref_slice %arg2[%multiple_of3A_127, %dma_start3A_442] : memref<20000x64xf32, #tpu.memory_space<hbm>> -> memref<10000x64xf32, #tpu.memory_space<hbm>>
      %dma_start3A_444 = arith.constant 0 : i32
      %dma_start3A_445 = arith.constant 0 : i32
      %dma_start3A_446 = tpu.memref_slice %dma_start3A_443[%dma_start3A_444, %dma_start3A_445] : memref<10000x64xf32, #tpu.memory_space<hbm>> -> memref<10000x64xf32, #tpu.memory_space<hbm>>
      tpu.enqueue_indirect_dma source(%dma_start3A_446 : memref<10000x64xf32, #tpu.memory_space<hbm>>) target(%arg10 : memref<128x64xf32, #tpu.memory_space<vmem>>) offsets(%dma_start3A_441 : memref<128xi32, #tpu.memory_space<vmem>>) semaphore(%arg15 : memref<!tpu.dma_semaphore, #tpu.memory_space<semaphore_mem>>)
      %add3A_447 = arith.constant 2 : i32
      %add3A_448 = arith.addi %add3A_341, %add3A_447 : i32
      %dma_wait3A_449 = arith.constant 0 : i32
      %dma_wait3A_450 = tpu.memref_slice %arg6[%add3A_448, %dma_wait3A_449] : memref<157x128xi32, #tpu.memory_space<vmem>> -> memref<1x128xi32, #tpu.memory_space<vmem>>
      %dma_wait3A_451 = tpu.memref_squeeze %dma_wait3A_450 : memref<1x128xi32, #tpu.memory_space<vmem>> -> memref<128xi32, #tpu.memory_space<vmem>>
      %dma_wait3A_452 = arith.constant 0 : i32
      %dma_wait3A_453 = tpu.memref_slice %arg2[%multiple_of3A_127, %dma_wait3A_452] : memref<20000x64xf32, #tpu.memory_space<hbm>> -> memref<10000x64xf32, #tpu.memory_space<hbm>>
      %dma_wait3A_454 = arith.constant 0 : i32
      %dma_wait3A_455 = arith.constant 0 : i32
      %dma_wait3A_456 = tpu.memref_slice %dma_wait3A_453[%dma_wait3A_454, %dma_wait3A_455] : memref<10000x64xf32, #tpu.memory_space<hbm>> -> memref<10000x64xf32, #tpu.memory_space<hbm>>
      tpu.wait_indirect_dma semaphore(%arg13 : memref<!tpu.dma_semaphore, #tpu.memory_space<semaphore_mem>>) src(%dma_wait3A_456 : memref<10000x64xf32, #tpu.memory_space<hbm>>) dst(%arg8 : memref<128x64xf32, #tpu.memory_space<vmem>>)
      %add3A_457 = arith.constant 2 : i32
      %add3A_458 = arith.addi %add3A_341, %add3A_457 : i32
      %dma_start3A_459 = arith.constant 0 : i32
      %dma_start3A_460 = tpu.memref_slice %arg7[%add3A_458, %dma_start3A_459] : memref<157x128xi32, #tpu.memory_space<vmem>> -> memref<1x128xi32, #tpu.memory_space<vmem>>
      %dma_start3A_461 = tpu.memref_squeeze %dma_start3A_460 : memref<1x128xi32, #tpu.memory_space<vmem>> -> memref<128xi32, #tpu.memory_space<vmem>>
      %dma_start3A_462 = arith.constant 0 : i32
      %dma_start3A_463 = arith.constant 0 : i32
      %dma_start3A_464 = tpu.memref_slice %arg12[%dma_start3A_462, %dma_start3A_463] : memref<10240x64xf32, #tpu.memory_space<vmem_shared>> -> memref<10240x64xf32, #tpu.memory_space<vmem_shared>>
      tpu.enqueue_indirect_dma source(%arg8 : memref<128x64xf32, #tpu.memory_space<vmem>>) target(%dma_start3A_464 : memref<10240x64xf32, #tpu.memory_space<vmem_shared>>) offsets(%dma_start3A_461 : memref<128xi32, #tpu.memory_space<vmem>>) semaphore(%arg17 : memref<!tpu.dma_semaphore, #tpu.memory_space<semaphore_mem>>) {add = true}
      %add3A_465 = arith.constant 2 : i32
      %add3A_466 = arith.addi %add3A_341, %add3A_465 : i32
      %add3A_467 = arith.constant 3 : i32
      %add3A_468 = arith.addi %add3A_341, %add3A_467 : i32
      %sub3A_469 = arith.constant 2 : i32
      %sub3A_470 = arith.subi %add3A_468, %sub3A_469 : i32
      %dma_wait3A_471 = arith.constant 0 : i32
      %dma_wait3A_472 = tpu.memref_slice %arg7[%sub3A_470, %dma_wait3A_471] : memref<157x128xi32, #tpu.memory_space<vmem>> -> memref<1x128xi32, #tpu.memory_space<vmem>>
      %dma_wait3A_473 = tpu.memref_squeeze %dma_wait3A_472 : memref<1x128xi32, #tpu.memory_space<vmem>> -> memref<128xi32, #tpu.memory_space<vmem>>
      %dma_wait3A_474 = arith.constant 0 : i32
      %dma_wait3A_475 = arith.constant 0 : i32
      %dma_wait3A_476 = tpu.memref_slice %arg12[%dma_wait3A_474, %dma_wait3A_475] : memref<10240x64xf32, #tpu.memory_space<vmem_shared>> -> memref<10240x64xf32, #tpu.memory_space<vmem_shared>>
      tpu.wait_indirect_dma semaphore(%arg20 : memref<!tpu.dma_semaphore, #tpu.memory_space<semaphore_mem>>) src(%arg11 : memref<128x64xf32, #tpu.memory_space<vmem>>) dst(%dma_wait3A_476 : memref<10240x64xf32, #tpu.memory_space<vmem_shared>>)
      %add3A_477 = arith.constant 3 : i32
      %add3A_478 = arith.addi %add3A_341, %add3A_477 : i32
      %add3A_479 = arith.constant 2 : i32
      %add3A_480 = arith.addi %add3A_478, %add3A_479 : i32
      %dma_start3A_481 = arith.constant 0 : i32
      %dma_start3A_482 = tpu.memref_slice %arg6[%add3A_480, %dma_start3A_481] : memref<157x128xi32, #tpu.memory_space<vmem>> -> memref<1x128xi32, #tpu.memory_space<vmem>>
      %dma_start3A_483 = tpu.memref_squeeze %dma_start3A_482 : memref<1x128xi32, #tpu.memory_space<vmem>> -> memref<128xi32, #tpu.memory_space<vmem>>
      %dma_start3A_484 = arith.constant 0 : i32
      %dma_start3A_485 = tpu.memref_slice %arg2[%multiple_of3A_127, %dma_start3A_484] : memref<20000x64xf32, #tpu.memory_space<hbm>> -> memref<10000x64xf32, #tpu.memory_space<hbm>>
      %dma_start3A_486 = arith.constant 0 : i32
      %dma_start3A_487 = arith.constant 0 : i32
      %dma_start3A_488 = tpu.memref_slice %dma_start3A_485[%dma_start3A_486, %dma_start3A_487] : memref<10000x64xf32, #tpu.memory_space<hbm>> -> memref<10000x64xf32, #tpu.memory_space<hbm>>
      tpu.enqueue_indirect_dma source(%dma_start3A_488 : memref<10000x64xf32, #tpu.memory_space<hbm>>) target(%arg11 : memref<128x64xf32, #tpu.memory_space<vmem>>) offsets(%dma_start3A_483 : memref<128xi32, #tpu.memory_space<vmem>>) semaphore(%arg16 : memref<!tpu.dma_semaphore, #tpu.memory_space<semaphore_mem>>)
      %add3A_489 = arith.constant 3 : i32
      %add3A_490 = arith.addi %add3A_341, %add3A_489 : i32
      %dma_wait3A_491 = arith.constant 0 : i32
      %dma_wait3A_492 = tpu.memref_slice %arg6[%add3A_490, %dma_wait3A_491] : memref<157x128xi32, #tpu.memory_space<vmem>> -> memref<1x128xi32, #tpu.memory_space<vmem>>
      %dma_wait3A_493 = tpu.memref_squeeze %dma_wait3A_492 : memref<1x128xi32, #tpu.memory_space<vmem>> -> memref<128xi32, #tpu.memory_space<vmem>>
      %dma_wait3A_494 = arith.constant 0 : i32
      %dma_wait3A_495 = tpu.memref_slice %arg2[%multiple_of3A_127, %dma_wait3A_494] : memref<20000x64xf32, #tpu.memory_space<hbm>> -> memref<10000x64xf32, #tpu.memory_space<hbm>>
      %dma_wait3A_496 = arith.constant 0 : i32
      %dma_wait3A_497 = arith.constant 0 : i32
      %dma_wait3A_498 = tpu.memref_slice %dma_wait3A_495[%dma_wait3A_496, %dma_wait3A_497] : memref<10000x64xf32, #tpu.memory_space<hbm>> -> memref<10000x64xf32, #tpu.memory_space<hbm>>
      tpu.wait_indirect_dma semaphore(%arg14 : memref<!tpu.dma_semaphore, #tpu.memory_space<semaphore_mem>>) src(%dma_wait3A_498 : memref<10000x64xf32, #tpu.memory_space<hbm>>) dst(%arg9 : memref<128x64xf32, #tpu.memory_space<vmem>>)
      %add3A_499 = arith.constant 3 : i32
      %add3A_500 = arith.addi %add3A_341, %add3A_499 : i32
      %dma_start3A_501 = arith.constant 0 : i32
      %dma_start3A_502 = tpu.memref_slice %arg7[%add3A_500, %dma_start3A_501] : memref<157x128xi32, #tpu.memory_space<vmem>> -> memref<1x128xi32, #tpu.memory_space<vmem>>
      %dma_start3A_503 = tpu.memref_squeeze %dma_start3A_502 : memref<1x128xi32, #tpu.memory_space<vmem>> -> memref<128xi32, #tpu.memory_space<vmem>>
      %dma_start3A_504 = arith.constant 0 : i32
      %dma_start3A_505 = arith.constant 0 : i32
      %dma_start3A_506 = tpu.memref_slice %arg12[%dma_start3A_504, %dma_start3A_505] : memref<10240x64xf32, #tpu.memory_space<vmem_shared>> -> memref<10240x64xf32, #tpu.memory_space<vmem_shared>>
      tpu.enqueue_indirect_dma source(%arg9 : memref<128x64xf32, #tpu.memory_space<vmem>>) target(%dma_start3A_506 : memref<10240x64xf32, #tpu.memory_space<vmem_shared>>) offsets(%dma_start3A_503 : memref<128xi32, #tpu.memory_space<vmem>>) semaphore(%arg18 : memref<!tpu.dma_semaphore, #tpu.memory_space<semaphore_mem>>) {add = true}
      %add3A_507 = arith.constant 3 : i32
      %add3A_508 = arith.addi %add3A_341, %add3A_507 : i32
    }
    %scan3A_200 = arith.constant 38 : i32
    %dma_wait3A_201 = arith.constant 154 : i32
    %dma_wait3A_202 = arith.constant 0 : i32
    %dma_wait3A_203 = tpu.memref_slice %arg6[%dma_wait3A_201, %dma_wait3A_202] : memref<157x128xi32, #tpu.memory_space<vmem>> -> memref<1x128xi32, #tpu.memory_space<vmem>>
    %dma_wait3A_204 = tpu.memref_squeeze %dma_wait3A_203 : memref<1x128xi32, #tpu.memory_space<vmem>> -> memref<128xi32, #tpu.memory_space<vmem>>
    %dma_wait3A_205 = arith.constant 0 : i32
    %dma_wait3A_206 = tpu.memref_slice %arg2[%multiple_of3A_127, %dma_wait3A_205] : memref<20000x64xf32, #tpu.memory_space<hbm>> -> memref<10000x64xf32, #tpu.memory_space<hbm>>
    %dma_wait3A_207 = arith.constant 0 : i32
    %dma_wait3A_208 = arith.constant 0 : i32
    %dma_wait3A_209 = tpu.memref_slice %dma_wait3A_206[%dma_wait3A_207, %dma_wait3A_208] : memref<10000x64xf32, #tpu.memory_space<hbm>> -> memref<10000x64xf32, #tpu.memory_space<hbm>>
    tpu.wait_indirect_dma semaphore(%arg15 : memref<!tpu.dma_semaphore, #tpu.memory_space<semaphore_mem>>) src(%dma_wait3A_209 : memref<10000x64xf32, #tpu.memory_space<hbm>>) dst(%arg10 : memref<128x64xf32, #tpu.memory_space<vmem>>)
    %dma_start3A_210 = arith.constant 154 : i32
    %dma_start3A_211 = arith.constant 0 : i32
    %dma_start3A_212 = tpu.memref_slice %arg7[%dma_start3A_210, %dma_start3A_211] : memref<157x128xi32, #tpu.memory_space<vmem>> -> memref<1x128xi32, #tpu.memory_space<vmem>>
    %dma_start3A_213 = tpu.memref_squeeze %dma_start3A_212 : memref<1x128xi32, #tpu.memory_space<vmem>> -> memref<128xi32, #tpu.memory_space<vmem>>
    %dma_start3A_214 = arith.constant 0 : i32
    %dma_start3A_215 = arith.constant 0 : i32
    %dma_start3A_216 = tpu.memref_slice %arg12[%dma_start3A_214, %dma_start3A_215] : memref<10240x64xf32, #tpu.memory_space<vmem_shared>> -> memref<10240x64xf32, #tpu.memory_space<vmem_shared>>
    tpu.enqueue_indirect_dma source(%arg10 : memref<128x64xf32, #tpu.memory_space<vmem>>) target(%dma_start3A_216 : memref<10240x64xf32, #tpu.memory_space<vmem_shared>>) offsets(%dma_start3A_213 : memref<128xi32, #tpu.memory_space<vmem>>) semaphore(%arg19 : memref<!tpu.dma_semaphore, #tpu.memory_space<semaphore_mem>>) {add = true}
    %dma_wait3A_217 = arith.constant 155 : i32
    %dma_wait3A_218 = arith.constant 0 : i32
    %dma_wait3A_219 = tpu.memref_slice %arg6[%dma_wait3A_217, %dma_wait3A_218] : memref<157x128xi32, #tpu.memory_space<vmem>> -> memref<1x128xi32, #tpu.memory_space<vmem>>
    %dma_wait3A_220 = tpu.memref_squeeze %dma_wait3A_219 : memref<1x128xi32, #tpu.memory_space<vmem>> -> memref<128xi32, #tpu.memory_space<vmem>>
    %dma_wait3A_221 = arith.constant 0 : i32
    %dma_wait3A_222 = tpu.memref_slice %arg2[%multiple_of3A_127, %dma_wait3A_221] : memref<20000x64xf32, #tpu.memory_space<hbm>> -> memref<10000x64xf32, #tpu.memory_space<hbm>>
    %dma_wait3A_223 = arith.constant 0 : i32
    %dma_wait3A_224 = arith.constant 0 : i32
    %dma_wait3A_225 = tpu.memref_slice %dma_wait3A_222[%dma_wait3A_223, %dma_wait3A_224] : memref<10000x64xf32, #tpu.memory_space<hbm>> -> memref<10000x64xf32, #tpu.memory_space<hbm>>
    tpu.wait_indirect_dma semaphore(%arg16 : memref<!tpu.dma_semaphore, #tpu.memory_space<semaphore_mem>>) src(%dma_wait3A_225 : memref<10000x64xf32, #tpu.memory_space<hbm>>) dst(%arg11 : memref<128x64xf32, #tpu.memory_space<vmem>>)
    %dma_start3A_226 = arith.constant 155 : i32
    %dma_start3A_227 = arith.constant 0 : i32
    %dma_start3A_228 = tpu.memref_slice %arg7[%dma_start3A_226, %dma_start3A_227] : memref<157x128xi32, #tpu.memory_space<vmem>> -> memref<1x128xi32, #tpu.memory_space<vmem>>
    %dma_start3A_229 = tpu.memref_squeeze %dma_start3A_228 : memref<1x128xi32, #tpu.memory_space<vmem>> -> memref<128xi32, #tpu.memory_space<vmem>>
    %dma_start3A_230 = arith.constant 0 : i32
    %dma_start3A_231 = arith.constant 0 : i32
    %dma_start3A_232 = tpu.memref_slice %arg12[%dma_start3A_230, %dma_start3A_231] : memref<10240x64xf32, #tpu.memory_space<vmem_shared>> -> memref<10240x64xf32, #tpu.memory_space<vmem_shared>>
    tpu.enqueue_indirect_dma source(%arg11 : memref<128x64xf32, #tpu.memory_space<vmem>>) target(%dma_start3A_232 : memref<10240x64xf32, #tpu.memory_space<vmem_shared>>) offsets(%dma_start3A_229 : memref<128xi32, #tpu.memory_space<vmem>>) semaphore(%arg20 : memref<!tpu.dma_semaphore, #tpu.memory_space<semaphore_mem>>) {add = true}
    %dma_wait3A_233 = arith.constant 152 : i32
    %dma_wait3A_234 = arith.constant 0 : i32
    %dma_wait3A_235 = tpu.memref_slice %arg7[%dma_wait3A_233, %dma_wait3A_234] : memref<157x128xi32, #tpu.memory_space<vmem>> -> memref<1x128xi32, #tpu.memory_space<vmem>>
    %dma_wait3A_236 = tpu.memref_squeeze %dma_wait3A_235 : memref<1x128xi32, #tpu.memory_space<vmem>> -> memref<128xi32, #tpu.memory_space<vmem>>
    %dma_wait3A_237 = arith.constant 0 : i32
    %dma_wait3A_238 = arith.constant 0 : i32
    %dma_wait3A_239 = tpu.memref_slice %arg12[%dma_wait3A_237, %dma_wait3A_238] : memref<10240x64xf32, #tpu.memory_space<vmem_shared>> -> memref<10240x64xf32, #tpu.memory_space<vmem_shared>>
    tpu.wait_indirect_dma semaphore(%arg17 : memref<!tpu.dma_semaphore, #tpu.memory_space<semaphore_mem>>) src(%arg8 : memref<128x64xf32, #tpu.memory_space<vmem>>) dst(%dma_wait3A_239 : memref<10240x64xf32, #tpu.memory_space<vmem_shared>>)
    %dma_wait3A_240 = arith.constant 153 : i32
    %dma_wait3A_241 = arith.constant 0 : i32
    %dma_wait3A_242 = tpu.memref_slice %arg7[%dma_wait3A_240, %dma_wait3A_241] : memref<157x128xi32, #tpu.memory_space<vmem>> -> memref<1x128xi32, #tpu.memory_space<vmem>>
    %dma_wait3A_243 = tpu.memref_squeeze %dma_wait3A_242 : memref<1x128xi32, #tpu.memory_space<vmem>> -> memref<128xi32, #tpu.memory_space<vmem>>
    %dma_wait3A_244 = arith.constant 0 : i32
    %dma_wait3A_245 = arith.constant 0 : i32
    %dma_wait3A_246 = tpu.memref_slice %arg12[%dma_wait3A_244, %dma_wait3A_245] : memref<10240x64xf32, #tpu.memory_space<vmem_shared>> -> memref<10240x64xf32, #tpu.memory_space<vmem_shared>>
    tpu.wait_indirect_dma semaphore(%arg18 : memref<!tpu.dma_semaphore, #tpu.memory_space<semaphore_mem>>) src(%arg9 : memref<128x64xf32, #tpu.memory_space<vmem>>) dst(%dma_wait3A_246 : memref<10240x64xf32, #tpu.memory_space<vmem_shared>>)
    %dma_wait3A_247 = arith.constant 154 : i32
    %dma_wait3A_248 = arith.constant 0 : i32
    %dma_wait3A_249 = tpu.memref_slice %arg7[%dma_wait3A_247, %dma_wait3A_248] : memref<157x128xi32, #tpu.memory_space<vmem>> -> memref<1x128xi32, #tpu.memory_space<vmem>>
    %dma_wait3A_250 = tpu.memref_squeeze %dma_wait3A_249 : memref<1x128xi32, #tpu.memory_space<vmem>> -> memref<128xi32, #tpu.memory_space<vmem>>
    %dma_wait3A_251 = arith.constant 0 : i32
    %dma_wait3A_252 = arith.constant 0 : i32
    %dma_wait3A_253 = tpu.memref_slice %arg12[%dma_wait3A_251, %dma_wait3A_252] : memref<10240x64xf32, #tpu.memory_space<vmem_shared>> -> memref<10240x64xf32, #tpu.memory_space<vmem_shared>>
    tpu.wait_indirect_dma semaphore(%arg19 : memref<!tpu.dma_semaphore, #tpu.memory_space<semaphore_mem>>) src(%arg10 : memref<128x64xf32, #tpu.memory_space<vmem>>) dst(%dma_wait3A_253 : memref<10240x64xf32, #tpu.memory_space<vmem_shared>>)
    %dma_wait3A_254 = arith.constant 155 : i32
    %dma_wait3A_255 = arith.constant 0 : i32
    %dma_wait3A_256 = tpu.memref_slice %arg7[%dma_wait3A_254, %dma_wait3A_255] : memref<157x128xi32, #tpu.memory_space<vmem>> -> memref<1x128xi32, #tpu.memory_space<vmem>>
    %dma_wait3A_257 = tpu.memref_squeeze %dma_wait3A_256 : memref<1x128xi32, #tpu.memory_space<vmem>> -> memref<128xi32, #tpu.memory_space<vmem>>
    %dma_wait3A_258 = arith.constant 0 : i32
    %dma_wait3A_259 = arith.constant 0 : i32
    %dma_wait3A_260 = tpu.memref_slice %arg12[%dma_wait3A_258, %dma_wait3A_259] : memref<10240x64xf32, #tpu.memory_space<vmem_shared>> -> memref<10240x64xf32, #tpu.memory_space<vmem_shared>>
    tpu.wait_indirect_dma semaphore(%arg20 : memref<!tpu.dma_semaphore, #tpu.memory_space<semaphore_mem>>) src(%arg11 : memref<128x64xf32, #tpu.memory_space<vmem>>) dst(%dma_wait3A_260 : memref<10240x64xf32, #tpu.memory_space<vmem_shared>>)
    %lt3A_261 = arith.constant 4 : i32
    %lt3A_262 = arith.cmpi slt, %arg1, %lt3A_261 : i32
    %convert_element_type3A_263 = arith.extui %lt3A_262 : i1 to i32
    %cond3A_264 = arith.constant 0 : i32
    %cond3A_265 = arith.cmpi ne, %convert_element_type3A_263, %cond3A_264 : i32
    scf.if %cond3A_265 {
      %dma_start3A_337 = arith.constant 156 : i32
      %dma_start3A_338 = arith.constant 0 : i32
      %dma_start3A_339 = tpu.memref_slice %arg6[%dma_start3A_337, %dma_start3A_338] : memref<157x128xi32, #tpu.memory_space<vmem>> -> memref<1x128xi32, #tpu.memory_space<vmem>>
      %dma_start3A_340 = tpu.memref_squeeze %dma_start3A_339 : memref<1x128xi32, #tpu.memory_space<vmem>> -> memref<128xi32, #tpu.memory_space<vmem>>
      %dma_start3A_341 = arith.constant 0 : i32
      %dma_start3A_342 = tpu.memref_slice %arg2[%multiple_of3A_127, %dma_start3A_341] : memref<20000x64xf32, #tpu.memory_space<hbm>> -> memref<10000x64xf32, #tpu.memory_space<hbm>>
      %dma_start3A_343 = arith.constant 0 : i32
      %dma_start3A_344 = arith.constant 0 : i32
      %dma_start3A_345 = tpu.memref_slice %dma_start3A_342[%dma_start3A_343, %dma_start3A_344] : memref<10000x64xf32, #tpu.memory_space<hbm>> -> memref<10000x64xf32, #tpu.memory_space<hbm>>
      tpu.enqueue_indirect_dma source(%dma_start3A_345 : memref<10000x64xf32, #tpu.memory_space<hbm>>) target(%arg8 : memref<128x64xf32, #tpu.memory_space<vmem>>) offsets(%dma_start3A_340 : memref<128xi32, #tpu.memory_space<vmem>>) semaphore(%arg13 : memref<!tpu.dma_semaphore, #tpu.memory_space<semaphore_mem>>)
      %dma_wait3A_346 = arith.constant 156 : i32
      %dma_wait3A_347 = arith.constant 0 : i32
      %dma_wait3A_348 = tpu.memref_slice %arg6[%dma_wait3A_346, %dma_wait3A_347] : memref<157x128xi32, #tpu.memory_space<vmem>> -> memref<1x128xi32, #tpu.memory_space<vmem>>
      %dma_wait3A_349 = tpu.memref_squeeze %dma_wait3A_348 : memref<1x128xi32, #tpu.memory_space<vmem>> -> memref<128xi32, #tpu.memory_space<vmem>>
      %dma_wait3A_350 = arith.constant 0 : i32
      %dma_wait3A_351 = tpu.memref_slice %arg2[%multiple_of3A_127, %dma_wait3A_350] : memref<20000x64xf32, #tpu.memory_space<hbm>> -> memref<10000x64xf32, #tpu.memory_space<hbm>>
      %dma_wait3A_352 = arith.constant 0 : i32
      %dma_wait3A_353 = arith.constant 0 : i32
      %dma_wait3A_354 = tpu.memref_slice %dma_wait3A_351[%dma_wait3A_352, %dma_wait3A_353] : memref<10000x64xf32, #tpu.memory_space<hbm>> -> memref<10000x64xf32, #tpu.memory_space<hbm>>
      tpu.wait_indirect_dma semaphore(%arg13 : memref<!tpu.dma_semaphore, #tpu.memory_space<semaphore_mem>>) src(%dma_wait3A_354 : memref<10000x64xf32, #tpu.memory_space<hbm>>) dst(%arg8 : memref<128x64xf32, #tpu.memory_space<vmem>>)
      %dma_start3A_355 = arith.constant 156 : i32
      %dma_start3A_356 = arith.constant 0 : i32
      %dma_start3A_357 = tpu.memref_slice %arg7[%dma_start3A_355, %dma_start3A_356] : memref<157x128xi32, #tpu.memory_space<vmem>> -> memref<1x128xi32, #tpu.memory_space<vmem>>
      %dma_start3A_358 = tpu.memref_squeeze %dma_start3A_357 : memref<1x128xi32, #tpu.memory_space<vmem>> -> memref<128xi32, #tpu.memory_space<vmem>>
      %dma_start3A_359 = arith.constant 0 : i32
      %dma_start3A_360 = arith.constant 0 : i32
      %dma_start3A_361 = tpu.memref_slice %arg12[%dma_start3A_359, %dma_start3A_360] : memref<10240x64xf32, #tpu.memory_space<vmem_shared>> -> memref<10240x64xf32, #tpu.memory_space<vmem_shared>>
      tpu.enqueue_indirect_dma source(%arg8 : memref<128x64xf32, #tpu.memory_space<vmem>>) target(%dma_start3A_361 : memref<10240x64xf32, #tpu.memory_space<vmem_shared>>) offsets(%dma_start3A_358 : memref<128xi32, #tpu.memory_space<vmem>>) semaphore(%arg17 : memref<!tpu.dma_semaphore, #tpu.memory_space<semaphore_mem>>) {add = true}
      %dma_wait3A_362 = arith.constant 156 : i32
      %dma_wait3A_363 = arith.constant 0 : i32
      %dma_wait3A_364 = tpu.memref_slice %arg7[%dma_wait3A_362, %dma_wait3A_363] : memref<157x128xi32, #tpu.memory_space<vmem>> -> memref<1x128xi32, #tpu.memory_space<vmem>>
      %dma_wait3A_365 = tpu.memref_squeeze %dma_wait3A_364 : memref<1x128xi32, #tpu.memory_space<vmem>> -> memref<128xi32, #tpu.memory_space<vmem>>
      %dma_wait3A_366 = arith.constant 0 : i32
      %dma_wait3A_367 = arith.constant 0 : i32
      %dma_wait3A_368 = tpu.memref_slice %arg12[%dma_wait3A_366, %dma_wait3A_367] : memref<10240x64xf32, #tpu.memory_space<vmem_shared>> -> memref<10240x64xf32, #tpu.memory_space<vmem_shared>>
      tpu.wait_indirect_dma semaphore(%arg17 : memref<!tpu.dma_semaphore, #tpu.memory_space<semaphore_mem>>) src(%arg8 : memref<128x64xf32, #tpu.memory_space<vmem>>) dst(%dma_wait3A_368 : memref<10240x64xf32, #tpu.memory_space<vmem_shared>>)
    } else {
    }
    %barrier3A_266 = arith.constant 0 : index
    tpu.barrier barrier_id(%barrier3A_266)
    %mul3A_267 = arith.constant 640 : i32
    %mul3A_268 = arith.muli %arg1, %mul3A_267 : i32
    %add3A_269 = arith.constant 0 : i32
    %add3A_270 = arith.addi %mul3A_268, %add3A_269 : i32
    %dma_start3A_271 = tpu.memref_slice %arg5[%add3A_270, %multiple_of3A] : memref<10240x128xf32, #tpu.memory_space<hbm>> -> memref<128x64xf32, #tpu.memory_space<hbm>>
    %dma_start3A_272 = arith.constant 0 : i32
    %dma_start3A_273 = tpu.memref_slice %arg12[%add3A_270, %dma_start3A_272] : memref<10240x64xf32, #tpu.memory_space<vmem_shared>> -> memref<128x64xf32, #tpu.memory_space<vmem_shared>>
    tpu.enqueue_dma source(%dma_start3A_273 : memref<128x64xf32, #tpu.memory_space<vmem_shared>>) target(%dma_start3A_271 : memref<128x64xf32, #tpu.memory_space<hbm>>) target_semaphore(%arg17 : memref<!tpu.dma_semaphore, #tpu.memory_space<semaphore_mem>>)
    %mul3A_274 = arith.constant 640 : i32
    %mul3A_275 = arith.muli %arg1, %mul3A_274 : i32
    %add3A_276 = arith.constant 128 : i32
    %add3A_277 = arith.addi %mul3A_275, %add3A_276 : i32
    %dma_start3A_278 = tpu.memref_slice %arg5[%add3A_277, %multiple_of3A] : memref<10240x128xf32, #tpu.memory_space<hbm>> -> memref<128x64xf32, #tpu.memory_space<hbm>>
    %dma_start3A_279 = arith.constant 0 : i32
    %dma_start3A_280 = tpu.memref_slice %arg12[%add3A_277, %dma_start3A_279] : memref<10240x64xf32, #tpu.memory_space<vmem_shared>> -> memref<128x64xf32, #tpu.memory_space<vmem_shared>>
    tpu.enqueue_dma source(%dma_start3A_280 : memref<128x64xf32, #tpu.memory_space<vmem_shared>>) target(%dma_start3A_278 : memref<128x64xf32, #tpu.memory_space<hbm>>) target_semaphore(%arg17 : memref<!tpu.dma_semaphore, #tpu.memory_space<semaphore_mem>>)
    %mul3A_281 = arith.constant 640 : i32
    %mul3A_282 = arith.muli %arg1, %mul3A_281 : i32
    %add3A_283 = arith.constant 256 : i32
    %add3A_284 = arith.addi %mul3A_282, %add3A_283 : i32
    %dma_start3A_285 = tpu.memref_slice %arg5[%add3A_284, %multiple_of3A] : memref<10240x128xf32, #tpu.memory_space<hbm>> -> memref<128x64xf32, #tpu.memory_space<hbm>>
    %dma_start3A_286 = arith.constant 0 : i32
    %dma_start3A_287 = tpu.memref_slice %arg12[%add3A_284, %dma_start3A_286] : memref<10240x64xf32, #tpu.memory_space<vmem_shared>> -> memref<128x64xf32, #tpu.memory_space<vmem_shared>>
    tpu.enqueue_dma source(%dma_start3A_287 : memref<128x64xf32, #tpu.memory_space<vmem_shared>>) target(%dma_start3A_285 : memref<128x64xf32, #tpu.memory_space<hbm>>) target_semaphore(%arg17 : memref<!tpu.dma_semaphore, #tpu.memory_space<semaphore_mem>>)
    %mul3A_288 = arith.constant 640 : i32
    %mul3A_289 = arith.muli %arg1, %mul3A_288 : i32
    %add3A_290 = arith.constant 384 : i32
    %add3A_291 = arith.addi %mul3A_289, %add3A_290 : i32
    %dma_start3A_292 = tpu.memref_slice %arg5[%add3A_291, %multiple_of3A] : memref<10240x128xf32, #tpu.memory_space<hbm>> -> memref<128x64xf32, #tpu.memory_space<hbm>>
    %dma_start3A_293 = arith.constant 0 : i32
    %dma_start3A_294 = tpu.memref_slice %arg12[%add3A_291, %dma_start3A_293] : memref<10240x64xf32, #tpu.memory_space<vmem_shared>> -> memref<128x64xf32, #tpu.memory_space<vmem_shared>>
    tpu.enqueue_dma source(%dma_start3A_294 : memref<128x64xf32, #tpu.memory_space<vmem_shared>>) target(%dma_start3A_292 : memref<128x64xf32, #tpu.memory_space<hbm>>) target_semaphore(%arg17 : memref<!tpu.dma_semaphore, #tpu.memory_space<semaphore_mem>>)
    %mul3A_295 = arith.constant 640 : i32
    %mul3A_296 = arith.muli %arg1, %mul3A_295 : i32
    %add3A_297 = arith.constant 512 : i32
    %add3A_298 = arith.addi %mul3A_296, %add3A_297 : i32
    %dma_start3A_299 = tpu.memref_slice %arg5[%add3A_298, %multiple_of3A] : memref<10240x128xf32, #tpu.memory_space<hbm>> -> memref<128x64xf32, #tpu.memory_space<hbm>>
    %dma_start3A_300 = arith.constant 0 : i32
    %dma_start3A_301 = tpu.memref_slice %arg12[%add3A_298, %dma_start3A_300] : memref<10240x64xf32, #tpu.memory_space<vmem_shared>> -> memref<128x64xf32, #tpu.memory_space<vmem_shared>>
    tpu.enqueue_dma source(%dma_start3A_301 : memref<128x64xf32, #tpu.memory_space<vmem_shared>>) target(%dma_start3A_299 : memref<128x64xf32, #tpu.memory_space<hbm>>) target_semaphore(%arg17 : memref<!tpu.dma_semaphore, #tpu.memory_space<semaphore_mem>>)
    %mul3A_302 = arith.constant 640 : i32
    %mul3A_303 = arith.muli %arg1, %mul3A_302 : i32
    %add3A_304 = arith.constant 0 : i32
    %add3A_305 = arith.addi %mul3A_303, %add3A_304 : i32
    %dma_wait3A_306 = tpu.memref_slice %arg5[%add3A_305, %multiple_of3A] : memref<10240x128xf32, #tpu.memory_space<hbm>> -> memref<128x64xf32, #tpu.memory_space<hbm>>
    %dma_wait3A_307 = arith.constant 0 : i32
    %dma_wait3A_308 = tpu.memref_slice %arg12[%add3A_305, %dma_wait3A_307] : memref<10240x64xf32, #tpu.memory_space<vmem_shared>> -> memref<128x64xf32, #tpu.memory_space<vmem_shared>>
    tpu.wait_dma2 semaphore(%arg17 : memref<!tpu.dma_semaphore, #tpu.memory_space<semaphore_mem>>) src(%dma_wait3A_308 : memref<128x64xf32, #tpu.memory_space<vmem_shared>>) dst(%dma_wait3A_306 : memref<128x64xf32, #tpu.memory_space<hbm>>)
    %mul3A_309 = arith.constant 640 : i32
    %mul3A_310 = arith.muli %arg1, %mul3A_309 : i32
    %add3A_311 = arith.constant 128 : i32
    %add3A_312 = arith.addi %mul3A_310, %add3A_311 : i32
    %dma_wait3A_313 = tpu.memref_slice %arg5[%add3A_312, %multiple_of3A] : memref<10240x128xf32, #tpu.memory_space<hbm>> -> memref<128x64xf32, #tpu.memory_space<hbm>>
    %dma_wait3A_314 = arith.constant 0 : i32
    %dma_wait3A_315 = tpu.memref_slice %arg12[%add3A_312, %dma_wait3A_314] : memref<10240x64xf32, #tpu.memory_space<vmem_shared>> -> memref<128x64xf32, #tpu.memory_space<vmem_shared>>
    tpu.wait_dma2 semaphore(%arg17 : memref<!tpu.dma_semaphore, #tpu.memory_space<semaphore_mem>>) src(%dma_wait3A_315 : memref<128x64xf32, #tpu.memory_space<vmem_shared>>) dst(%dma_wait3A_313 : memref<128x64xf32, #tpu.memory_space<hbm>>)
    %mul3A_316 = arith.constant 640 : i32
    %mul3A_317 = arith.muli %arg1, %mul3A_316 : i32
    %add3A_318 = arith.constant 256 : i32
    %add3A_319 = arith.addi %mul3A_317, %add3A_318 : i32
    %dma_wait3A_320 = tpu.memref_slice %arg5[%add3A_319, %multiple_of3A] : memref<10240x128xf32, #tpu.memory_space<hbm>> -> memref<128x64xf32, #tpu.memory_space<hbm>>
    %dma_wait3A_321 = arith.constant 0 : i32
    %dma_wait3A_322 = tpu.memref_slice %arg12[%add3A_319, %dma_wait3A_321] : memref<10240x64xf32, #tpu.memory_space<vmem_shared>> -> memref<128x64xf32, #tpu.memory_space<vmem_shared>>
    tpu.wait_dma2 semaphore(%arg17 : memref<!tpu.dma_semaphore, #tpu.memory_space<semaphore_mem>>) src(%dma_wait3A_322 : memref<128x64xf32, #tpu.memory_space<vmem_shared>>) dst(%dma_wait3A_320 : memref<128x64xf32, #tpu.memory_space<hbm>>)
    %mul3A_323 = arith.constant 640 : i32
    %mul3A_324 = arith.muli %arg1, %mul3A_323 : i32
    %add3A_325 = arith.constant 384 : i32
    %add3A_326 = arith.addi %mul3A_324, %add3A_325 : i32
    %dma_wait3A_327 = tpu.memref_slice %arg5[%add3A_326, %multiple_of3A] : memref<10240x128xf32, #tpu.memory_space<hbm>> -> memref<128x64xf32, #tpu.memory_space<hbm>>
    %dma_wait3A_328 = arith.constant 0 : i32
    %dma_wait3A_329 = tpu.memref_slice %arg12[%add3A_326, %dma_wait3A_328] : memref<10240x64xf32, #tpu.memory_space<vmem_shared>> -> memref<128x64xf32, #tpu.memory_space<vmem_shared>>
    tpu.wait_dma2 semaphore(%arg17 : memref<!tpu.dma_semaphore, #tpu.memory_space<semaphore_mem>>) src(%dma_wait3A_329 : memref<128x64xf32, #tpu.memory_space<vmem_shared>>) dst(%dma_wait3A_327 : memref<128x64xf32, #tpu.memory_space<hbm>>)
    %mul3A_330 = arith.constant 640 : i32
    %mul3A_331 = arith.muli %arg1, %mul3A_330 : i32
    %add3A_332 = arith.constant 512 : i32
    %add3A_333 = arith.addi %mul3A_331, %add3A_332 : i32
    %dma_wait3A_334 = tpu.memref_slice %arg5[%add3A_333, %multiple_of3A] : memref<10240x128xf32, #tpu.memory_space<hbm>> -> memref<128x64xf32, #tpu.memory_space<hbm>>
    %dma_wait3A_335 = arith.constant 0 : i32
    %dma_wait3A_336 = tpu.memref_slice %arg12[%add3A_333, %dma_wait3A_335] : memref<10240x64xf32, #tpu.memory_space<vmem_shared>> -> memref<128x64xf32, #tpu.memory_space<vmem_shared>>
    tpu.wait_dma2 semaphore(%arg17 : memref<!tpu.dma_semaphore, #tpu.memory_space<semaphore_mem>>) src(%dma_wait3A_336 : memref<128x64xf32, #tpu.memory_space<vmem_shared>>) dst(%dma_wait3A_334 : memref<128x64xf32, #tpu.memory_space<hbm>>)
    return
  }
}

module attributes {stable_mosaic.version = 14 : i64} {
  func.func @_embed_body(%arg0: memref<10000x128xf32, #tpu.memory_space<vmem>>, %arg1: memref<128x128xf32, #tpu.memory_space<vmem>>, %arg2: memref<1x128xf32, #tpu.memory_space<vmem>>, %arg3: memref<20000x64xf32, #tpu.memory_space<vmem>>) attributes {dimension_semantics = [], scalar_prefetch = 0 : i64, scratch_operands = 0 : i64, tpu.core_type = #tpu.core_type<tc>} {
    %get3A = arith.constant 0 : index
    %get3A_0 = arith.constant 0 : index
    %get3A_1 = vector.load %arg0[%get3A, %get3A_0] : memref<10000x128xf32, #tpu.memory_space<vmem>>, vector<10000x128xf32>
    %get3A_2 = arith.constant 0 : index
    %get3A_3 = arith.constant 0 : index
    %get3A_4 = vector.load %arg1[%get3A_2, %get3A_3] : memref<128x128xf32, #tpu.memory_space<vmem>>, vector<128x128xf32>
    %dot_general3A = arith.constant dense<0.000000e+00> : vector<10000x128xf32>
    %dot_general3A_5 = tpu.matmul %get3A_1, %get3A_4, %dot_general3A {dimension_numbers = #tpu.dot_dimension_numbers<[1], [0], [0], [1], [0, 0, 1, 1], [], []>, transpose_lhs_hint = false} : vector<10000x128xf32>, vector<128x128xf32>, vector<10000x128xf32> -> vector<10000x128xf32>
    %get3A_6 = arith.constant 0 : index
    %get3A_7 = arith.constant 0 : index
    %get3A_8 = vector.load %arg2[%get3A_6, %get3A_7] : memref<1x128xf32, #tpu.memory_space<vmem>>, vector<1x128xf32>
    %add3A = vector.broadcast %get3A_8 : vector<1x128xf32> to vector<10000x128xf32>
    %add3A_9 = arith.addf %dot_general3A_5, %add3A : vector<10000x128xf32>
    %mul3A = arith.mulf %add3A_9, %add3A_9 : vector<10000x128xf32>
    %reduce_sum3A = arith.constant dense<0.000000e+00> : vector<10000xf32>
    %reduce_sum3A_10 = vector.multi_reduction <add>, %mul3A, %reduce_sum3A [1] : vector<10000x128xf32> to vector<10000xf32>
    %broadcast_in_dim3A = vector.shape_cast %reduce_sum3A_10 : vector<10000xf32> to vector<10000x1xf32>
    %sqrt3A = math.sqrt %broadcast_in_dim3A : vector<10000x1xf32>
    %div3A = vector.broadcast %sqrt3A : vector<10000x1xf32> to vector<10000x128xf32>
    %div3A_11 = arith.divf %add3A_9, %div3A : vector<10000x128xf32>
    %slice3A = vector.extract_strided_slice %div3A_11 {offsets = [0, 0], sizes = [10000, 64], strides = [1, 1]} : vector<10000x128xf32> to vector<10000x64xf32>
    %swap3A = arith.constant 0 : index
    %swap3A_12 = arith.constant 0 : index
    %swap3A_13 = vector.load %arg3[%swap3A, %swap3A_12] : memref<20000x64xf32, #tpu.memory_space<vmem>>, vector<10000x64xf32>
    tpu.vector_store %arg3[%swap3A, %swap3A_12], %slice3A {strides = array<i32>} : memref<20000x64xf32, #tpu.memory_space<vmem>>, vector<10000x64xf32>,
    %slice3A_14 = vector.extract_strided_slice %div3A_11 {offsets = [0, 64], sizes = [10000, 64], strides = [1, 1]} : vector<10000x128xf32> to vector<10000x64xf32>
    %swap3A_15 = arith.constant 10000 : index
    %swap3A_16 = arith.constant 0 : index
    %swap3A_17 = vector.load %arg3[%swap3A_15, %swap3A_16] : memref<20000x64xf32, #tpu.memory_space<vmem>>, vector<10000x64xf32>
    tpu.vector_store %arg3[%swap3A_15, %swap3A_16], %slice3A_14 {strides = array<i32>} : memref<20000x64xf32, #tpu.memory_space<vmem>>, vector<10000x64xf32>,
    return
  }
}

module attributes {stable_mosaic.version = 14 : i64} {
  func.func @_mid_body(%arg0: memref<10240x128xf32, #tpu.memory_space<vmem>>, %arg1: memref<2x10240x16xf32, #tpu.memory_space<vmem>>, %arg2: memref<128x128xf32, #tpu.memory_space<vmem>>, %arg3: memref<1x128xf32, #tpu.memory_space<vmem>>, %arg4: memref<20000x64xf32, #tpu.memory_space<vmem>>) attributes {dimension_semantics = [], scalar_prefetch = 0 : i64, scratch_operands = 0 : i64, tpu.core_type = #tpu.core_type<tc>} {
    %get3A = arith.constant 0 : index
    %get3A_0 = arith.constant 0 : index
    %get3A_1 = arith.constant 0 : index
    %get3A_2 = vector.load %arg1[%get3A, %get3A_0, %get3A_1] : memref<2x10240x16xf32, #tpu.memory_space<vmem>>, vector<1x10000x16xf32>
    %get3A_3 = vector.shape_cast %get3A_2 : vector<1x10000x16xf32> to vector<10000x16xf32>
    %get3A_4 = arith.constant 1 : index
    %get3A_5 = arith.constant 0 : index
    %get3A_6 = arith.constant 0 : index
    %get3A_7 = vector.load %arg1[%get3A_4, %get3A_5, %get3A_6] : memref<2x10240x16xf32, #tpu.memory_space<vmem>>, vector<1x10000x16xf32>
    %get3A_8 = vector.shape_cast %get3A_7 : vector<1x10000x16xf32> to vector<10000x16xf32>
    %add3A = arith.addf %get3A_3, %get3A_8 : vector<10000x16xf32>
    %reduce_sum3A = arith.constant dense<0.000000e+00> : vector<10000xf32>
    %reduce_sum3A_9 = vector.multi_reduction <add>, %add3A, %reduce_sum3A [1] : vector<10000x16xf32> to vector<10000xf32>
    %broadcast_in_dim3A = vector.shape_cast %reduce_sum3A_9 : vector<10000xf32> to vector<10000x1xf32>
    %max3A = arith.constant 1.000000e+00 : f32
    %max3A_10 = vector.broadcast %max3A : f32 to vector<10000x1xf32>
    %max3A_11 = arith.maximumf %broadcast_in_dim3A, %max3A_10 : vector<10000x1xf32>
    %get3A_12 = arith.constant 0 : index
    %get3A_13 = arith.constant 0 : index
    %get3A_14 = vector.load %arg0[%get3A_12, %get3A_13] : memref<10240x128xf32, #tpu.memory_space<vmem>>, vector<10000x128xf32>
    %div3A = vector.broadcast %max3A_11 : vector<10000x1xf32> to vector<10000x128xf32>
    %div3A_15 = arith.divf %get3A_14, %div3A : vector<10000x128xf32>
    %get3A_16 = arith.constant 0 : index
    %get3A_17 = arith.constant 0 : index
    %get3A_18 = vector.load %arg2[%get3A_16, %get3A_17] : memref<128x128xf32, #tpu.memory_space<vmem>>, vector<128x128xf32>
    %dot_general3A = arith.constant dense<0.000000e+00> : vector<10000x128xf32>
    %dot_general3A_19 = tpu.matmul %div3A_15, %get3A_18, %dot_general3A {dimension_numbers = #tpu.dot_dimension_numbers<[1], [0], [0], [1], [0, 0, 1, 1], [], []>, transpose_lhs_hint = false} : vector<10000x128xf32>, vector<128x128xf32>, vector<10000x128xf32> -> vector<10000x128xf32>
    %get3A_20 = arith.constant 0 : index
    %get3A_21 = arith.constant 0 : index
    %get3A_22 = vector.load %arg3[%get3A_20, %get3A_21] : memref<1x128xf32, #tpu.memory_space<vmem>>, vector<1x128xf32>
    %add3A_23 = vector.broadcast %get3A_22 : vector<1x128xf32> to vector<10000x128xf32>
    %add3A_24 = arith.addf %dot_general3A_19, %add3A_23 : vector<10000x128xf32>
    %max3A_25 = arith.constant 0.000000e+00 : f32
    %max3A_26 = vector.broadcast %max3A_25 : f32 to vector<10000x128xf32>
    %max3A_27 = arith.maximumf %add3A_24, %max3A_26 : vector<10000x128xf32>
    %slice3A = vector.extract_strided_slice %max3A_27 {offsets = [0, 0], sizes = [10000, 64], strides = [1, 1]} : vector<10000x128xf32> to vector<10000x64xf32>
    %swap3A = arith.constant 0 : index
    %swap3A_28 = arith.constant 0 : index
    %swap3A_29 = vector.load %arg4[%swap3A, %swap3A_28] : memref<20000x64xf32, #tpu.memory_space<vmem>>, vector<10000x64xf32>
    tpu.vector_store %arg4[%swap3A, %swap3A_28], %slice3A {strides = array<i32>} : memref<20000x64xf32, #tpu.memory_space<vmem>>, vector<10000x64xf32>,
    %slice3A_30 = vector.extract_strided_slice %max3A_27 {offsets = [0, 64], sizes = [10000, 64], strides = [1, 1]} : vector<10000x128xf32> to vector<10000x64xf32>
    %swap3A_31 = arith.constant 10000 : index
    %swap3A_32 = arith.constant 0 : index
    %swap3A_33 = vector.load %arg4[%swap3A_31, %swap3A_32] : memref<20000x64xf32, #tpu.memory_space<vmem>>, vector<10000x64xf32>
    tpu.vector_store %arg4[%swap3A_31, %swap3A_32], %slice3A_30 {strides = array<i32>} : memref<20000x64xf32, #tpu.memory_space<vmem>>, vector<10000x64xf32>,
    return
  }
}

module attributes {stable_mosaic.version = 14 : i64} {
  func.func @_recon_body(%arg0: memref<10240x128xf32, #tpu.memory_space<vmem>>, %arg1: memref<2x10240x16xf32, #tpu.memory_space<vmem>>, %arg2: memref<10000x128xf32, #tpu.memory_space<vmem>>, %arg3: memref<128x128xf32, #tpu.memory_space<vmem>>, %arg4: memref<1x128xf32, #tpu.memory_space<vmem>>, %arg5: memref<10000xf32, #tpu.memory_space<vmem>>) attributes {dimension_semantics = [], scalar_prefetch = 0 : i64, scratch_operands = 0 : i64, tpu.core_type = #tpu.core_type<tc>} {
    %get3A = arith.constant 0 : index
    %get3A_0 = arith.constant 0 : index
    %get3A_1 = arith.constant 0 : index
    %get3A_2 = vector.load %arg1[%get3A, %get3A_0, %get3A_1] : memref<2x10240x16xf32, #tpu.memory_space<vmem>>, vector<1x10000x16xf32>
    %get3A_3 = vector.shape_cast %get3A_2 : vector<1x10000x16xf32> to vector<10000x16xf32>
    %get3A_4 = arith.constant 1 : index
    %get3A_5 = arith.constant 0 : index
    %get3A_6 = arith.constant 0 : index
    %get3A_7 = vector.load %arg1[%get3A_4, %get3A_5, %get3A_6] : memref<2x10240x16xf32, #tpu.memory_space<vmem>>, vector<1x10000x16xf32>
    %get3A_8 = vector.shape_cast %get3A_7 : vector<1x10000x16xf32> to vector<10000x16xf32>
    %add3A = arith.addf %get3A_3, %get3A_8 : vector<10000x16xf32>
    %reduce_sum3A = arith.constant dense<0.000000e+00> : vector<10000xf32>
    %reduce_sum3A_9 = vector.multi_reduction <add>, %add3A, %reduce_sum3A [1] : vector<10000x16xf32> to vector<10000xf32>
    %broadcast_in_dim3A = vector.shape_cast %reduce_sum3A_9 : vector<10000xf32> to vector<10000x1xf32>
    %max3A = arith.constant 1.000000e+00 : f32
    %max3A_10 = vector.broadcast %max3A : f32 to vector<10000x1xf32>
    %max3A_11 = arith.maximumf %broadcast_in_dim3A, %max3A_10 : vector<10000x1xf32>
    %get3A_12 = arith.constant 0 : index
    %get3A_13 = arith.constant 0 : index
    %get3A_14 = vector.load %arg0[%get3A_12, %get3A_13] : memref<10240x128xf32, #tpu.memory_space<vmem>>, vector<10000x128xf32>
    %div3A = vector.broadcast %max3A_11 : vector<10000x1xf32> to vector<10000x128xf32>
    %div3A_15 = arith.divf %get3A_14, %div3A : vector<10000x128xf32>
    %get3A_16 = arith.constant 0 : index
    %get3A_17 = arith.constant 0 : index
    %get3A_18 = vector.load %arg3[%get3A_16, %get3A_17] : memref<128x128xf32, #tpu.memory_space<vmem>>, vector<128x128xf32>
    %dot_general3A = arith.constant dense<0.000000e+00> : vector<10000x128xf32>
    %dot_general3A_19 = tpu.matmul %div3A_15, %get3A_18, %dot_general3A {dimension_numbers = #tpu.dot_dimension_numbers<[1], [0], [0], [1], [0, 0, 1, 1], [], []>, transpose_lhs_hint = false} : vector<10000x128xf32>, vector<128x128xf32>, vector<10000x128xf32> -> vector<10000x128xf32>
    %get3A_20 = arith.constant 0 : index
    %get3A_21 = arith.constant 0 : index
    %get3A_22 = vector.load %arg4[%get3A_20, %get3A_21] : memref<1x128xf32, #tpu.memory_space<vmem>>, vector<1x128xf32>
    %add3A_23 = vector.broadcast %get3A_22 : vector<1x128xf32> to vector<10000x128xf32>
    %add3A_24 = arith.addf %dot_general3A_19, %add3A_23 : vector<10000x128xf32>
    %get3A_25 = arith.constant 0 : index
    %get3A_26 = arith.constant 0 : index
    %get3A_27 = vector.load %arg2[%get3A_25, %get3A_26] : memref<10000x128xf32, #tpu.memory_space<vmem>>, vector<10000x128xf32>
    %sub3A = arith.subf %get3A_27, %add3A_24 : vector<10000x128xf32>
    %mul3A = arith.mulf %sub3A, %sub3A : vector<10000x128xf32>
    %reduce_sum3A_28 = arith.constant dense<0.000000e+00> : vector<10000xf32>
    %reduce_sum3A_29 = vector.multi_reduction <add>, %mul3A, %reduce_sum3A_28 [1] : vector<10000x128xf32> to vector<10000xf32>
    %swap3A = arith.constant 0 : index
    %swap3A_30 = vector.load %arg5[%swap3A] : memref<10000xf32, #tpu.memory_space<vmem>>, vector<10000xf32>
    tpu.vector_store %arg5[%swap3A], %reduce_sum3A_29 {strides = array<i32>} : memref<10000xf32, #tpu.memory_space<vmem>>, vector<10000xf32>,
    return
  }
}

</mosaic_0001>

<sc_bundles>
// kernel: kernel.10.cloned.1.call-start
scs
__scs_entry_jumppad:
0x0: {  	(pc) =	sbr.rel $0x88, $3  }
0x1: {  	(tag) =	ssettag $0x0;
	lr =	simm.s32 $0x1  }
0x2: {  	[smem:$0x3F99] =	sst lr;
	_ =	strace $0xD0000000  }
0x3: {  	_ = 	snop  }
0x4: {  	_ = 	snop  }
0x5: {  	_ = 	snop  }
0x6: {  	_ = 	snop  }
0x7: {  	_ = 	snop  }
__scs_overlays_trampoline_lowered:
0x8: {  	[smem:$0x3FA8] =	sst s0  }
0x9: {  	[smem:$0x3FA9] =	sst s1  }
0xa: {  	[smem:$0x3FAA] =	sst s2  }
0xb: {  	[smem:$0x3FAB] =	sst s3  }
0xc: {  	[smem:$0x3FAC] =	sst s4  }
0xd: {  	[smem:$0x3FAD] =	sst s5  }
0xe: {  	[smem:$0x3FAE] =	sst s6  }
0xf: {  	[smem:$0x3FAF] =	sst s7  }
0x10: {  	[smem:$0x3FB0] =	sst s8  }
0x11: {  	[smem:$0x3FB1] =	sst s9;
	s0 =	simm.s32 @!p0 $0x0  }
0x12: {  	s1 =	sld [smem:$0x3F97];
	s0 =	simm.s32 @p0 $0x1  }
0x13: {  	[smem:$0x3FB2] =	sst s0;
	s0 =	simm.s32 @!p1 $0x0  }
0x14: {  	s2 =	sld [smem:$0x3F96];
	s0 =	simm.s32 @p1 $0x1  }
0x15: {  	[smem:$0x3FB3] =	sst s0;
	s0 =	simm.s32 @!p2 $0x0  }
0x16: {  	s3 =	sld [smem:$0x3FDB];
	s0 =	simm.s32 @p2 $0x1  }
0x17: {  	s4 =	simm.s32 $0x1BF5;
	[smem:$0x3FB5] =	sst s0  }
0x18: {  	s0 =	sld [smem:$0x3F98];
	_ =	swait.ge [sflag:s4], $0x0  }
0x19: {  	s7 =	sld [smem:$0x3F99]  }
0x1a: {  	s8 =	sadd.s32 $0xFFFFE003, lr  }
0x1b: {  	s9 =	sadd.s32 $0xFFFFFEF7, lr;
	s5 =	simm.s32 $0xFFFFFFFF;
	p2 =	slt.u32 s8, $0xFFFFF086  }
0x1c: {  	p1 =	slt.u32 s9, $0xF7A;
	s5 =	simm.s32 @!p2 $0x0  }
0x1d: {  	s5 =	simm.s32 @p1 $0x1;
	p0 =	seq.s32 s7, s2  }
0x1e: {  	s7 =	smul.u32 @!p0 $0xF7A, s2;
	p2 =	seq.s32 @!p0 s5, $0x0  }
0x1f: {  	s9 =	smul.u32 $0xF7A, s1;
	s8 =	simm.s32 @!p0 $0x1BF5;
	p2 =	por !p2, p0  }
0x20: {  	[sflag:s8] =	ssyncset.s32 @!p0 $0xFFFFF086;
	s6 =	sadd.s32 @!p0 s3, s7;
	s7 =	simm.s32 @!p0 $0x108  }
0x21: {  	s3 =	sadd.s32 s3, s9;
	s6 =	sadd.s32 @!p0 $0x88, s6;
	s7 =	simm.s32 @p2 $0x1082  }
0x22: {  	[simem:s7], [sflag:s8] =	dma.local @!p0 [hbm:s6], $0xF7A  }
0x23: {  	s9 =	sor.u32 $0xD0000000, s2;
	s6 =	simm.s32 $0x108;
	_ =	swait.ge @!p0 [sflag:s8], $0x0  }
0x24: {  	s3 =	sadd.s32 $0x88, s3;
	s6 =	simm.s32 @!p1 $0x1082;
	[sflag:s4] =	ssyncset.s32 $0xFFFFF086  }
0x25: {  	[simem:s6], [sflag:s4] =	dma.local [hbm:s3], $0xF7A  }
0x26: {  	[smem:$0x3F99] =	sst s1;
	(tag) =	ssettag s2;
	_ =	strace s9  }
0x27: {  	s1 =	sld [smem:$0x3FA9]  }
0x28: {  	s2 =	sld [smem:$0x3FAA]  }
0x29: {  	s4 =	sld [smem:$0x3FAC]  }
0x2a: {  	p0 =	seq.s32 s5, $0x0;
	s5 =	sld [smem:$0x3FAD]  }
0x2b: {  	s6 =	sld [smem:$0x3FAE]  }
0x2c: {  	s7 =	sld [smem:$0x3FAF]  }
0x2d: {  	s3 =	simm.s32 $0x108;
	s8 =	sld [smem:$0x3FB0]  }
0x2e: {  	s3 =	simm.s32 @!p0 $0x1082;
	s9 =	sld [smem:$0x3FB1]  }
0x2f: {  	lr =	sadd.s32 s0, s3;
	s0 =	sld [smem:$0x3FA8]  }
0x30: {  	s3 =	sld [smem:$0x3FAB]  }
0x31: {  	[smem:$0x3FB4] =	sst s10  }
0x32: {  	s10 =	sld [smem:$0x3FB2];
	_ =	sdelay $0x3  }
0x33: {  	p0 =	seq.s32 s10, $0x1;
	s10 =	sld [smem:$0x3FB4];
	_ =	sdelay $0x3  }
0x34: {  	[smem:$0x3FB4] =	sst s10  }
0x35: {  	s10 =	sld [smem:$0x3FB3];
	_ =	sdelay $0x3  }
0x36: {  	p1 =	seq.s32 s10, $0x1;
	s10 =	sld [smem:$0x3FB4];
	_ =	sdelay $0x3  }
0x37: {  	[smem:$0x3FB4] =	sst s10  }
0x38: {  	s10 =	sld [smem:$0x3FB5]  }
0x39: {  	_ = 	snop;
	(pc) =	sbr.ind lr, $3  }
0x3a: {  	_ = 	snop  }
0x3b: {  	_ = 	snop  }
0x3c: {  	p2 =	seq.s32 s10, $0x1;
	s10 =	sld [smem:$0x3FB4]  }
0x3d: {  	_ =	shalt  }
0x3e: {  	_ =	shalt  }
0x3f: {  	_ =	shalt  }
0x40: {  	_ =	shalt  }
0x41: {  	_ =	shalt  }
0x42: {  	_ =	shalt  }
0x43: {  	_ =	shalt  }
0x44: {  	_ =	shalt  }
0x45: {  	_ =	shalt  }
0x46: {  	_ =	shalt  }
0x47: {  	_ =	shalt  }
0x48: {  	_ =	shalt  }
0x49: {  	_ =	shalt  }
0x4a: {  	_ =	shalt  }
0x4b: {  	_ =	shalt  }
0x4c: {  	_ =	shalt  }
0x4d: {  	_ =	shalt  }
0x4e: {  	_ =	shalt  }
0x4f: {  	_ =	shalt  }
0x50: {  	_ =	shalt  }
0x51: {  	_ =	shalt  }
0x52: {  	_ =	shalt  }
0x53: {  	_ =	shalt  }
0x54: {  	_ =	shalt  }
0x55: {  	_ =	shalt  }
0x56: {  	_ =	shalt  }
0x57: {  	_ =	shalt  }
0x58: {  	_ =	shalt  }
0x59: {  	_ =	shalt  }
0x5a: {  	_ =	shalt  }
0x5b: {  	_ =	shalt  }
0x5c: {  	_ =	shalt  }
0x5d: {  	_ =	shalt  }
0x5e: {  	_ =	shalt  }
0x5f: {  	_ =	shalt  }
0x60: {  	_ =	shalt  }
0x61: {  	_ =	shalt  }
0x62: {  	_ =	shalt  }
0x63: {  	_ =	shalt  }
0x64: {  	_ =	shalt  }
0x65: {  	_ =	shalt  }
0x66: {  	_ =	shalt  }
0x67: {  	_ =	shalt  }
0x68: {  	_ =	shalt  }
0x69: {  	_ =	shalt  }
0x6a: {  	_ =	shalt  }
0x6b: {  	_ =	shalt  }
0x6c: {  	_ =	shalt  }
0x6d: {  	_ =	shalt  }
0x6e: {  	_ =	shalt  }
0x6f: {  	_ =	shalt  }
0x70: {  	_ =	shalt  }
0x71: {  	_ =	shalt  }
0x72: {  	_ =	shalt  }
0x73: {  	_ =	shalt  }
0x74: {  	_ =	shalt  }
0x75: {  	_ =	shalt  }
0x76: {  	_ =	shalt  }
0x77: {  	_ =	shalt  }
0x78: {  	_ =	shalt  }
0x79: {  	_ =	shalt  }
0x7a: {  	_ =	shalt  }
0x7b: {  	_ =	shalt  }
0x7c: {  	_ =	shalt  }
0x7d: {  	_ =	shalt  }
0x7e: {  	_ =	shalt  }
0x7f: {  	_ =	shalt  }
0x80: {  	_ =	shalt  }
0x81: {  	_ =	shalt  }
0x82: {  	_ =	shalt  }
0x83: {  	_ =	shalt  }
0x84: {  	_ =	shalt  }
0x85: {  	_ =	shalt  }
0x86: {  	_ =	shalt  }
0x87: {  	_ =	shalt  }
.Lfunc_end0:
.L_simem_size_0:
called_computation.1_lowered:
.L_overlay_start_0:
0x88: {  	s2 =	sld [smem:$0x3FD9]  }
0x89: {  	s3 =	sld [smem:$0x3FFE];
	_ =	sdelay $0x1  }
0x8a: {  	s1 =	srdreg.scid  }
0x8b: {  	s0 =	sand.u32 $0x1, s1  }
0x8c: {  	s16 =	sshll.u32 s0, $0xA;
	s2 =	sadd.s32 s3, s2  }
0x8d: {  	s2 =	sadd.s32 s2, s16  }
0x8e: {  	[smem:$0x3FC0] =	sst s2  }
0x8f: {  	_ = 	snop  }
0x90: {  	(tm) =	ssettm $0x1  }
0x91: {  	s17 =	sld [smem:$0x3FFB];
	_ =	sdelay $0x3  }
0x92: {  	_ =	strace s17  }
0x93: {  	s2 =	sld [smem:$0x3FFC];
	_ =	sdelay $0x3  }
0x94: {  	_ =	strace s2  }
0x95: {  	s2 =	sld [smem:$0x3FFD];
	_ =	sdelay $0x3  }
0x96: {  	_ =	strace s2  }
0x97: {  	_ =	strace $0x8FFFFFFF  }
0x98: {  	s18 =	sld [smem:$0x3FDB];
	_ =	sdelay $0x1  }
0x99: {  	s19 =	simm.s32 $_scs_section_size  }
0x9a: {  	s4 =	simm.s32 $_size__tile_overlayer_lowered;
	s5 =	simm.s32 $_tile_overlayer_lowered  }
0x9b: {  	s22 =	simm.s32 $0x1BFF;
	s21 =	sshll.u32 s5, $0x1;
	s2 =	sadd.s32 s19, s18  }
0x9c: {  	s6 =	simm.s32 $0x0;
	s20 =	sshll.u32 s4, $0x1;
	s4 =	sadd.s32 s21, s2  }
0x9d: {  	[timem:s6], [sflag:s22] =	dma.local [hbm:s4], s20  }
0x9e: {  	_ =	swait.ge [sflag:s22], s20  }
0x9f: {  	s3 =	ssub.s32 $0x0, s20;
	[sflag:s22] =	ssyncset.done $0x0  }
0xa0: {  	[sflag:s22] =	ssyncadd.s32 s3;
	_ =	sdelay $0x1  }
0xa1: {  	s23 =	simm.s32 $0x1B8B  }
0xa2: {  	_ =	swait.ge [sflag:s23], $0x1  }
0xa3: {  	[sflag:s23] =	ssyncset.done $0x0  }
0xa4: {  	s25 =	simm.s32 $0x1B8E;
	s24 =	sld [smem:$0x3FFE];
	[sflag:s23] =	ssyncadd.s32 $0xFFFFFFFF  }
0xa5: {  	s26 =	simm.s32 $execute0_lowered;
	[smem:$0x3FD2] =	sst s25  }
0xa6: {  	s4 =	sshll.u32 s26, $0x1;
	_ =	strace $0x80000049;
	[dreg:$0x1] =	wrdreg $0xFFFFFFFF  }
0xa7: {  	s28 =	simm.s32 $_size_execute0_lowered;
	s2 =	sadd.s32 s2, s4;
	[dreg:$0x0] =	wrdreg $0x0  }
0xa8: {  	s4 =	sshll.u32 s28, $0x1;
	[dreg:$0x2] =	wrdreg s2  }
0xa9: {  	[dreg:$0x3] =	wrdreg s4  }
0xaa: {  	[dreg:$0x4] =	wrdreg $0xC0  }
0xab: {  	_ =	task [dreg:s6], $0x5FFFF  }
0xac: {  	[dreg:$0x1] =	wrdreg $0xFFFFFFFF  }
0xad: {  	[dreg:$0x0] =	wrdreg $0x60  }
0xae: {  	[dreg:$0x2] =	wrdreg s24  }
0xaf: {  	[dreg:$0x3] =	wrdreg $0x11D000  }
0xb0: {  	[dreg:$0x4] =	wrdreg $0x9  }
0xb1: {  	_ =	task.clear_ibuf [dreg:s6], $0x5FFFF;
	_ =	strace $0x90000049  }
0xb2: {  	s29 =	simm.s32 $0x9;
	_ =	strace $0x8000004B  }
0xb3: {  	_ =	swait.ge [sflag:s29], $0x1  }
0xb4: {  	[sflag:s29] =	ssyncadd.s32 $0xFFFFFFFF  }
0xb5: {  	_ =	strace $0x9000004B  }
0xb6: {  	_ =	sfence  }
0xb7: {  	s30 =	sld [smem:$0x0];
	_ =	sdelay $0x2  }
0xb8: {  	s31 =	sshll.u32 s1, $0xD;
	s1 =	sshrl.u32 s1, $0x2  }
0xb9: {  	s3 =	sand.u32 $0x4000, s31;
	s1 =	sadd.s32 s1, s30  }
0xba: {  	s0 =	sor.u32 s3, s0;
	s1 =	sshll.u32 s1, $0x11  }
0xbb: {  	s0 =	sor.u32 s1, s0  }
0xbc: {  	s0 =	sadd.s32 $0x8F2B, s0  }
0xbd: {  	[sflag:s0] =	ssyncadd.remote.s32 $0x1  }
0xbe: {  	_ =	sfence.sel $0xFFFF  }
0xbf: {  	[dreg:$0x0] =	wrdreg $0xFFFFFFFF;
	(pc) =	sbr.abs _section_cstart, $3  }
0xc0: {  	[dreg:$0x1] =	wrdreg $0xFFFFFFFF  }
0xc1: {  	_ =	task.clear_ibuf [dreg:s6], $0x2FFFF;
	_ =	strace $0x9FFFFFFF  }
0xc2: {  	(tm) =	ssettm $0x7FFFFFFF  }
0xc3: {  	_ =	shalt  }
tec
execute0_lowered:
.L_overlay_start_1:
0x0: {  	(tag) =	ssettag $0x1  }
0x1: {  	s0 =	rddreg [dreg:$0x0]  }
0x2: {  	s1 =	rddreg [dreg:$0x1];
	s3 =	srdreg.scid  }
0x3: {  	s2 =	simm.s32 $0x0;
	s17 =	stileid.u32;
	s28 =	simm.s32 $0x9D00  }
0x4: {  	s29 =	simm.s32 $0xBD00;
	s31 =	simm.s32 $0xDD00;
	s7 =	smul.u32 $0x28000, s17  }
0x5: {  	s30 =	simm.s32 $0x3;
	s3 =	sand.u32 $0x1, s3;
	s9 =	smul.u32 $0x280, s17  }
0x6: {  	[smem:$0x7FF] =	sst s2;
	s6 =	sadd.s32 $0x2A00, s0;
	s14 =	smul.u32 $0x4E00, s17  }
0x7: {  	s23 =	sshll.u32 s17, $0x6;
	s18 =	sshll.u32 s17, $0x4;
	s19 =	smul.u32 $0x14000, s17  }
0x8: {  	p0 =	sgt.u32 s17, $0x3;
	s4 =	smul.u32 $0x13880, s3;
	_ =	strace $0x8000004A  }
0x9: {  	s8 =	ssub.s32 $0x2, s3;
	[dreg:$0x4] =	wrdreg s23;
	s3 =	sshll.u32 s3, $0x6  }
0xa: {  	s10 =	sshrl.u32 s8, $0x1;
	s7 =	sshrl.u32 s7, $0x2;
	s22 =	sadd.s32 $0x80, s9  }
0xb: {  	s12 =	sadd.s32 $0x100, s9;
	s13 =	sadd.s32 $0x180, s9;
	s9 =	sadd.s32 $0x200, s9  }
0xc: {  	s20 =	sor.u32 s3, s19;
	s5 =	sadd.s32 s4, s0;
	s4 =	sadd.s32 $0x3D800, s0  }
0xd: {  	s0 =	sadd.s32 $0x3DC00, s0;
	s8 =	ssub.s32 s8, s10;
	s7 =	sadd.s32 s7, s1  }
0xe: {  	s11 =	sshll.u32 s22, $0x6;
	s24 =	sshll.u32 s12, $0x6;
	s25 =	sshll.u32 s13, $0x6  }
0xf: {  	s15 =	sshll.u32 s9, $0x6;
	s10 =	sshll.u32 s22, $0x7;
	s21 =	sshrl.u32 s20, $0x3  }
0x10: {  	s9 =	sshll.u32 s9, $0x7;
	[dreg:$0x3] =	wrdreg s7;
	s7 =	sor.u32 $0x1C01, s23  }
0x11: {  	s11 =	sadd.s32 s11, s1;
	s26 =	sadd.s32 s15, s1;
	s15 =	sshrl.u32 s14, $0x3  }
0x12: {  	s10 =	sor.u32 s3, s10;
	s22 =	sadd.s32 s0, s21;
	[dreg:$0x5] =	wrdreg s11  }
0x13: {  	s11 =	sadd.s32 s24, s1;
	[dreg:$0x8] =	wrdreg s26;
	s16 =	sadd.s32 s6, s15  }
0x14: {  	s6 =	sadd.s32 s18, s6;
	[dreg:$0xd] =	wrdreg s22;
	s23 =	sshrl.u32 s10, $0x3  }
0x15: {  	s24 =	sshll.u32 s12, $0x7;
	s22 =	smax.u32 s8, $0x1;
	[dreg:$0x6] =	wrdreg s11  }
0x16: {  	s8 =	simm.s32 $0x4;
	s11 =	sadd.s32 s25, s1;
	[dreg:$0x9] =	wrdreg s16  }
0x17: {  	s10 =	simm.s32 $0x10;
	s15 =	sadd.s32 $0x9C40, s16;
	[dreg:$0x7] =	wrdreg s11  }
0x18: {  	s16 =	sadd.s32 $0x16400, s5;
	s5 =	sadd.s32 s0, s23;
	[dreg:$0xa] =	wrdreg s15  }
0x19: {  	s25 =	sshll.u32 s13, $0x7;
	s11 =	sadd.s32 $0x9C00, s6;
	[dreg:$0xe] =	wrdreg s5  }
0x1a: {  	s23 =	simm.s32 $0x4E80;
	s6 =	sadd.s32 $0x13840, s6;
	[dreg:$0xb] =	wrdreg s11  }
0x1b: {  	s5 =	sor.u32 s3, s24;
	s24 =	simm.s32 $0x1;
	[dreg:$0xc] =	wrdreg s6  }
0x1c: {  	s6 =	sor.u32 s3, s25;
	s5 =	sshrl.u32 s5, $0x3;
	s3 =	sor.u32 s3, s9  }
0x1d: {  	s25 =	simm.s32 $0x2;
	s9 =	simm.s32 $0x7;
	s11 =	simm.s32 $0x0  }
0x1e: {  	s6 =	sshrl.u32 s6, $0x3;
	s5 =	sadd.s32 s0, s5;
	s3 =	sshrl.u32 s3, $0x3  }
0x1f: {  	[dreg:$0xf] =	wrdreg s5;
	s26 =	sadd.s32 s0, s6;
	s21 =	sadd.s32 s0, s3  }
0x20: {  	s3 =	simm.s32 $0xFD00;
	s0 =	simm.s32 $0x5;
	s5 =	simm.s32 $0x6  }
0x21: {  	s6 =	simm.s32 $0x8;
	[dreg:$0x10] =	wrdreg s26;
	s26 =	simm.s32 $0x80  }
.LBB2_1:
0x22: {  	s12 =	rddreg [dreg:$0x3]  }
0x23: {  	s13 =	sshrl.u32 s12, $0x3  }
0x24: {  	[spmem:s13], [sflag:s7] =	dma.local [hbm:s4], $0x400  }
0x25: {  	s17 =	rddreg [dreg:$0x5]  }
0x26: {  	s14 =	sshrl.u32 s17, $0x3  }
0x27: {  	[spmem:s14], [sflag:s7] =	dma.local [hbm:s4], $0x400  }
0x28: {  	s18 =	rddreg [dreg:$0x6]  }
0x29: {  	s15 =	sshrl.u32 s18, $0x3  }
0x2a: {  	[spmem:s15], [sflag:s7] =	dma.local [hbm:s4], $0x400  }
0x2b: {  	s19 =	rddreg [dreg:$0x7]  }
0x2c: {  	s12 =	sshrl.u32 s19, $0x3  }
0x2d: {  	[spmem:s12], [sflag:s7] =	dma.local [hbm:s4], $0x400  }
0x2e: {  	s17 =	rddreg [dreg:$0x8]  }
0x2f: {  	s17 =	sshrl.u32 s17, $0x3  }
0x30: {  	[spmem:s17], [sflag:s7] =	dma.local [hbm:s4], $0x400  }
0x31: {  	s18 =	rddreg [dreg:$0x9]  }
0x32: {  	[tilespmem:s2], [sflag:$0x2] =	stream.linear.gather [hbm4b:s18+s2], $0x4E00, $0x38;
	[tilespmem:$0x1BD00] =	vst v63  }
0x33: {  	s20 =	rddreg [dreg:$0xa]  }
0x34: {  	[tilespmem:s23], [sflag:$0x2] =	stream.linear.gather [hbm4b:s20+s2], $0x4E00, $0x38;
	[tilespmem:$0x1BD00] =	vst v63  }
0x35: {  	s19 =	simm.s32 @!p0 $0x4E00;
	s18 =	simm.s32 @!p0 $0x0;
	s20 =	rddreg [dreg:$0xb]  }
0x36: {  	[tilespmem:s19], [sflag:$0x2] =	stream.linear.gather @!p0 [hbm4b:s20+s18], $0x80, $0x38;
	[tilespmem:$0x1BD00] =	vst v63  }
0x37: {  	s19 =	simm.s32 @!p0 $0x9C80;
	s20 =	rddreg [dreg:$0xc]  }
0x38: {  	[tilespmem:s19], [sflag:$0x2] =	stream.linear.gather @!p0 [hbm4b:s20+s18], $0x80, $0x38;
	[tilespmem:$0x1BD00] =	vst v63  }
0x39: {  	_ =	swait.ge [sflag:s24], $0x400  }
0x3a: {  	[sflag:s24] =	ssyncset.done $0x0  }
0x3b: {  	[sflag:s24] =	ssyncadd.s32 $0xFFFFFC00  }
0x3c: {  	_ =	swait.ge [sflag:s24], $0x400  }
0x3d: {  	[sflag:s24] =	ssyncset.done $0x0  }
0x3e: {  	[sflag:s24] =	ssyncadd.s32 $0xFFFFFC00  }
0x3f: {  	_ =	swait.ge [sflag:s24], $0x400  }
0x40: {  	[sflag:s24] =	ssyncset.done $0x0  }
0x41: {  	[sflag:s24] =	ssyncadd.s32 $0xFFFFFC00  }
0x42: {  	_ =	swait.ge [sflag:s24], $0x400  }
0x43: {  	[sflag:s24] =	ssyncset.done $0x0  }
0x44: {  	[sflag:s24] =	ssyncadd.s32 $0xFFFFFC00  }
0x45: {  	_ =	swait.ge [sflag:s24], $0x400  }
0x46: {  	[sflag:s24] =	ssyncset.done $0x0  }
0x47: {  	[sflag:s24] =	ssyncadd.s32 $0xFFFFFC00  }
0x48: {  	_ =	swait.ge [sflag:s25], $0x4E00  }
0x49: {  	[sflag:s25] =	ssyncset.done $0x0  }
0x4a: {  	[sflag:s25] =	ssyncadd.s32 $0xFFFFB200  }
0x4b: {  	_ =	swait.ge [sflag:s25], $0x4E00  }
0x4c: {  	[sflag:s25] =	ssyncset.done $0x0  }
0x4d: {  	s18 =	simm.s32 @!p0 $0x2;
	[sflag:s25] =	ssyncadd.s32 $0xFFFFB200  }
0x4e: {  	_ =	swait.ge @!p0 [sflag:s18], $0x80  }
0x4f: {  	[sflag:s18] =	ssyncset.done @!p0 $0x0  }
0x50: {  	[sflag:s18] =	ssyncadd.s32 @!p0 $0xFFFFFF80  }
0x51: {  	_ =	swait.ge @!p0 [sflag:s18], $0x80  }
0x52: {  	[sflag:s18] =	ssyncset.done @!p0 $0x0  }
0x53: {  	[sflag:s18] =	ssyncadd.s32 @!p0 $0xFFFFFF80  }
0x54: {  	[bflag:$0x0] =	sbarrier.arrive $0xFFFF  }
0x55: {  	[tilespmem:s28], [sflag:$0x1] =	stream.indirect.gather [hbm4b:s16+s26], $0x40, s2, s26, $0xb8;
	[tilespmem:$0x1BD00] =	vst v63  }
0x56: {  	_ = 	snop  }
0x57: {  	[tilespmem:s29], [sflag:$0x2] =	stream.indirect.gather [hbm4b:s16+s26], $0x40, s26, s26, $0xb8;
	[tilespmem:$0x1BD00] =	vst v63  }
0x58: {  	s19 =	simm.s32 $0x100  }
0x59: {  	[tilespmem:s31], [sflag:$0x3] =	stream.indirect.gather [hbm4b:s16+s26], $0x40, s19, s26, $0xb8;
	[tilespmem:$0x1BD00] =	vst v63  }
0x5a: {  	_ =	swait.ge [sflag:s24], $0x2000  }
0x5b: {  	[sflag:s24] =	ssyncset.done $0x0  }
0x5c: {  	[sflag:s24] =	ssyncadd.s32 $0xFFFFE000  }
0x5d: {  	[spmem:s1] =	stream.indirect.scatter.add.f32 [tilespmem:s28], [sflag:$0x5], $0x40, s23, s26, $0xb8;
	[tilespmem:$0x1BD00] =	vst v63  }
0x5e: {  	s20 =	simm.s32 $0x180  }
0x5f: {  	[tilespmem:s3], [sflag:$0x4] =	stream.indirect.gather [hbm4b:s16+s26], $0x40, s20, s26, $0xb8;
	[tilespmem:$0x1BD00] =	vst v63  }
0x60: {  	_ =	swait.ge [sflag:s25], $0x2000  }
0x61: {  	[sflag:s25] =	ssyncset.done $0x0  }
0x62: {  	s19 =	simm.s32 $0x4F00;
	[sflag:s25] =	ssyncadd.s32 $0xFFFFE000  }
0x63: {  	[spmem:s1] =	stream.indirect.scatter.add.f32 [tilespmem:s29], [sflag:$0x6], $0x40, s19, s26, $0xb8;
	[tilespmem:$0x1BD00] =	vst v63  }
0x64: {  	_ =	swait.ge [sflag:s0], $0x2000  }
0x65: {  	[sflag:s0] =	ssyncset.done $0x0  }
0x66: {  	s20 =	simm.s32 $0x200;
	[sflag:s0] =	ssyncadd.s32 $0xFFFFE000  }
0x67: {  	[tilespmem:s28], [sflag:$0x1] =	stream.indirect.gather [hbm4b:s16+s26], $0x40, s20, s26, $0xb8;
	[tilespmem:$0x1BD00] =	vst v63  }
0x68: {  	_ =	swait.ge [sflag:s30], $0x2000  }
0x69: {  	[sflag:s30] =	ssyncset.done $0x0  }
0x6a: {  	s19 =	simm.s32 $0x4F80;
	[sflag:s30] =	ssyncadd.s32 $0xFFFFE000  }
0x6b: {  	[spmem:s1] =	stream.indirect.scatter.add.f32 [tilespmem:s31], [sflag:$0x7], $0x40, s19, s26, $0xb8;
	[tilespmem:$0x1BD00] =	vst v63  }
0x6c: {  	_ =	swait.ge [sflag:s5], $0x2000  }
0x6d: {  	[sflag:s5] =	ssyncset.done $0x0  }
0x6e: {  	s20 =	simm.s32 $0x280;
	[sflag:s5] =	ssyncadd.s32 $0xFFFFE000  }
0x6f: {  	[tilespmem:s29], [sflag:$0x2] =	stream.indirect.gather [hbm4b:s16+s26], $0x40, s20, s26, $0xb8;
	[tilespmem:$0x1BD00] =	vst v63  }
0x70: {  	_ =	swait.ge [sflag:s8], $0x2000  }
0x71: {  	[sflag:s8] =	ssyncset.done $0x0  }
0x72: {  	s19 =	simm.s32 $0x5000;
	[sflag:s8] =	ssyncadd.s32 $0xFFFFE000  }
0x73: {  	[spmem:s1] =	stream.indirect.scatter.add.f32 [tilespmem:s3], [sflag:$0x8], $0x40, s19, s26, $0xb8;
	[tilespmem:$0x1BD00] =	vst v63  }
0x74: {  	_ =	swait.ge [sflag:s9], $0x2000  }
0x75: {  	[sflag:s9] =	ssyncset.done $0x0  }
0x76: {  	s20 =	simm.s32 $0x300;
	[sflag:s9] =	ssyncadd.s32 $0xFFFFE000  }
0x77: {  	[tilespmem:s31], [sflag:$0x3] =	stream.indirect.gather [hbm4b:s16+s26], $0x40, s20, s26, $0xb8;
	[tilespmem:$0x1BD00] =	vst v63  }
0x78: {  	_ =	swait.ge [sflag:s24], $0x2000  }
0x79: {  	[sflag:s24] =	ssyncset.done $0x0  }
0x7a: {  	s19 =	simm.s32 $0x5080;
	[sflag:s24] =	ssyncadd.s32 $0xFFFFE000  }
0x7b: {  	[spmem:s1] =	stream.indirect.scatter.add.f32 [tilespmem:s28], [sflag:$0x5], $0x40, s19, s26, $0xb8;
	[tilespmem:$0x1BD00] =	vst v63  }
0x7c: {  	_ =	swait.ge [sflag:s6], $0x2000  }
0x7d: {  	[sflag:s6] =	ssyncset.done $0x0  }
0x7e: {  	s20 =	simm.s32 $0x380;
	[sflag:s6] =	ssyncadd.s32 $0xFFFFE000  }
0x7f: {  	[tilespmem:s3], [sflag:$0x4] =	stream.indirect.gather [hbm4b:s16+s26], $0x40, s20, s26, $0xb8;
	[tilespmem:$0x1BD00] =	vst v63  }
0x80: {  	_ =	swait.ge [sflag:s25], $0x2000  }
0x81: {  	[sflag:s25] =	ssyncset.done $0x0  }
0x82: {  	s18 =	simm.s32 $0x800;
	s19 =	simm.s32 $0x5100;
	[sflag:s25] =	ssyncadd.s32 $0xFFFFE000  }
.LBB2_2:
0x83: {  	[spmem:s1] =	stream.indirect.scatter.add.f32 [tilespmem:s29], [sflag:$0x6], $0x40, s19, s26, $0xb8;
	[tilespmem:$0x1BD00] =	vst v63  }
0x84: {  	s19 =	smov.u32 s18  }
0x85: {  	p1 =	sne.s32 s18, $0x12800;
	s18 =	sadd.s32 $0x800, s18;
	_ =	swait.ge [sflag:s0], $0x2000  }
0x86: {  	s19 =	sshra.s32 s19, $0x2;
	[sflag:s0] =	ssyncset.done $0x0  }
0x87: {  	s20 =	sadd.s32 $0x200, s19;
	[sflag:s0] =	ssyncadd.s32 $0xFFFFE000  }
0x88: {  	[tilespmem:s28], [sflag:$0x1] =	stream.indirect.gather [hbm4b:s16+s26], $0x40, s20, s26, $0xb8;
	[tilespmem:$0x1BD00] =	vst v63  }
0x89: {  	_ =	swait.ge [sflag:s30], $0x2000  }
0x8a: {  	[sflag:s30] =	ssyncset.done $0x0  }
0x8b: {  	s20 =	sadd.s32 $0x4F80, s19;
	[sflag:s30] =	ssyncadd.s32 $0xFFFFE000  }
0x8c: {  	[spmem:s1] =	stream.indirect.scatter.add.f32 [tilespmem:s31], [sflag:$0x7], $0x40, s20, s26, $0xb8;
	[tilespmem:$0x1BD00] =	vst v63  }
0x8d: {  	_ =	swait.ge [sflag:s5], $0x2000  }
0x8e: {  	[sflag:s5] =	ssyncset.done $0x0  }
0x8f: {  	s20 =	sadd.s32 $0x280, s19;
	[sflag:s5] =	ssyncadd.s32 $0xFFFFE000  }
0x90: {  	[tilespmem:s29], [sflag:$0x2] =	stream.indirect.gather [hbm4b:s16+s26], $0x40, s20, s26, $0xb8;
	[tilespmem:$0x1BD00] =	vst v63  }
0x91: {  	_ =	swait.ge [sflag:s8], $0x2000  }
0x92: {  	[sflag:s8] =	ssyncset.done $0x0  }
0x93: {  	s20 =	sadd.s32 $0x5000, s19;
	[sflag:s8] =	ssyncadd.s32 $0xFFFFE000  }
0x94: {  	[spmem:s1] =	stream.indirect.scatter.add.f32 [tilespmem:s3], [sflag:$0x8], $0x40, s20, s26, $0xb8;
	[tilespmem:$0x1BD00] =	vst v63  }
0x95: {  	_ =	swait.ge [sflag:s9], $0x2000  }
0x96: {  	[sflag:s9] =	ssyncset.done $0x0  }
0x97: {  	s20 =	sadd.s32 $0x300, s19;
	[sflag:s9] =	ssyncadd.s32 $0xFFFFE000  }
0x98: {  	[tilespmem:s31], [sflag:$0x3] =	stream.indirect.gather [hbm4b:s16+s26], $0x40, s20, s26, $0xb8;
	[tilespmem:$0x1BD00] =	vst v63  }
0x99: {  	_ =	swait.ge [sflag:s24], $0x2000  }
0x9a: {  	[sflag:s24] =	ssyncset.done $0x0  }
0x9b: {  	s20 =	sadd.s32 $0x5080, s19;
	[sflag:s24] =	ssyncadd.s32 $0xFFFFE000  }
0x9c: {  	[spmem:s1] =	stream.indirect.scatter.add.f32 [tilespmem:s28], [sflag:$0x5], $0x40, s20, s26, $0xb8;
	[tilespmem:$0x1BD00] =	vst v63  }
0x9d: {  	_ =	swait.ge [sflag:s6], $0x2000  }
0x9e: {  	[sflag:s6] =	ssyncset.done $0x0  }
.Ltmp0:
0x9f: {  	s20 =	sadd.s32 $0x380, s19;
	[sflag:s6] =	ssyncadd.s32 $0xFFFFE000;
	(pc) =	sbr.rel @p1 .LBB2_2-.Ltmp0, $4  }
0xa0: {  	[tilespmem:s3], [sflag:$0x4] =	stream.indirect.gather [hbm4b:s16+s26], $0x40, s20, s26, $0xb8;
	[tilespmem:$0x1BD00] =	vst v63  }
0xa1: {  	_ =	swait.ge [sflag:s25], $0x2000  }
0xa2: {  	[sflag:s25] =	ssyncset.done $0x0  }
0xa3: {  	s19 =	sadd.s32 $0x5100, s19;
	[sflag:s25] =	ssyncadd.s32 $0xFFFFE000  }
0xa4: {  	[spmem:s1] =	stream.indirect.scatter.add.f32 [tilespmem:s29], [sflag:$0x6], $0x40, s19, s26, $0xb8;
	[tilespmem:$0x1BD00] =	vst v63  }
0xa5: {  	_ =	swait.ge [sflag:s30], $0x2000  }
0xa6: {  	[sflag:s30] =	ssyncset.done $0x0  }
0xa7: {  	s18 =	simm.s32 $0x9B80;
	[sflag:s30] =	ssyncadd.s32 $0xFFFFE000  }
0xa8: {  	[spmem:s1] =	stream.indirect.scatter.add.f32 [tilespmem:s31], [sflag:$0x7], $0x40, s18, s26, $0xb8;
	[tilespmem:$0x1BD00] =	vst v63  }
0xa9: {  	_ =	swait.ge [sflag:s8], $0x2000  }
0xaa: {  	[sflag:s8] =	ssyncset.done $0x0  }
0xab: {  	s20 =	simm.s32 $0x9C00;
	[sflag:s8] =	ssyncadd.s32 $0xFFFFE000  }
0xac: {  	[spmem:s1] =	stream.indirect.scatter.add.f32 [tilespmem:s3], [sflag:$0x8], $0x40, s20, s26, $0xb8;
	[tilespmem:$0x1BD00] =	vst v63  }
0xad: {  	_ =	swait.ge [sflag:s0], $0x2000  }
0xae: {  	[sflag:s0] =	ssyncset.done $0x0  }
0xaf: {  	[sflag:s0] =	ssyncadd.s32 $0xFFFFE000  }
0xb0: {  	_ =	swait.ge [sflag:s5], $0x2000  }
0xb1: {  	[sflag:s5] =	ssyncset.done $0x0  }
0xb2: {  	[sflag:s5] =	ssyncadd.s32 $0xFFFFE000  }
0xb3: {  	_ =	swait.ge [sflag:s9], $0x2000  }
0xb4: {  	[sflag:s9] =	ssyncset.done $0x0  }
0xb5: {  	[sflag:s9] =	ssyncadd.s32 $0xFFFFE000  }
0xb6: {  	_ =	swait.ge [sflag:s6], $0x2000  }
0xb7: {  	s19 =	simm.s32 @!p0 $0x4E00;
	[sflag:s6] =	ssyncset.done $0x0  }
0xb8: {  	s18 =	simm.s32 @!p0 $0x80;
	s20 =	simm.s32 @!p0 $0x9D00;
	[sflag:s6] =	ssyncadd.s32 $0xFFFFE000  }
0xb9: {  	[tilespmem:s20], [sflag:$0x1] =	stream.indirect.gather @!p0 [hbm4b:s16+s18], $0x40, s19, s18, $0xb8;
	[tilespmem:$0x1BD00] =	vst v63  }
0xba: {  	s19 =	simm.s32 @!p0 $0x1  }
0xbb: {  	_ =	swait.ge @!p0 [sflag:s19], $0x2000  }
0xbc: {  	[sflag:s19] =	ssyncset.done @!p0 $0x0  }
0xbd: {  	[sflag:s19] =	ssyncadd.s32 @!p0 $0xFFFFE000;
	s19 =	simm.s32 @!p0 $0x9C80  }
0xbe: {  	[spmem:s1] =	stream.indirect.scatter.add.f32 @!p0 [tilespmem:s20], [sflag:$0x5], $0x40, s19, s18, $0xb8;
	[tilespmem:$0x1BD00] =	vst v63  }
0xbf: {  	s18 =	simm.s32 @!p0 $0x5  }
0xc0: {  	_ =	swait.ge @!p0 [sflag:s18], $0x2000  }
0xc1: {  	[sflag:s18] =	ssyncset.done @!p0 $0x0  }
0xc2: {  	[sflag:s18] =	ssyncadd.s32 @!p0 $0xFFFFE000  }
0xc3: {  	[bflag:$0x0] =	sbarrier.arrive $0xFFFF  }
0xc4: {  	s19 =	rddreg [dreg:$0x4]  }
0xc5: {  	s20 =	rddreg [dreg:$0xd];
	s18 =	sor.u32 $0x1C05, s19  }
0xc6: {  	[hbm:s20@s10], [sflag:s18] =	dma.strided [spmem:s13@s6], $0x400, s24, $0x8   }
0xc7: {  	s13 =	rddreg [dreg:$0xe]  }
0xc8: {  	[hbm:s13@s10], [sflag:s18] =	dma.strided [spmem:s14@s6], $0x400, s24, $0x8   }
0xc9: {  	s13 =	rddreg [dreg:$0xf]  }
0xca: {  	[hbm:s13@s10], [sflag:s18] =	dma.strided [spmem:s15@s6], $0x400, s24, $0x8   }
0xcb: {  	s13 =	rddreg [dreg:$0x10]  }
0xcc: {  	[hbm:s13@s10], [sflag:s18] =	dma.strided [spmem:s12@s6], $0x400, s24, $0x8   }
0xcd: {  	[hbm:s21@s10], [sflag:s18] =	dma.strided [spmem:s17@s6], $0x400, s24, $0x8   }
0xce: {  	_ =	swait.ge [sflag:s0], $0x400  }
0xcf: {  	[sflag:s0] =	ssyncset.done $0x0  }
0xd0: {  	[sflag:s0] =	ssyncadd.s32 $0xFFFFFC00  }
0xd1: {  	_ =	swait.ge [sflag:s0], $0x400  }
0xd2: {  	[sflag:s0] =	ssyncset.done $0x0  }
0xd3: {  	[sflag:s0] =	ssyncadd.s32 $0xFFFFFC00  }
0xd4: {  	_ =	swait.ge [sflag:s0], $0x400  }
0xd5: {  	[sflag:s0] =	ssyncset.done $0x0  }
0xd6: {  	s11 =	sadd.s32 $0x1, s11;
	[sflag:s0] =	ssyncadd.s32 $0xFFFFFC00  }
0xd7: {  	p1 =	sne.s32 s11, s22;
	_ =	swait.ge [sflag:s0], $0x400  }
.Ltmp1:
0xd8: {  	[sflag:s0] =	ssyncset.done $0x0;
	(pc) =	sbr.rel @p1 .LBB2_1-.Ltmp1, $4  }
0xd9: {  	[sflag:s0] =	ssyncadd.s32 $0xFFFFFC00  }
0xda: {  	_ =	swait.ge [sflag:s0], $0x400  }
0xdb: {  	[sflag:s0] =	ssyncset.done $0x0  }
0xdc: {  	[sflag:s0] =	ssyncadd.s32 $0xFFFFFC00  }
0xdd: {  	_ =	sfence.sel $0x180000  }
0xde: {  	[bflag:$0x0] =	sbarrier.arrive $0xFFFF  }
0xdf: {  	_ =	strace $0x9000004A  }
0xe0: {  	s0 =	stileid.u32;
	[bflag:$0x2] =	sbarrier.arrive $0xFFFF  }
0xe1: {  	p0 =	sne.s32 s0, $0x0;
	s0 =	rddreg [dreg:$0x2]  }
0xe2: {  	s0 =	sadd.s32 @!p0 $0x100000, s0  }
0xe3: {  	[sflag:s0] =	ssyncadd.tile.s32 @!p0 $0x1;
	_ =	shalt  }
.Lfunc_end2:
_tile_overlayer_lowered:
.L_overlay_start_2:
0xe4: {  	(tag) =	ssettag $0x2  }
0xe5: {  	s0 =	rddreg [dreg:$0x0];
	s2 =	stileid.u32  }
0xe6: {  	s1 =	rddreg [dreg:$0x1];
	p0 =	sne.s32 s2, $0x0  }
0xe7: {  	s3 =	rddreg [dreg:$0x2];
	[bflag:$0x3] =	sbarrier.arrive $0xFFFF;
	s2 =	simm.s32 @!p0 $0x1C09  }
0xe8: {  	[timem:s3], [sflag:s2] =	dma.local @!p0 [hbm:s0], s1  }
0xe9: {  	s0 =	simm.s32 @!p0 $0x9  }
0xea: {  	_ =	swait.ge @!p0 [sflag:s0], s1  }
0xeb: {  	s1 =	ssub.s32 @!p0 $0x0, s1;
	[sflag:s0] =	ssyncset.done @!p0 $0x0  }
0xec: {  	[sflag:s0] =	ssyncadd.s32 @!p0 s1  }
0xed: {  	[bflag:$0x3] =	sbarrier.arrive $0xFFFF  }
0xee: {  	_ =	shalt  }

// kernel: kernel.7.cloned.1.call-start
scs
__scs_entry_jumppad:
0x0: {  	(pc) =	sbr.rel $0x88, $3  }
0x1: {  	(tag) =	ssettag $0x0;
	lr =	simm.s32 $0x1  }
0x2: {  	[smem:$0x3F99] =	sst lr;
	_ =	strace $0xD0000000  }
0x3: {  	_ = 	snop  }
0x4: {  	_ = 	snop  }
0x5: {  	_ = 	snop  }
0x6: {  	_ = 	snop  }
0x7: {  	_ = 	snop  }
__scs_overlays_trampoline_lowered:
0x8: {  	[smem:$0x3FA8] =	sst s0  }
0x9: {  	[smem:$0x3FA9] =	sst s1  }
0xa: {  	[smem:$0x3FAA] =	sst s2  }
0xb: {  	[smem:$0x3FAB] =	sst s3  }
0xc: {  	[smem:$0x3FAC] =	sst s4  }
0xd: {  	[smem:$0x3FAD] =	sst s5  }
0xe: {  	[smem:$0x3FAE] =	sst s6  }
0xf: {  	[smem:$0x3FAF] =	sst s7  }
0x10: {  	[smem:$0x3FB0] =	sst s8  }
0x11: {  	[smem:$0x3FB1] =	sst s9;
	s0 =	simm.s32 @!p0 $0x0  }
0x12: {  	s1 =	sld [smem:$0x3F97];
	s0 =	simm.s32 @p0 $0x1  }
0x13: {  	[smem:$0x3FB2] =	sst s0;
	s0 =	simm.s32 @!p1 $0x0  }
0x14: {  	s2 =	sld [smem:$0x3F96];
	s0 =	simm.s32 @p1 $0x1  }
0x15: {  	[smem:$0x3FB3] =	sst s0;
	s0 =	simm.s32 @!p2 $0x0  }
0x16: {  	s3 =	sld [smem:$0x3FDB];
	s0 =	simm.s32 @p2 $0x1  }
0x17: {  	s4 =	simm.s32 $0x1BF5;
	[smem:$0x3FB5] =	sst s0  }
0x18: {  	s0 =	sld [smem:$0x3F98];
	_ =	swait.ge [sflag:s4], $0x0  }
0x19: {  	s7 =	sld [smem:$0x3F99]  }
0x1a: {  	s8 =	sadd.s32 $0xFFFFE003, lr  }
0x1b: {  	s9 =	sadd.s32 $0xFFFFFEF7, lr;
	s5 =	simm.s32 $0xFFFFFFFF;
	p2 =	slt.u32 s8, $0xFFFFF086  }
0x1c: {  	p1 =	slt.u32 s9, $0xF7A;
	s5 =	simm.s32 @!p2 $0x0  }
0x1d: {  	s5 =	simm.s32 @p1 $0x1;
	p0 =	seq.s32 s7, s2  }
0x1e: {  	s7 =	smul.u32 @!p0 $0xF7A, s2;
	p2 =	seq.s32 @!p0 s5, $0x0  }
0x1f: {  	s9 =	smul.u32 $0xF7A, s1;
	s8 =	simm.s32 @!p0 $0x1BF5;
	p2 =	por !p2, p0  }
0x20: {  	[sflag:s8] =	ssyncset.s32 @!p0 $0xFFFFF086;
	s6 =	sadd.s32 @!p0 s3, s7;
	s7 =	simm.s32 @!p0 $0x108  }
0x21: {  	s3 =	sadd.s32 s3, s9;
	s6 =	sadd.s32 @!p0 $0x88, s6;
	s7 =	simm.s32 @p2 $0x1082  }
0x22: {  	[simem:s7], [sflag:s8] =	dma.local @!p0 [hbm:s6], $0xF7A  }
0x23: {  	s9 =	sor.u32 $0xD0000000, s2;
	s6 =	simm.s32 $0x108;
	_ =	swait.ge @!p0 [sflag:s8], $0x0  }
0x24: {  	s3 =	sadd.s32 $0x88, s3;
	s6 =	simm.s32 @!p1 $0x1082;
	[sflag:s4] =	ssyncset.s32 $0xFFFFF086  }
0x25: {  	[simem:s6], [sflag:s4] =	dma.local [hbm:s3], $0xF7A  }
0x26: {  	[smem:$0x3F99] =	sst s1;
	(tag) =	ssettag s2;
	_ =	strace s9  }
0x27: {  	s1 =	sld [smem:$0x3FA9]  }
0x28: {  	s2 =	sld [smem:$0x3FAA]  }
0x29: {  	s4 =	sld [smem:$0x3FAC]  }
0x2a: {  	p0 =	seq.s32 s5, $0x0;
	s5 =	sld [smem:$0x3FAD]  }
0x2b: {  	s6 =	sld [smem:$0x3FAE]  }
0x2c: {  	s7 =	sld [smem:$0x3FAF]  }
0x2d: {  	s3 =	simm.s32 $0x108;
	s8 =	sld [smem:$0x3FB0]  }
0x2e: {  	s3 =	simm.s32 @!p0 $0x1082;
	s9 =	sld [smem:$0x3FB1]  }
0x2f: {  	lr =	sadd.s32 s0, s3;
	s0 =	sld [smem:$0x3FA8]  }
0x30: {  	s3 =	sld [smem:$0x3FAB]  }
0x31: {  	[smem:$0x3FB4] =	sst s10  }
0x32: {  	s10 =	sld [smem:$0x3FB2];
	_ =	sdelay $0x3  }
0x33: {  	p0 =	seq.s32 s10, $0x1;
	s10 =	sld [smem:$0x3FB4];
	_ =	sdelay $0x3  }
0x34: {  	[smem:$0x3FB4] =	sst s10  }
0x35: {  	s10 =	sld [smem:$0x3FB3];
	_ =	sdelay $0x3  }
0x36: {  	p1 =	seq.s32 s10, $0x1;
	s10 =	sld [smem:$0x3FB4];
	_ =	sdelay $0x3  }
0x37: {  	[smem:$0x3FB4] =	sst s10  }
0x38: {  	s10 =	sld [smem:$0x3FB5]  }
0x39: {  	_ = 	snop;
	(pc) =	sbr.ind lr, $3  }
0x3a: {  	_ = 	snop  }
0x3b: {  	_ = 	snop  }
0x3c: {  	p2 =	seq.s32 s10, $0x1;
	s10 =	sld [smem:$0x3FB4]  }
0x3d: {  	_ =	shalt  }
0x3e: {  	_ =	shalt  }
0x3f: {  	_ =	shalt  }
0x40: {  	_ =	shalt  }
0x41: {  	_ =	shalt  }
0x42: {  	_ =	shalt  }
0x43: {  	_ =	shalt  }
0x44: {  	_ =	shalt  }
0x45: {  	_ =	shalt  }
0x46: {  	_ =	shalt  }
0x47: {  	_ =	shalt  }
0x48: {  	_ =	shalt  }
0x49: {  	_ =	shalt  }
0x4a: {  	_ =	shalt  }
0x4b: {  	_ =	shalt  }
0x4c: {  	_ =	shalt  }
0x4d: {  	_ =	shalt  }
0x4e: {  	_ =	shalt  }
0x4f: {  	_ =	shalt  }
0x50: {  	_ =	shalt  }
0x51: {  	_ =	shalt  }
0x52: {  	_ =	shalt  }
0x53: {  	_ =	shalt  }
0x54: {  	_ =	shalt  }
0x55: {  	_ =	shalt  }
0x56: {  	_ =	shalt  }
0x57: {  	_ =	shalt  }
0x58: {  	_ =	shalt  }
0x59: {  	_ =	shalt  }
0x5a: {  	_ =	shalt  }
0x5b: {  	_ =	shalt  }
0x5c: {  	_ =	shalt  }
0x5d: {  	_ =	shalt  }
0x5e: {  	_ =	shalt  }
0x5f: {  	_ =	shalt  }
0x60: {  	_ =	shalt  }
0x61: {  	_ =	shalt  }
0x62: {  	_ =	shalt  }
0x63: {  	_ =	shalt  }
0x64: {  	_ =	shalt  }
0x65: {  	_ =	shalt  }
0x66: {  	_ =	shalt  }
0x67: {  	_ =	shalt  }
0x68: {  	_ =	shalt  }
0x69: {  	_ =	shalt  }
0x6a: {  	_ =	shalt  }
0x6b: {  	_ =	shalt  }
0x6c: {  	_ =	shalt  }
0x6d: {  	_ =	shalt  }
0x6e: {  	_ =	shalt  }
0x6f: {  	_ =	shalt  }
0x70: {  	_ =	shalt  }
0x71: {  	_ =	shalt  }
0x72: {  	_ =	shalt  }
0x73: {  	_ =	shalt  }
0x74: {  	_ =	shalt  }
0x75: {  	_ =	shalt  }
0x76: {  	_ =	shalt  }
0x77: {  	_ =	shalt  }
0x78: {  	_ =	shalt  }
0x79: {  	_ =	shalt  }
0x7a: {  	_ =	shalt  }
0x7b: {  	_ =	shalt  }
0x7c: {  	_ =	shalt  }
0x7d: {  	_ =	shalt  }
0x7e: {  	_ =	shalt  }
0x7f: {  	_ =	shalt  }
0x80: {  	_ =	shalt  }
0x81: {  	_ =	shalt  }
0x82: {  	_ =	shalt  }
0x83: {  	_ =	shalt  }
0x84: {  	_ =	shalt  }
0x85: {  	_ =	shalt  }
0x86: {  	_ =	shalt  }
0x87: {  	_ =	shalt  }
.Lfunc_end0:
.L_simem_size_0:
called_computation_lowered:
.L_overlay_start_0:
0x88: {  	s2 =	sld [smem:$0x3FD9]  }
0x89: {  	s3 =	sld [smem:$0x3FFE];
	_ =	sdelay $0x1  }
0x8a: {  	s1 =	srdreg.scid  }
0x8b: {  	s0 =	sand.u32 $0x1, s1  }
0x8c: {  	s17 =	sshll.u32 s0, $0xA;
	s2 =	sadd.s32 s3, s2  }
0x8d: {  	s2 =	sadd.s32 s2, s17  }
0x8e: {  	[smem:$0x3FC0] =	sst s2  }
0x8f: {  	_ = 	snop  }
0x90: {  	s2 =	sld [smem:$0x3FD0];
	(tm) =	ssettm $0x1  }
0x91: {  	s18 =	sld [smem:$0x3FFB];
	_ =	sdelay $0x3  }
0x92: {  	_ =	strace s18  }
0x93: {  	s3 =	sld [smem:$0x3FFC];
	_ =	sdelay $0x3  }
0x94: {  	_ =	strace s3  }
0x95: {  	s3 =	sld [smem:$0x3FFD];
	_ =	sdelay $0x3  }
0x96: {  	_ =	strace s3  }
0x97: {  	_ =	strace $0x8FFFFFFF  }
0x98: {  	s19 =	sld [smem:$0x3FDB];
	_ =	sdelay $0x1  }
0x99: {  	s4 =	simm.s32 $_scs_section_size  }
0x9a: {  	s5 =	simm.s32 $_size__tile_overlayer_lowered;
	s6 =	simm.s32 $_tile_overlayer_lowered  }
0x9b: {  	s22 =	simm.s32 $0x1BFF;
	s21 =	sshll.u32 s6, $0x1;
	s3 =	sadd.s32 s4, s19  }
0x9c: {  	s7 =	simm.s32 $0x0;
	s20 =	sshll.u32 s5, $0x1;
	s5 =	sadd.s32 s21, s3  }
0x9d: {  	[timem:s7], [sflag:s22] =	dma.local [hbm:s5], s20  }
0x9e: {  	_ =	swait.ge [sflag:s22], s20  }
0x9f: {  	s4 =	ssub.s32 $0x0, s20;
	[sflag:s22] =	ssyncset.done $0x0  }
0xa0: {  	[sflag:s22] =	ssyncadd.s32 s4;
	_ =	sdelay $0x1  }
0xa1: {  	s23 =	simm.s32 $0x1B8B  }
0xa2: {  	_ =	swait.ge [sflag:s23], $0x1  }
0xa3: {  	[sflag:s23] =	ssyncset.done $0x0  }
0xa4: {  	s25 =	simm.s32 $0x1B8E;
	s24 =	sld [smem:$0x3FFE];
	[sflag:s23] =	ssyncadd.s32 $0xFFFFFFFF  }
0xa5: {  	s26 =	simm.s32 $execute0_lowered;
	[smem:$0x3FD2] =	sst s25  }
0xa6: {  	s5 =	sshll.u32 s26, $0x1;
	_ =	strace $0x80000046;
	[dreg:$0x1] =	wrdreg $0xFFFFFFFF  }
0xa7: {  	s28 =	simm.s32 $_size_execute0_lowered;
	s3 =	sadd.s32 s3, s5;
	[dreg:$0x0] =	wrdreg $0x0  }
0xa8: {  	s5 =	sshll.u32 s28, $0x1;
	[dreg:$0x2] =	wrdreg s3  }
0xa9: {  	[dreg:$0x3] =	wrdreg s5  }
0xaa: {  	[dreg:$0x4] =	wrdreg $0xC0  }
0xab: {  	_ =	task [dreg:s7], $0x5FFFF  }
0xac: {  	[dreg:$0x1] =	wrdreg $0xFFFFFFFF  }
0xad: {  	[dreg:$0x0] =	wrdreg $0x60  }
0xae: {  	[dreg:$0x2] =	wrdreg s24  }
0xaf: {  	[dreg:$0x3] =	wrdreg s2  }
0xb0: {  	[dreg:$0x4] =	wrdreg $0x125000  }
0xb1: {  	[dreg:$0x5] =	wrdreg $0x1C5000  }
0xb2: {  	[dreg:$0x6] =	wrdreg $0x9  }
0xb3: {  	_ =	task.clear_ibuf [dreg:s7], $0x7FFFF;
	_ =	strace $0x90000046  }
0xb4: {  	s29 =	simm.s32 $0x9;
	_ =	strace $0x80000048  }
0xb5: {  	_ =	swait.ge [sflag:s29], $0x1  }
0xb6: {  	[sflag:s29] =	ssyncadd.s32 $0xFFFFFFFF  }
0xb7: {  	_ =	strace $0x90000048  }
0xb8: {  	_ =	sfence  }
0xb9: {  	s30 =	sld [smem:$0x0];
	_ =	sdelay $0x2  }
0xba: {  	s31 =	sshll.u32 s1, $0xD;
	s1 =	sshrl.u32 s1, $0x2  }
0xbb: {  	s3 =	sand.u32 $0x4000, s31;
	s1 =	sadd.s32 s1, s30  }
0xbc: {  	s0 =	sor.u32 s3, s0;
	s1 =	sshll.u32 s1, $0x11  }
0xbd: {  	s0 =	sor.u32 s1, s0  }
0xbe: {  	s0 =	sadd.s32 $0x8F2B, s0  }
0xbf: {  	[sflag:s0] =	ssyncadd.remote.s32 $0x1  }
0xc0: {  	_ =	sfence.sel $0xFFFF  }
0xc1: {  	[dreg:$0x0] =	wrdreg $0xFFFFFFFF;
	(pc) =	sbr.abs _section_cstart, $3  }
0xc2: {  	[dreg:$0x1] =	wrdreg $0xFFFFFFFF  }
0xc3: {  	_ =	task.clear_ibuf [dreg:s7], $0x2FFFF;
	_ =	strace $0x9FFFFFFF  }
0xc4: {  	(tm) =	ssettm $0x7FFFFFFF  }
0xc5: {  	_ =	shalt  }
tec
execute0_lowered:
.L_overlay_start_1:
0x0: {  	(tag) =	ssettag $0x1  }
0x1: {  	s4 =	rddreg [dreg:$0x0]  }
0x2: {  	s2 =	rddreg [dreg:$0x2];
	s5 =	simm.s32 $0x0;
	s20 =	stileid.u32  }
0x3: {  	[smem:$0x7FF] =	sst s5;
	s5 =	smul.u32 $0x2800, s20  }
0x4: {  	s3 =	rddreg [dreg:$0x3];
	s10 =	smul.u32 $0x280, s20  }
0x5: {  	s0 =	srdreg.scid;
	s31 =	simm.s32 $0x1;
	s12 =	smul.u32 $0x4E00, s20  }
0x6: {  	s29 =	simm.s32 $0x80;
	s0 =	sand.u32 $0x1, s0;
	s15 =	smul.u32 $0x14000, s20  }
0x7: {  	s8 =	sadd.s32 $0x2A00, s4;
	s6 =	sadd.s32 $0x3D800, s4;
	s25 =	smul.u32 $0x28000, s20  }
0x8: {  	s9 =	sadd.s32 $0x3D600, s4;
	s23 =	sshll.u32 s20, $0x4;
	s1 =	smul.u32 $0x13880, s0  }
0x9: {  	p0 =	sgt.u32 s20, $0x3;
	_ =	strace $0x80000047;
	s7 =	smul.u32 $0x28000, s0  }
0xa: {  	[dreg:$0x5] =	wrdreg s9;
	s21 =	ssub.s32 $0x2, s0;
	s24 =	sshll.u32 s0, $0x6  }
0xb: {  	p1 =	sne.s32 s0, $0x0;
	p2 =	seq.s32 s0, $0x0;
	s11 =	sshrl.u32 s21, $0x1  }
0xc: {  	s22 =	sadd.s32 $0x80, s10;
	s13 =	sadd.s32 $0x100, s10;
	s14 =	sadd.s32 $0x180, s10  }
0xd: {  	s10 =	sadd.s32 $0x200, s10;
	s12 =	sshrl.u32 s12, $0x3;
	s15 =	sor.u32 s24, s15  }
0xe: {  	s1 =	sadd.s32 s1, s4;
	s7 =	sadd.s32 s5, s7;
	s9 =	ssub.s32 s21, s11  }
0xf: {  	s21 =	sadd.s32 s8, s12;
	s8 =	sadd.s32 s23, s8;
	s16 =	sshll.u32 s22, $0x7  }
0x10: {  	s17 =	sshll.u32 s13, $0x7;
	s18 =	sshll.u32 s14, $0x7;
	s19 =	sshll.u32 s10, $0x7  }
0x11: {  	s15 =	sshrl.u32 s15, $0x3;
	s11 =	sshll.u32 s22, $0x6;
	s10 =	sshll.u32 s10, $0x6  }
0x12: {  	s23 =	sadd.s32 s5, s3;
	s7 =	sshrl.u32 s7, $0x3;
	s16 =	sor.u32 s24, s16  }
0x13: {  	s17 =	sor.u32 s24, s17;
	s18 =	sor.u32 s24, s18;
	s12 =	sor.u32 s24, s19  }
0x14: {  	s19 =	sshrl.u32 s25, $0x2;
	s22 =	sadd.s32 s10, s2;
	[dreg:$0x12] =	wrdreg s23  }
0x15: {  	s24 =	sadd.s32 $0x9C00, s8;
	s25 =	sadd.s32 $0x13840, s8;
	s23 =	sadd.s32 $0x16400, s1  }
0x16: {  	[dreg:$0x6] =	wrdreg s21;
	s1 =	simm.s32 $0x4;
	s8 =	simm.s32 $0xBD00  }
0x17: {  	s10 =	simm.s32 $0x5;
	s7 =	sadd.s32 s7, s4;
	[dreg:$0x11] =	wrdreg s22  }
0x18: {  	s4 =	sadd.s32 $0x47C00, s4;
	s26 =	sshrl.u32 s16, $0x3;
	[dreg:$0x13] =	wrdreg s24  }
0x19: {  	s28 =	sshrl.u32 s17, $0x3;
	s17 =	sadd.s32 s19, s2;
	[dreg:$0x14] =	wrdreg s25  }
0x1a: {  	s30 =	sshrl.u32 s18, $0x3;
	s18 =	sadd.s32 s11, s2;
	[dreg:$0xc] =	wrdreg s17  }
0x1b: {  	s12 =	sshrl.u32 s12, $0x3;
	s15 =	sadd.s32 s4, s15;
	[dreg:$0xe] =	wrdreg s18  }
0x1c: {  	s19 =	sshll.u32 s13, $0x6;
	s16 =	sadd.s32 s4, s30;
	[dreg:$0x7] =	wrdreg s15  }
0x1d: {  	s11 =	simm.s32 $0x6;
	s30 =	sadd.s32 $0x9C40, s21;
	[dreg:$0xa] =	wrdreg s16  }
0x1e: {  	s13 =	simm.s32 $0x7;
	s15 =	sadd.s32 s4, s26;
	[dreg:$0x17] =	wrdreg s30  }
0x1f: {  	s18 =	simm.s32 $0x0;
	s26 =	sadd.s32 $0x3DC00, s7;
	[dreg:$0x8] =	wrdreg s15  }
0x20: {  	s16 =	sshll.u32 s20, $0x6;
	s7 =	simm.s32 $0x9D00;
	[dreg:$0x15] =	wrdreg s26  }
0x21: {  	s15 =	sadd.s32 s4, s28;
	s4 =	sadd.s32 s4, s12;
	[dreg:$0xd] =	wrdreg s16  }
0x22: {  	s28 =	smax.u32 s9, $0x1;
	s26 =	sor.u32 $0x1C01, s16;
	[dreg:$0x9] =	wrdreg s15  }
0x23: {  	s9 =	simm.s32 $0xDD00;
	s12 =	simm.s32 $0xFD00;
	[dreg:$0xb] =	wrdreg s4  }
0x24: {  	s4 =	sand.u32 $0x1, s20;
	s20 =	sshll.u32 s14, $0x6;
	[dreg:$0x16] =	wrdreg s28  }
0x25: {  	s14 =	simm.s32 $0x8;
	p3 =	sne.s32 @!p0 s0, s4;
	s4 =	sadd.s32 s19, s2  }
0x26: {  	s0 =	simm.s32 $0x2;
	[dreg:$0xf] =	wrdreg s4;
	s4 =	sadd.s32 s20, s2  }
0x27: {  	p3 =	por p3, p0;
	[dreg:$0x10] =	wrdreg s4;
	s4 =	simm.s32 $0x3  }
.LBB2_1:
0x28: {  	s5 =	rddreg [dreg:$0xc]  }
0x29: {  	s5 =	sshrl.u32 s5, $0x3  }
0x2a: {  	[dreg:$0x18] =	wrdreg s5  }
0x2b: {  	[spmem:s5], [sflag:s26] =	dma.local [hbm:s6], $0x400  }
0x2c: {  	s5 =	rddreg [dreg:$0xe]  }
0x2d: {  	s5 =	sshrl.u32 s5, $0x3  }
0x2e: {  	[dreg:$0x19] =	wrdreg s5  }
0x2f: {  	[spmem:s5], [sflag:s26] =	dma.local [hbm:s6], $0x400  }
0x30: {  	s5 =	rddreg [dreg:$0xf]  }
0x31: {  	s5 =	sshrl.u32 s5, $0x3  }
0x32: {  	[dreg:$0x1a] =	wrdreg s5  }
0x33: {  	[spmem:s5], [sflag:s26] =	dma.local [hbm:s6], $0x400  }
0x34: {  	s5 =	rddreg [dreg:$0x10]  }
0x35: {  	s22 =	sshrl.u32 s5, $0x3  }
0x36: {  	[spmem:s22], [sflag:s26] =	dma.local [hbm:s6], $0x400  }
0x37: {  	s15 =	rddreg [dreg:$0x11]  }
0x38: {  	s30 =	sshrl.u32 s15, $0x3  }
0x39: {  	[spmem:s30], [sflag:s26] =	dma.local [hbm:s6], $0x400  }
0x3a: {  	s15 =	rddreg [dreg:$0x12]  }
0x3b: {  	s17 =	sor.u32 $0x1C02, s16;
	s19 =	rddreg [dreg:$0x1];
	s24 =	sshrl.u32 s15, $0x3  }
0x3c: {  	[spmem:s24], [sflag:s17] =	dma.local [hbm:s19], $0x500  }
0x3d: {  	s20 =	simm.s32 $0x0;
	s21 =	simm.s32 $0x11D00;
	s5 =	rddreg [dreg:$0x5]  }
0x3e: {  	[tilespmem:s21], [sflag:$0x3] =	stream.linear.gather [hbm4b:s5+s20], $0x800, $0x38;
	[tilespmem:$0x1ED00] =	vst v63  }
0x3f: {  	s25 =	rddreg [dreg:$0x6]  }
0x40: {  	[tilespmem:s20], [sflag:$0x4] =	stream.linear.gather [hbm4b:s25+s20], $0x4E00, $0x38;
	[tilespmem:$0x1ED00] =	vst v63  }
0x41: {  	s19 =	simm.s32 $0x4E80;
	s15 =	rddreg [dreg:$0x17]  }
0x42: {  	[tilespmem:s19], [sflag:$0x4] =	stream.linear.gather [hbm4b:s15+s20], $0x4E00, $0x38;
	[tilespmem:$0x1ED00] =	vst v63  }
0x43: {  	s17 =	rddreg [dreg:$0x13];
	s5 =	simm.s32 @!p0 $0x0;
	s15 =	simm.s32 @!p0 $0x4E00  }
0x44: {  	[tilespmem:s15], [sflag:$0x4] =	stream.linear.gather @!p0 [hbm4b:s17+s5], $0x80, $0x38;
	[tilespmem:$0x1ED00] =	vst v63  }
0x45: {  	s15 =	simm.s32 @!p0 $0x9C80;
	s17 =	rddreg [dreg:$0x14]  }
0x46: {  	[tilespmem:s15], [sflag:$0x4] =	stream.linear.gather @!p0 [hbm4b:s17+s5], $0x80, $0x38;
	[tilespmem:$0x1ED00] =	vst v63  }
0x47: {  	_ =	swait.ge [sflag:s31], $0x400  }
0x48: {  	[sflag:s31] =	ssyncset.done $0x0  }
0x49: {  	[sflag:s31] =	ssyncadd.s32 $0xFFFFFC00  }
0x4a: {  	_ =	swait.ge [sflag:s31], $0x400  }
0x4b: {  	[sflag:s31] =	ssyncset.done $0x0  }
0x4c: {  	[sflag:s31] =	ssyncadd.s32 $0xFFFFFC00  }
0x4d: {  	_ =	swait.ge [sflag:s31], $0x400  }
0x4e: {  	[sflag:s31] =	ssyncset.done $0x0  }
0x4f: {  	[sflag:s31] =	ssyncadd.s32 $0xFFFFFC00  }
0x50: {  	_ =	swait.ge [sflag:s31], $0x400  }
0x51: {  	[sflag:s31] =	ssyncset.done $0x0  }
0x52: {  	[sflag:s31] =	ssyncadd.s32 $0xFFFFFC00  }
0x53: {  	_ =	swait.ge [sflag:s31], $0x400  }
0x54: {  	[sflag:s31] =	ssyncset.done $0x0  }
0x55: {  	[sflag:s31] =	ssyncadd.s32 $0xFFFFFC00  }
0x56: {  	_ =	swait.ge [sflag:s0], $0x500  }
0x57: {  	[sflag:s0] =	ssyncset.done $0x0  }
0x58: {  	[sflag:s0] =	ssyncadd.s32 $0xFFFFFB00  }
0x59: {  	_ =	swait.ge [sflag:s4], $0x800  }
0x5a: {  	[sflag:s4] =	ssyncset.done $0x0  }
0x5b: {  	[sflag:s4] =	ssyncadd.s32 $0xFFFFF800  }
0x5c: {  	_ =	swait.ge [sflag:s1], $0x4E00  }
0x5d: {  	[sflag:s1] =	ssyncset.done $0x0  }
0x5e: {  	[sflag:s1] =	ssyncadd.s32 $0xFFFFB200  }
0x5f: {  	_ =	swait.ge [sflag:s1], $0x4E00  }
0x60: {  	[sflag:s1] =	ssyncset.done $0x0  }
0x61: {  	s5 =	simm.s32 @!p0 $0x4;
	[sflag:s1] =	ssyncadd.s32 $0xFFFFB200  }
0x62: {  	_ =	swait.ge @!p0 [sflag:s5], $0x80  }
0x63: {  	[sflag:s5] =	ssyncset.done @!p0 $0x0  }
0x64: {  	[sflag:s5] =	ssyncadd.s32 @!p0 $0xFFFFFF80  }
0x65: {  	_ =	swait.ge @!p0 [sflag:s5], $0x80  }
0x66: {  	[sflag:s5] =	ssyncset.done @!p0 $0x0  }
0x67: {  	[sflag:s5] =	ssyncadd.s32 @!p0 $0xFFFFFF80  }
0x68: {  	[bflag:$0x0] =	sbarrier.arrive $0xFFFF  }
0x69: {  	[tilespmem:s7], [sflag:$0x1] =	stream.indirect.gather [hbm4b:s23+s29], $0x40, s20, s29, $0xb8;
	[tilespmem:$0x1ED00] =	vst v63  }
0x6a: {  	_ = 	snop  }
0x6b: {  	[tilespmem:s8], [sflag:$0x2] =	stream.indirect.gather [hbm4b:s23+s29], $0x40, s29, s29, $0xb8;
	[tilespmem:$0x1ED00] =	vst v63  }
0x6c: {  	s16 =	simm.s32 $0x100  }
0x6d: {  	[tilespmem:s9], [sflag:$0x3] =	stream.indirect.gather [hbm4b:s23+s29], $0x40, s16, s29, $0xb8;
	[tilespmem:$0x1ED00] =	vst v63  }
0x6e: {  	_ =	swait.ge [sflag:s31], $0x2000  }
0x6f: {  	[sflag:s31] =	ssyncset.done $0x0  }
0x70: {  	[sflag:s31] =	ssyncadd.s32 $0xFFFFE000  }
0x71: {  	[spmem:s2] =	stream.indirect.scatter.add.f32 [tilespmem:s7], [sflag:$0x5], $0x40, s19, s29, $0xb8;
	[tilespmem:$0x1ED00] =	vst v63  }
0x72: {  	s15 =	simm.s32 @p1 $0x180;
	s5 =	simm.s32 @p1 $0x80;
	s16 =	simm.s32 @p1 $0xFD00  }
0x73: {  	[tilespmem:s16], [sflag:$0x4] =	stream.indirect.gather @p1 [hbm4b:s23+s5], $0x40, s15, s5, $0xb8;
	[tilespmem:$0x1ED00] =	vst v63  }
0x74: {  	s15 =	simm.s32 @p1 $0x2  }
0x75: {  	_ =	swait.ge @p1 [sflag:s15], $0x2000  }
0x76: {  	[sflag:s15] =	ssyncset.done @p1 $0x0  }
0x77: {  	s16 =	simm.s32 @p1 $0xBD00;
	[sflag:s15] =	ssyncadd.s32 @p1 $0xFFFFE000;
	s15 =	simm.s32 @p1 $0x4F00  }
0x78: {  	[spmem:s2] =	stream.indirect.scatter.add.f32 @p1 [tilespmem:s16], [sflag:$0x6], $0x40, s15, s5, $0xb8;
	[tilespmem:$0x1ED00] =	vst v63  }
0x79: {  	s16 =	simm.s32 @p1 $0x11D00  }
0x7a: {  	[spmem:s3] =	stream.indirect.scatter.add.f32 @p1 [tilespmem:s16], [sflag:$0x9], $0x10, s15, s5, $0xb8;
	[tilespmem:$0x1ED00] =	vst v63  }
0x7b: {  	s25 =	simm.s32 @!p1 $0x80;
	s5 =	simm.s32 @!p1 $0x4E80;
	s16 =	simm.s32 @!p1 $0x11D00  }
0x7c: {  	[spmem:s3] =	stream.indirect.scatter.add.f32 @!p1 [tilespmem:s16], [sflag:$0x9], $0x10, s5, s25, $0xb8;
	[tilespmem:$0x1ED00] =	vst v63  }
0x7d: {  	s15 =	simm.s32 @!p1 $0xFD00;
	s5 =	simm.s32 @!p1 $0x180  }
0x7e: {  	[tilespmem:s15], [sflag:$0x4] =	stream.indirect.gather @!p1 [hbm4b:s23+s25], $0x40, s5, s25, $0xb8;
	[tilespmem:$0x1ED00] =	vst v63  }
0x7f: {  	s5 =	simm.s32 @!p1 $0x2  }
0x80: {  	_ =	swait.ge @!p1 [sflag:s5], $0x2000  }
0x81: {  	[sflag:s5] =	ssyncset.done @!p1 $0x0  }
0x82: {  	s15 =	simm.s32 @!p1 $0xBD00;
	[sflag:s5] =	ssyncadd.s32 @!p1 $0xFFFFE000;
	s5 =	simm.s32 @!p1 $0x4F00  }
0x83: {  	[spmem:s2] =	stream.indirect.scatter.add.f32 @!p1 [tilespmem:s15], [sflag:$0x6], $0x40, s5, s25, $0xb8;
	[tilespmem:$0x1ED00] =	vst v63  }
0x84: {  	_ =	swait.ge [sflag:s10], $0x2000  }
0x85: {  	[sflag:s10] =	ssyncset.done $0x0  }
0x86: {  	s17 =	simm.s32 $0x200;
	[sflag:s10] =	ssyncadd.s32 $0xFFFFE000  }
0x87: {  	[tilespmem:s7], [sflag:$0x1] =	stream.indirect.gather [hbm4b:s23+s29], $0x40, s17, s29, $0xb8;
	[tilespmem:$0x1ED00] =	vst v63  }
0x88: {  	_ =	swait.ge [sflag:s4], $0x2000  }
0x89: {  	[sflag:s4] =	ssyncset.done $0x0  }
0x8a: {  	s28 =	simm.s32 @!p1 $0x9;
	s5 =	simm.s32 $0x4F80;
	[sflag:s4] =	ssyncadd.s32 $0xFFFFE000  }
0x8b: {  	[spmem:s2] =	stream.indirect.scatter.add.f32 [tilespmem:s9], [sflag:$0x7], $0x40, s5, s29, $0xb8;
	[tilespmem:$0x1ED00] =	vst v63  }
0x8c: {  	_ =	swait.ge @!p1 [sflag:s28], $0x800  }
0x8d: {  	[sflag:s28] =	ssyncset.done @!p1 $0x0  }
0x8e: {  	[sflag:s28] =	ssyncadd.s32 @!p1 $0xFFFFF800  }
0x8f: {  	[spmem:s3] =	stream.indirect.scatter.add.f32 @!p1 [tilespmem:s16], [sflag:$0x9], $0x10, s5, s25, $0xb8;
	[tilespmem:$0x1ED00] =	vst v63  }
0x90: {  	_ =	swait.ge [sflag:s11], $0x2000  }
0x91: {  	[sflag:s11] =	ssyncset.done $0x0  }
0x92: {  	s19 =	simm.s32 $0x280;
	[sflag:s11] =	ssyncadd.s32 $0xFFFFE000  }
0x93: {  	[tilespmem:s8], [sflag:$0x2] =	stream.indirect.gather [hbm4b:s23+s29], $0x40, s19, s29, $0xb8;
	[tilespmem:$0x1ED00] =	vst v63  }
0x94: {  	_ =	swait.ge [sflag:s1], $0x2000  }
0x95: {  	[sflag:s1] =	ssyncset.done $0x0  }
0x96: {  	s5 =	simm.s32 @!p2 $0x9;
	s19 =	simm.s32 $0x5000;
	[sflag:s1] =	ssyncadd.s32 $0xFFFFE000  }
0x97: {  	[spmem:s2] =	stream.indirect.scatter.add.f32 [tilespmem:s12], [sflag:$0x8], $0x40, s19, s29, $0xb8;
	[tilespmem:$0x1ED00] =	vst v63  }
0x98: {  	_ =	swait.ge @!p2 [sflag:s5], $0x800  }
0x99: {  	[sflag:s5] =	ssyncset.done @!p2 $0x0  }
0x9a: {  	s15 =	simm.s32 @!p2 $0x11D00;
	s17 =	simm.s32 @!p2 $0x80;
	[sflag:s5] =	ssyncadd.s32 @!p2 $0xFFFFF800  }
0x9b: {  	[spmem:s3] =	stream.indirect.scatter.add.f32 @!p2 [tilespmem:s15], [sflag:$0x9], $0x10, s19, s17, $0xb8;
	[tilespmem:$0x1ED00] =	vst v63  }
0x9c: {  	_ =	swait.ge [sflag:s13], $0x2000  }
0x9d: {  	[sflag:s13] =	ssyncset.done $0x0  }
0x9e: {  	s20 =	simm.s32 $0x300;
	[sflag:s13] =	ssyncadd.s32 $0xFFFFE000  }
0x9f: {  	[tilespmem:s9], [sflag:$0x3] =	stream.indirect.gather [hbm4b:s23+s29], $0x40, s20, s29, $0xb8;
	[tilespmem:$0x1ED00] =	vst v63  }
0xa0: {  	_ =	swait.ge [sflag:s31], $0x2000  }
0xa1: {  	[sflag:s31] =	ssyncset.done $0x0  }
0xa2: {  	s19 =	simm.s32 $0x5080;
	[sflag:s31] =	ssyncadd.s32 $0xFFFFE000  }
0xa3: {  	[spmem:s2] =	stream.indirect.scatter.add.f32 [tilespmem:s7], [sflag:$0x5], $0x40, s19, s29, $0xb8;
	[tilespmem:$0x1ED00] =	vst v63  }
0xa4: {  	_ =	swait.ge @!p1 [sflag:s28], $0x800  }
0xa5: {  	[sflag:s28] =	ssyncset.done @!p1 $0x0  }
0xa6: {  	[sflag:s28] =	ssyncadd.s32 @!p1 $0xFFFFF800  }
0xa7: {  	[spmem:s3] =	stream.indirect.scatter.add.f32 @!p1 [tilespmem:s16], [sflag:$0x9], $0x10, s19, s25, $0xb8;
	[tilespmem:$0x1ED00] =	vst v63  }
0xa8: {  	_ =	swait.ge [sflag:s14], $0x2000  }
0xa9: {  	[sflag:s14] =	ssyncset.done $0x0  }
0xaa: {  	s21 =	simm.s32 $0x380;
	[sflag:s14] =	ssyncadd.s32 $0xFFFFE000  }
0xab: {  	[tilespmem:s12], [sflag:$0x4] =	stream.indirect.gather [hbm4b:s23+s29], $0x40, s21, s29, $0xb8;
	[tilespmem:$0x1ED00] =	vst v63  }
0xac: {  	_ =	swait.ge [sflag:s0], $0x2000  }
0xad: {  	[sflag:s0] =	ssyncset.done $0x0  }
0xae: {  	s20 =	simm.s32 $0x5100;
	[sflag:s0] =	ssyncadd.s32 $0xFFFFE000  }
0xaf: {  	[spmem:s2] =	stream.indirect.scatter.add.f32 [tilespmem:s8], [sflag:$0x6], $0x40, s20, s29, $0xb8;
	[tilespmem:$0x1ED00] =	vst v63  }
0xb0: {  	_ =	swait.ge @!p2 [sflag:s5], $0x800  }
0xb1: {  	[sflag:s5] =	ssyncset.done @!p2 $0x0  }
0xb2: {  	s19 =	simm.s32 $0x800;
	[sflag:s5] =	ssyncadd.s32 @!p2 $0xFFFFF800  }
.LBB2_2:
0xb3: {  	[spmem:s3] =	stream.indirect.scatter.add.f32 @!p2 [tilespmem:s15], [sflag:$0x9], $0x10, s20, s17, $0xb8;
	[tilespmem:$0x1ED00] =	vst v63  }
0xb4: {  	s20 =	smov.u32 s19;
	s19 =	sadd.s32 $0x800, s19;
	_ =	swait.ge [sflag:s10], $0x2000  }
0xb5: {  	s20 =	sshra.s32 s20, $0x2;
	p4 =	sne.s32 s19, $0x13000;
	[sflag:s10] =	ssyncset.done $0x0  }
0xb6: {  	s21 =	sadd.s32 $0x200, s20;
	[sflag:s10] =	ssyncadd.s32 $0xFFFFE000  }
0xb7: {  	[tilespmem:s7], [sflag:$0x1] =	stream.indirect.gather [hbm4b:s23+s29], $0x40, s21, s29, $0xb8;
	[tilespmem:$0x1ED00] =	vst v63  }
0xb8: {  	_ =	swait.ge [sflag:s4], $0x2000  }
0xb9: {  	[sflag:s4] =	ssyncset.done $0x0  }
0xba: {  	s21 =	sadd.s32 $0x4F80, s20;
	[sflag:s4] =	ssyncadd.s32 $0xFFFFE000  }
0xbb: {  	[spmem:s2] =	stream.indirect.scatter.add.f32 [tilespmem:s9], [sflag:$0x7], $0x40, s21, s29, $0xb8;
	[tilespmem:$0x1ED00] =	vst v63  }
0xbc: {  	_ =	swait.ge @!p1 [sflag:s28], $0x800  }
0xbd: {  	[sflag:s28] =	ssyncset.done @!p1 $0x0  }
0xbe: {  	[sflag:s28] =	ssyncadd.s32 @!p1 $0xFFFFF800  }
0xbf: {  	[spmem:s3] =	stream.indirect.scatter.add.f32 @!p1 [tilespmem:s16], [sflag:$0x9], $0x10, s21, s25, $0xb8;
	[tilespmem:$0x1ED00] =	vst v63  }
0xc0: {  	_ =	swait.ge [sflag:s11], $0x2000  }
0xc1: {  	[sflag:s11] =	ssyncset.done $0x0  }
0xc2: {  	s21 =	sadd.s32 $0x280, s20;
	[sflag:s11] =	ssyncadd.s32 $0xFFFFE000  }
0xc3: {  	[tilespmem:s8], [sflag:$0x2] =	stream.indirect.gather [hbm4b:s23+s29], $0x40, s21, s29, $0xb8;
	[tilespmem:$0x1ED00] =	vst v63  }
0xc4: {  	_ =	swait.ge [sflag:s1], $0x2000  }
0xc5: {  	[sflag:s1] =	ssyncset.done $0x0  }
0xc6: {  	s21 =	sadd.s32 $0x5000, s20;
	[sflag:s1] =	ssyncadd.s32 $0xFFFFE000  }
0xc7: {  	[spmem:s2] =	stream.indirect.scatter.add.f32 [tilespmem:s12], [sflag:$0x8], $0x40, s21, s29, $0xb8;
	[tilespmem:$0x1ED00] =	vst v63  }
0xc8: {  	_ =	swait.ge @!p2 [sflag:s5], $0x800  }
0xc9: {  	[sflag:s5] =	ssyncset.done @!p2 $0x0  }
0xca: {  	[sflag:s5] =	ssyncadd.s32 @!p2 $0xFFFFF800  }
0xcb: {  	[spmem:s3] =	stream.indirect.scatter.add.f32 @!p2 [tilespmem:s15], [sflag:$0x9], $0x10, s21, s17, $0xb8;
	[tilespmem:$0x1ED00] =	vst v63  }
0xcc: {  	_ =	swait.ge [sflag:s13], $0x2000  }
0xcd: {  	[sflag:s13] =	ssyncset.done $0x0  }
0xce: {  	s21 =	sadd.s32 $0x300, s20;
	[sflag:s13] =	ssyncadd.s32 $0xFFFFE000  }
0xcf: {  	[tilespmem:s9], [sflag:$0x3] =	stream.indirect.gather [hbm4b:s23+s29], $0x40, s21, s29, $0xb8;
	[tilespmem:$0x1ED00] =	vst v63  }
0xd0: {  	_ =	swait.ge [sflag:s31], $0x2000  }
0xd1: {  	[sflag:s31] =	ssyncset.done $0x0  }
0xd2: {  	s21 =	sadd.s32 $0x5080, s20;
	[sflag:s31] =	ssyncadd.s32 $0xFFFFE000  }
0xd3: {  	[spmem:s2] =	stream.indirect.scatter.add.f32 [tilespmem:s7], [sflag:$0x5], $0x40, s21, s29, $0xb8;
	[tilespmem:$0x1ED00] =	vst v63  }
0xd4: {  	_ =	swait.ge @!p1 [sflag:s28], $0x800  }
0xd5: {  	[sflag:s28] =	ssyncset.done @!p1 $0x0  }
0xd6: {  	[sflag:s28] =	ssyncadd.s32 @!p1 $0xFFFFF800  }
0xd7: {  	[spmem:s3] =	stream.indirect.scatter.add.f32 @!p1 [tilespmem:s16], [sflag:$0x9], $0x10, s21, s25, $0xb8;
	[tilespmem:$0x1ED00] =	vst v63  }
0xd8: {  	_ =	swait.ge [sflag:s14], $0x2000  }
0xd9: {  	[sflag:s14] =	ssyncset.done $0x0  }
0xda: {  	s21 =	sadd.s32 $0x380, s20;
	[sflag:s14] =	ssyncadd.s32 $0xFFFFE000  }
0xdb: {  	[tilespmem:s12], [sflag:$0x4] =	stream.indirect.gather [hbm4b:s23+s29], $0x40, s21, s29, $0xb8;
	[tilespmem:$0x1ED00] =	vst v63  }
0xdc: {  	_ =	swait.ge [sflag:s0], $0x2000  }
0xdd: {  	[sflag:s0] =	ssyncset.done $0x0  }
.Ltmp0:
0xde: {  	s20 =	sadd.s32 $0x5100, s20;
	[sflag:s0] =	ssyncadd.s32 $0xFFFFE000;
	(pc) =	sbr.rel @p4 .LBB2_2-.Ltmp0, $4  }
0xdf: {  	[spmem:s2] =	stream.indirect.scatter.add.f32 [tilespmem:s8], [sflag:$0x6], $0x40, s20, s29, $0xb8;
	[tilespmem:$0x1ED00] =	vst v63  }
0xe0: {  	_ =	swait.ge @!p2 [sflag:s5], $0x800  }
0xe1: {  	[sflag:s5] =	ssyncset.done @!p2 $0x0  }
0xe2: {  	[sflag:s5] =	ssyncadd.s32 @!p2 $0xFFFFF800  }
0xe3: {  	[spmem:s3] =	stream.indirect.scatter.add.f32 @!p2 [tilespmem:s15], [sflag:$0x9], $0x10, s20, s17, $0xb8;
	[tilespmem:$0x1ED00] =	vst v63  }
0xe4: {  	_ =	swait.ge [sflag:s4], $0x2000  }
0xe5: {  	[sflag:s4] =	ssyncset.done $0x0  }
0xe6: {  	s5 =	simm.s32 $0x9B80;
	[sflag:s4] =	ssyncadd.s32 $0xFFFFE000  }
0xe7: {  	[spmem:s2] =	stream.indirect.scatter.add.f32 [tilespmem:s9], [sflag:$0x7], $0x40, s5, s29, $0xb8;
	[tilespmem:$0x1ED00] =	vst v63  }
0xe8: {  	s5 =	simm.s32 @p1 $0x4  }
0xe9: {  	_ =	swait.ge @p1 [sflag:s5], $0x2000  }
0xea: {  	s15 =	simm.s32 @p1 $0x9C00;
	[sflag:s5] =	ssyncset.done @p1 $0x0  }
0xeb: {  	s16 =	simm.s32 @p1 $0xFD00;
	[sflag:s5] =	ssyncadd.s32 @p1 $0xFFFFE000;
	s5 =	simm.s32 @p1 $0x80  }
0xec: {  	[spmem:s2] =	stream.indirect.scatter.add.f32 @p1 [tilespmem:s16], [sflag:$0x8], $0x40, s15, s5, $0xb8;
	[tilespmem:$0x1ED00] =	vst v63  }
0xed: {  	s16 =	simm.s32 @p1 $0x9  }
0xee: {  	_ =	swait.ge @p1 [sflag:s16], $0x800  }
0xef: {  	[sflag:s16] =	ssyncset.done @p1 $0x0  }
0xf0: {  	[sflag:s16] =	ssyncadd.s32 @p1 $0xFFFFF800;
	s16 =	simm.s32 @p1 $0x11D00  }
0xf1: {  	[spmem:s3] =	stream.indirect.scatter.add.f32 @p1 [tilespmem:s16], [sflag:$0x9], $0x10, s15, s5, $0xb8;
	[tilespmem:$0x1ED00] =	vst v63  }
0xf2: {  	_ =	swait.ge @!p1 [sflag:s28], $0x800  }
0xf3: {  	s5 =	simm.s32 @!p1 $0x80;
	[sflag:s28] =	ssyncset.done @!p1 $0x0  }
0xf4: {  	s15 =	simm.s32 @!p1 $0x9B80;
	s16 =	simm.s32 @!p1 $0x11D00;
	[sflag:s28] =	ssyncadd.s32 @!p1 $0xFFFFF800  }
0xf5: {  	[spmem:s3] =	stream.indirect.scatter.add.f32 @!p1 [tilespmem:s16], [sflag:$0x9], $0x10, s15, s5, $0xb8;
	[tilespmem:$0x1ED00] =	vst v63  }
0xf6: {  	s15 =	simm.s32 @!p1 $0x4  }
0xf7: {  	_ =	swait.ge @!p1 [sflag:s15], $0x2000  }
0xf8: {  	[sflag:s15] =	ssyncset.done @!p1 $0x0  }
0xf9: {  	s16 =	simm.s32 @!p1 $0xFD00;
	[sflag:s15] =	ssyncadd.s32 @!p1 $0xFFFFE000;
	s15 =	simm.s32 @!p1 $0x9C00  }
0xfa: {  	[spmem:s2] =	stream.indirect.scatter.add.f32 @!p1 [tilespmem:s16], [sflag:$0x8], $0x40, s15, s5, $0xb8;
	[tilespmem:$0x1ED00] =	vst v63  }
0xfb: {  	_ =	swait.ge [sflag:s10], $0x2000  }
0xfc: {  	[sflag:s10] =	ssyncset.done $0x0  }
0xfd: {  	[sflag:s10] =	ssyncadd.s32 $0xFFFFE000  }
0xfe: {  	_ =	swait.ge [sflag:s11], $0x2000  }
0xff: {  	[sflag:s11] =	ssyncset.done $0x0  }
0x100: {  	[sflag:s11] =	ssyncadd.s32 $0xFFFFE000  }
0x101: {  	_ =	swait.ge [sflag:s13], $0x2000  }
0x102: {  	[sflag:s13] =	ssyncset.done $0x0  }
0x103: {  	[sflag:s13] =	ssyncadd.s32 $0xFFFFE000  }
0x104: {  	_ =	swait.ge [sflag:s14], $0x2000  }
0x105: {  	[sflag:s14] =	ssyncset.done $0x0  }
0x106: {  	s19 =	simm.s32 $0x9;
	[sflag:s14] =	ssyncadd.s32 $0xFFFFE000  }
0x107: {  	_ =	swait.ge [sflag:s19], $0x800  }
0x108: {  	s5 =	simm.s32 @!p0 $0x80;
	[sflag:s19] =	ssyncset.done $0x0  }
0x109: {  	s15 =	simm.s32 @!p0 $0x4E00;
	s16 =	simm.s32 @!p0 $0x9D00;
	[sflag:s19] =	ssyncadd.s32 $0xFFFFF800  }
0x10a: {  	[tilespmem:s16], [sflag:$0x1] =	stream.indirect.gather @!p0 [hbm4b:s23+s5], $0x40, s15, s5, $0xb8;
	[tilespmem:$0x1ED00] =	vst v63  }
0x10b: {  	s15 =	simm.s32 @!p0 $0x1  }
0x10c: {  	_ =	swait.ge @!p0 [sflag:s15], $0x2000  }
0x10d: {  	[sflag:s15] =	ssyncset.done @!p0 $0x0  }
0x10e: {  	[sflag:s15] =	ssyncadd.s32 @!p0 $0xFFFFE000;
	s15 =	simm.s32 @!p0 $0x9C80  }
0x10f: {  	[spmem:s2] =	stream.indirect.scatter.add.f32 @!p0 [tilespmem:s16], [sflag:$0x5], $0x40, s15, s5, $0xb8;
	[tilespmem:$0x1ED00] =	vst v63  }
0x110: {  	s5 =	simm.s32 @!p0 $0x5  }
0x111: {  	_ =	swait.ge @!p0 [sflag:s5], $0x2000  }
0x112: {  	s15 =	simm.s32 @!p3 $0x9C80;
	[sflag:s5] =	ssyncset.done @!p0 $0x0  }
0x113: {  	s16 =	simm.s32 @!p3 $0x11D00;
	[sflag:s5] =	ssyncadd.s32 @!p0 $0xFFFFE000;
	s5 =	simm.s32 @!p3 $0x80  }
0x114: {  	[spmem:s3] =	stream.indirect.scatter.add.f32 @!p3 [tilespmem:s16], [sflag:$0x9], $0x10, s15, s5, $0xb8;
	[tilespmem:$0x1ED00] =	vst v63  }
0x115: {  	s5 =	simm.s32 @!p3 $0x9  }
0x116: {  	_ =	swait.ge @!p3 [sflag:s5], $0x800  }
0x117: {  	[sflag:s5] =	ssyncset.done @!p3 $0x0  }
0x118: {  	[sflag:s5] =	ssyncadd.s32 @!p3 $0xFFFFF800  }
0x119: {  	[bflag:$0x0] =	sbarrier.arrive $0xFFFF  }
0x11a: {  	s16 =	rddreg [dreg:$0xd]  }
0x11b: {  	s21 =	rddreg [dreg:$0x7]  }
0x11c: {  	s25 =	simm.s32 $0x10;
	s19 =	rddreg [dreg:$0x18];
	s20 =	sor.u32 $0x1C05, s16  }
0x11d: {  	[hbm:s21@s25], [sflag:s20] =	dma.strided [spmem:s19@s14], $0x400, s31, $0x8   }
0x11e: {  	s15 =	rddreg [dreg:$0x8]  }
0x11f: {  	s19 =	rddreg [dreg:$0x19]  }
0x120: {  	[hbm:s15@s25], [sflag:s20] =	dma.strided [spmem:s19@s14], $0x400, s31, $0x8   }
0x121: {  	s15 =	rddreg [dreg:$0x9]  }
0x122: {  	s19 =	rddreg [dreg:$0x1a]  }
0x123: {  	[hbm:s15@s25], [sflag:s20] =	dma.strided [spmem:s19@s14], $0x400, s31, $0x8   }
0x124: {  	s15 =	rddreg [dreg:$0xa]  }
0x125: {  	[hbm:s15@s25], [sflag:s20] =	dma.strided [spmem:s22@s14], $0x400, s31, $0x8   }
0x126: {  	s15 =	rddreg [dreg:$0xb]  }
0x127: {  	[hbm:s15@s25], [sflag:s20] =	dma.strided [spmem:s30@s14], $0x400, s31, $0x8   }
0x128: {  	s28 =	sor.u32 $0x1C06, s16;
	s15 =	rddreg [dreg:$0x15]  }
0x129: {  	[hbm:s15], [sflag:s28] =	dma.local [spmem:s24], $0x500  }
0x12a: {  	_ =	swait.ge [sflag:s10], $0x400  }
0x12b: {  	[sflag:s10] =	ssyncset.done $0x0  }
0x12c: {  	[sflag:s10] =	ssyncadd.s32 $0xFFFFFC00  }
0x12d: {  	_ =	swait.ge [sflag:s10], $0x400  }
0x12e: {  	[sflag:s10] =	ssyncset.done $0x0  }
0x12f: {  	[sflag:s10] =	ssyncadd.s32 $0xFFFFFC00  }
0x130: {  	_ =	swait.ge [sflag:s10], $0x400  }
0x131: {  	[sflag:s10] =	ssyncset.done $0x0  }
0x132: {  	[sflag:s10] =	ssyncadd.s32 $0xFFFFFC00  }
0x133: {  	_ =	swait.ge [sflag:s10], $0x400  }
0x134: {  	[sflag:s10] =	ssyncset.done $0x0  }
0x135: {  	[sflag:s10] =	ssyncadd.s32 $0xFFFFFC00  }
0x136: {  	_ =	swait.ge [sflag:s10], $0x400  }
0x137: {  	[sflag:s10] =	ssyncset.done $0x0  }
0x138: {  	[sflag:s10] =	ssyncadd.s32 $0xFFFFFC00  }
0x139: {  	_ =	swait.ge [sflag:s11], $0x500  }
0x13a: {  	s18 =	sadd.s32 $0x1, s18;
	s30 =	rddreg [dreg:$0x16]  }
0x13b: {  	p4 =	sne.s32 s18, s30  }
.Ltmp1:
0x13c: {  	_ = 	snop;
	(pc) =	sbr.rel @p4 .LBB2_1-.Ltmp1, $3  }
0x13d: {  	_ =	sdelay $0x1  }
0x13e: {  	[sflag:s11] =	ssyncset.done $0x0  }
0x13f: {  	[sflag:s11] =	ssyncadd.s32 $0xFFFFFB00  }
0x140: {  	_ =	sfence.sel $0x180000  }
0x141: {  	[bflag:$0x0] =	sbarrier.arrive $0xFFFF  }
0x142: {  	_ =	strace $0x90000047  }
0x143: {  	s0 =	stileid.u32;
	[bflag:$0x2] =	sbarrier.arrive $0xFFFF  }
0x144: {  	p0 =	sne.s32 s0, $0x0;
	s0 =	rddreg [dreg:$0x4]  }
0x145: {  	s0 =	sadd.s32 @!p0 $0x100000, s0  }
0x146: {  	[sflag:s0] =	ssyncadd.tile.s32 @!p0 $0x1;
	_ =	shalt  }
.Lfunc_end2:
_tile_overlayer_lowered:
.L_overlay_start_2:
0x147: {  	(tag) =	ssettag $0x2  }
0x148: {  	s0 =	rddreg [dreg:$0x0];
	s2 =	stileid.u32  }
0x149: {  	s1 =	rddreg [dreg:$0x1];
	p0 =	sne.s32 s2, $0x0  }
0x14a: {  	s3 =	rddreg [dreg:$0x2];
	[bflag:$0x3] =	sbarrier.arrive $0xFFFF;
	s2 =	simm.s32 @!p0 $0x1C0A  }
0x14b: {  	[timem:s3], [sflag:s2] =	dma.local @!p0 [hbm:s0], s1  }
0x14c: {  	s0 =	simm.s32 @!p0 $0xA  }
0x14d: {  	_ =	swait.ge @!p0 [sflag:s0], s1  }
0x14e: {  	s1 =	ssub.s32 @!p0 $0x0, s1;
	[sflag:s0] =	ssyncset.done @!p0 $0x0  }
0x14f: {  	[sflag:s0] =	ssyncadd.s32 @!p0 s1  }
0x150: {  	[bflag:$0x3] =	sbarrier.arrive $0xFFFF  }
0x151: {  	_ =	shalt  }

</sc_bundles>
